<compile_context>
chip_gen: v7x
topology: tpu7x:2x2x1
jax: 0.10.2.dev20260603
libtpu: 0.0.44.dev20260713+nightly
codegen_flags: <defaults>
</compile_context>

<pallas_src>
import functools

import jax
import jax.numpy as jnp
from jax import lax
from jax.experimental import pallas as pl
from jax.experimental.pallas import tpu as pltpu
from jax.experimental.pallas import tpu_sc as plsc

N = 2_000_000
B = N // 128
CB = 25
NCHUNKS = B // CB
NW = 32
MAX_CHUNKS_PER_W = -(-NCHUNKS // NW)
CHUNK_F = CB * 512

RMIN = (-50.0, -50.0, -1.0)
VOX = (0.1, 0.1, 0.2)
GRID = (2000.0, 1000.0, 20.0)


def _trunc(t):
    return lax.convert_element_type(lax.convert_element_type(t, jnp.int32), jnp.float32)


def _compute_chunk(in_v, out_v):
    def blk(q, _):
        for j in range(8):
            xs = in_v[q, 0, pl.ds(j * 16, 16)]
            ys = in_v[q, 1, pl.ds(j * 16, 16)]
            zs = in_v[q, 2, pl.ds(j * 16, 16)]
            tx = xs * 10.0 + 500.0
            ty = ys * 10.0 + 500.0
            tz = zs * 5.0 + 5.0
            cx = _trunc(tx)
            cy = _trunc(ty)
            cz = _trunc(tz)
            valid = ((tx >= 0.0) & (tx < GRID[0])
                     & (ty >= 0.0) & (ty < GRID[1])
                     & (tz >= 0.0) & (tz < GRID[2]))
            out_v[q, 0, pl.ds(j * 16, 16)] = jnp.where(valid, cz, -1.0)
            out_v[q, 1, pl.ds(j * 16, 16)] = jnp.where(valid, cy, -1.0)
            out_v[q, 2, pl.ds(j * 16, 16)] = jnp.where(valid, cx, -1.0)
        return 0

    lax.fori_loop(0, CB, blk, 0)


def _body(pts_hbm, out_hbm, in0, in1, out0, out1, si0, si1, so0, so1):
    c = lax.axis_index("c")
    s = lax.axis_index("s")
    wid = s * 2 + c
    ins = (in0, in1)
    outs = (out0, out1)
    sis = (si0, si1)
    sos = (so0, so1)

    def in_copy(ci, b):
        return pltpu.make_async_copy(
            pts_hbm.at[pl.ds(ci * CB, CB)], ins[b], sis[b])

    def out_copy(ci, b):
        return pltpu.make_async_copy(
            outs[b], out_hbm.at[pl.ds(ci * CB, CB)], sos[b])

    in_copy(wid, 0).start()

    def pair(kk, _):
        for b in range(2):
            k2 = kk * 2 + b
            ci = wid + k2 * NW

            @pl.when(ci < NCHUNKS)
            def _(b=b, k2=k2, ci=ci):
                nci = ci + NW

                @pl.when(nci < NCHUNKS)
                def _():
                    in_copy(nci, 1 - b).start()

                in_copy(ci, b).wait()

                @pl.when(k2 >= 2)
                def _():
                    out_copy(ci, b).wait()

                _compute_chunk(ins[b], outs[b])
                out_copy(ci, b).start()

        return 0

    lax.fori_loop(0, MAX_CHUNKS_PER_W // 2, pair, 0)

    out_copy(wid, 0).wait()
    out_copy(wid, 1).wait()


@jax.jit
def kernel(pts):
    mesh = plsc.VectorSubcoreMesh(core_axis_name="c", subcore_axis_name="s")
    run = functools.partial(
        pl.kernel,
        mesh=mesh,
        out_type=jax.ShapeDtypeStruct((B, 4, 128), jnp.float32),
        scratch_types=[
            pltpu.VMEM((CB, 4, 128), jnp.float32),
            pltpu.VMEM((CB, 4, 128), jnp.float32),
            pltpu.VMEM((CB, 4, 128), jnp.float32),
            pltpu.VMEM((CB, 4, 128), jnp.float32),
            pltpu.SemaphoreType.DMA,
            pltpu.SemaphoreType.DMA,
            pltpu.SemaphoreType.DMA,
            pltpu.SemaphoreType.DMA,
        ],
        compiler_params=pltpu.CompilerParams(
            use_tc_tiling_on_sc=True,
        ),
    )(_body)
    blocked = pts.reshape(B, 128, 4).transpose(0, 2, 1)
    o = run(blocked)
    return o.transpose(0, 2, 1)[:, :, :3].reshape(N, 3)

# --- scband reference (transcript-rebuilt; emitter-appended) ---
"""Pipeline reference for scband-adaptive-voxelization-27023934226795 (READ-ONLY COPY).

The authoritative reference and input builder live on the scoring server;
editing this copy changes nothing except your own understanding.
"""

import jax, jax.numpy as jnp
import numpy as np

PC_RANGE = jnp.array([-50.0, -50.0, -1.0, 150.0, 50.0, 3.0], dtype=jnp.float32)
VOXEL_SIZE = jnp.array([0.1, 0.1, 0.2], dtype=jnp.float32)
RESOLUTION = 100
SCALING = 25.0
MODE = 'quadratic'
EXP_SCALING = 0.1
N_POINTS = 2000000


def calculate_voxel_centers():
    n_dim = 3
    axes = [jnp.linspace(PC_RANGE[i], PC_RANGE[i + n_dim], RESOLUTION) for i in range(n_dim)]
    grids = jnp.meshgrid(*axes, indexing='ij')
    voxel_centers = jnp.stack([g.flatten() for g in grids], axis=0)
    voxel_norms = jnp.linalg.norm(voxel_centers, axis=0)
    normalization_constant = jnp.max(jnp.abs(voxel_norms))
    if MODE == 'linear':
        scaling_function = jnp.abs(voxel_norms) / normalization_constant
    elif MODE == 'exponential':
        scaling_function = jnp.exp(jnp.abs(voxel_norms) * EXP_SCALING) / jnp.exp(normalization_constant * EXP_SCALING)
    elif MODE == 'quadratic':
        scaling_function = jnp.abs(voxel_norms) ** 2 / normalization_constant ** 2
    else:
        raise NotImplementedError()
    voxel_centers = voxel_centers * (jnp.ones_like(voxel_centers) + scaling_function * SCALING)
    mask = ((voxel_centers[0] >= PC_RANGE[0]) & (voxel_centers[0] <= PC_RANGE[3])
            & (voxel_centers[1] >= PC_RANGE[1]) & (voxel_centers[1] <= PC_RANGE[4])
            & (voxel_centers[2] >= PC_RANGE[2]) & (voxel_centers[2] <= PC_RANGE[5]))
    return jnp.where(mask[None, :], voxel_centers, 0.0)


def dynamic_voxelize(pts):
    # Bin each point into a voxel; out-of-range points get coordinate -1.
    rmin = PC_RANGE[:3]
    grid_size = jnp.round((PC_RANGE[3:] - PC_RANGE[:3]) / VOXEL_SIZE)
    c = jnp.floor((pts[:, :3] - rmin) / VOXEL_SIZE)
    valid = jnp.all((c >= 0.0) & (c < grid_size), axis=1, keepdims=True)
    coors = jnp.where(valid, c, -1.0)
    # mmcv dynamic_voxelize returns coordinates in reversed (z, y, x) order
    return coors[:, ::-1]


def setup_inputs(seed: int = 0) -> dict:
    key = jax.random.key(seed)
    pts = jax.random.uniform(key, (N_POINTS, 4), dtype=jnp.float32)
    return {"pts": pts}


def reference(pts):
    _centers = calculate_voxel_centers()  # computed in forward (adaptive voxel centers)
    coors = dynamic_voxelize(pts)
    return coors

if __name__ == "__main__":
    import jax
    _d = setup_inputs()
    print(jax.jit(kernel)(*tuple(_d.values())))

</pallas_src>

<mosaic_0001>
#map = affine_map<(d0, d1) -> (0, 0, 0)>
module attributes {stable_mosaic.version = 14 : i64} {
  func.func @_body(%arg0: i32, %arg1: i32, %arg2: memref<15625x4x128xf32, #tpu.memory_space<hbm>>, %arg3: memref<15625x4x128xf32, #tpu.memory_space<hbm>>, %arg4: memref<25x4x128xf32, #tpu.memory_space<vmem>>, %arg5: memref<25x4x128xf32, #tpu.memory_space<vmem>>, %arg6: memref<25x4x128xf32, #tpu.memory_space<vmem>>, %arg7: memref<25x4x128xf32, #tpu.memory_space<vmem>>, %arg8: memref<!tpu.dma_semaphore, #tpu.memory_space<semaphore_mem>>, %arg9: memref<!tpu.dma_semaphore, #tpu.memory_space<semaphore_mem>>, %arg10: memref<!tpu.dma_semaphore, #tpu.memory_space<semaphore_mem>>, %arg11: memref<!tpu.dma_semaphore, #tpu.memory_space<semaphore_mem>>) attributes {dimension_semantics = [#tpu.dimension_semantics<core_parallel>, #tpu.dimension_semantics<subcore_parallel>], iteration_bounds = array<i64: 2, 16>, scalar_prefetch = 0 : i64, scratch_operands = 8 : i64, tpu.core_type = #tpu.core_type<sc_vector_subcore>, window_params = [{transform_indices = #map}, {transform_indices = #map}]} {
    %mul3A = arith.constant 2 : i32
    %mul3A_0 = arith.muli %arg1, %mul3A : i32
    %add3A = arith.addi %mul3A_0, %arg0 : i32
    %mul3A_1 = arith.constant 25 : i32
    %mul3A_2 = arith.muli %add3A, %mul3A_1 : i32
    %dma_start3A = arith.constant 0 : i32
    %dma_start3A_3 = arith.constant 0 : i32
    %dma_start3A_4 = tpu.memref_slice %arg2[%mul3A_2, %dma_start3A, %dma_start3A_3] : memref<15625x4x128xf32, #tpu.memory_space<hbm>> -> memref<25x4x128xf32, #tpu.memory_space<hbm>>
    %dma_start3A_5 = arith.constant 0 : i32
    %dma_start3A_6 = arith.constant 0 : i32
    %dma_start3A_7 = tpu.memref_slice %arg2[%mul3A_2, %dma_start3A_5, %dma_start3A_6] : memref<15625x4x128xf32, #tpu.memory_space<hbm>> -> memref<25x4x128xf32, #tpu.memory_space<hbm>>
    tpu.enqueue_dma source(%dma_start3A_7 : memref<25x4x128xf32, #tpu.memory_space<hbm>>) target(%arg4 : memref<25x4x128xf32, #tpu.memory_space<vmem>>) target_semaphore(%arg8 : memref<!tpu.dma_semaphore, #tpu.memory_space<semaphore_mem>>)
    %scan3A = arith.constant 0 : i32
    %scan3A_8 = arith.constant 0 : i32
    %scan3A_9 = arith.constant 10 : i32
    %scan3A_10 = arith.addi %scan3A_8, %scan3A_9 : i32
    %scan3A_11 = arith.constant 1 : i32
    %scan3A_12 = scf.for %scan3A_29 = %scan3A_8 to %scan3A_10 step %scan3A_11 iter_args(%scan3A_30 = %scan3A) -> (i32)  : i32 {
      %mul3A_31 = arith.constant 2 : i32
      %mul3A_32 = arith.muli %scan3A_29, %mul3A_31 : i32
      %add3A_33 = arith.constant 0 : i32
      %add3A_34 = arith.addi %mul3A_32, %add3A_33 : i32
      %mul3A_35 = arith.constant 32 : i32
      %mul3A_36 = arith.muli %add3A_34, %mul3A_35 : i32
      %add3A_37 = arith.addi %add3A, %mul3A_36 : i32
      %lt3A = arith.constant 625 : i32
      %lt3A_38 = arith.cmpi slt, %add3A_37, %lt3A : i32
      %convert_element_type3A = arith.extui %lt3A_38 : i1 to i32
      %cond3A = arith.constant 0 : i32
      %cond3A_39 = arith.cmpi ne, %convert_element_type3A, %cond3A : i32
      scf.if %cond3A_39 {
        %add3A_53 = arith.constant 32 : i32
        %add3A_54 = arith.addi %add3A_37, %add3A_53 : i32
        %lt3A_55 = arith.constant 625 : i32
        %lt3A_56 = arith.cmpi slt, %add3A_54, %lt3A_55 : i32
        %convert_element_type3A_57 = arith.extui %lt3A_56 : i1 to i32
        %cond3A_58 = arith.constant 0 : i32
        %cond3A_59 = arith.cmpi ne, %convert_element_type3A_57, %cond3A_58 : i32
        scf.if %cond3A_59 {
          %mul3A_87 = arith.constant 25 : i32
          %mul3A_88 = arith.muli %add3A_54, %mul3A_87 : i32
          %dma_start3A_89 = arith.constant 0 : i32
          %dma_start3A_90 = arith.constant 0 : i32
          %dma_start3A_91 = tpu.memref_slice %arg2[%mul3A_88, %dma_start3A_89, %dma_start3A_90] : memref<15625x4x128xf32, #tpu.memory_space<hbm>> -> memref<25x4x128xf32, #tpu.memory_space<hbm>>
          %dma_start3A_92 = arith.constant 0 : i32
          %dma_start3A_93 = arith.constant 0 : i32
          %dma_start3A_94 = tpu.memref_slice %arg2[%mul3A_88, %dma_start3A_92, %dma_start3A_93] : memref<15625x4x128xf32, #tpu.memory_space<hbm>> -> memref<25x4x128xf32, #tpu.memory_space<hbm>>
          tpu.enqueue_dma source(%dma_start3A_94 : memref<25x4x128xf32, #tpu.memory_space<hbm>>) target(%arg5 : memref<25x4x128xf32, #tpu.memory_space<vmem>>) target_semaphore(%arg9 : memref<!tpu.dma_semaphore, #tpu.memory_space<semaphore_mem>>)
        } else {
        }
        %mul3A_60 = arith.constant 25 : i32
        %mul3A_61 = arith.muli %add3A_37, %mul3A_60 : i32
        %dma_wait3A_62 = arith.constant 0 : i32
        %dma_wait3A_63 = arith.constant 0 : i32
        %dma_wait3A_64 = tpu.memref_slice %arg2[%mul3A_61, %dma_wait3A_62, %dma_wait3A_63] : memref<15625x4x128xf32, #tpu.memory_space<hbm>> -> memref<25x4x128xf32, #tpu.memory_space<hbm>>
        %dma_wait3A_65 = arith.constant 0 : i32
        %dma_wait3A_66 = arith.constant 0 : i32
        %dma_wait3A_67 = tpu.memref_slice %arg2[%mul3A_61, %dma_wait3A_65, %dma_wait3A_66] : memref<15625x4x128xf32, #tpu.memory_space<hbm>> -> memref<25x4x128xf32, #tpu.memory_space<hbm>>
        tpu.wait_dma2 semaphore(%arg8 : memref<!tpu.dma_semaphore, #tpu.memory_space<semaphore_mem>>) src(%dma_wait3A_67 : memref<25x4x128xf32, #tpu.memory_space<hbm>>) dst(%arg4 : memref<25x4x128xf32, #tpu.memory_space<vmem>>)
        %ge3A = arith.constant 2 : i32
        %ge3A_68 = arith.cmpi sge, %add3A_34, %ge3A : i32
        %convert_element_type3A_69 = arith.extui %ge3A_68 : i1 to i32
        %cond3A_70 = arith.constant 0 : i32
        %cond3A_71 = arith.cmpi ne, %convert_element_type3A_69, %cond3A_70 : i32
        scf.if %cond3A_71 {
          %mul3A_87 = arith.constant 25 : i32
          %mul3A_88 = arith.muli %add3A_37, %mul3A_87 : i32
          %dma_wait3A_89 = arith.constant 0 : i32
          %dma_wait3A_90 = arith.constant 0 : i32
          %dma_wait3A_91 = tpu.memref_slice %arg3[%mul3A_88, %dma_wait3A_89, %dma_wait3A_90] : memref<15625x4x128xf32, #tpu.memory_space<hbm>> -> memref<25x4x128xf32, #tpu.memory_space<hbm>>
          %dma_wait3A_92 = arith.constant 0 : i32
          %dma_wait3A_93 = arith.constant 0 : i32
          %dma_wait3A_94 = tpu.memref_slice %arg3[%mul3A_88, %dma_wait3A_92, %dma_wait3A_93] : memref<15625x4x128xf32, #tpu.memory_space<hbm>> -> memref<25x4x128xf32, #tpu.memory_space<hbm>>
          tpu.wait_dma2 semaphore(%arg10 : memref<!tpu.dma_semaphore, #tpu.memory_space<semaphore_mem>>) src(%arg6 : memref<25x4x128xf32, #tpu.memory_space<vmem>>) dst(%dma_wait3A_94 : memref<25x4x128xf32, #tpu.memory_space<hbm>>)
        } else {
        }
        %scan3A_72 = arith.constant 0 : i32
        %scan3A_73 = arith.constant 0 : i32
        %scan3A_74 = arith.constant 25 : i32
        %scan3A_75 = arith.addi %scan3A_73, %scan3A_74 : i32
        %scan3A_76 = arith.constant 1 : i32
        %scan3A_77 = scf.for %scan3A_87 = %scan3A_73 to %scan3A_75 step %scan3A_76 iter_args(%scan3A_88 = %scan3A_72) -> (i32)  : i32 {
          %get3A = arith.constant 0 : i32
          %get3A_89 = arith.index_cast %scan3A_87 : i32 to index
          %get3A_90 = arith.index_cast %get3A : i32 to index
          %get3A_91 = arith.constant 0 : index
          %get3A_92 = tpu.vector_load %arg4[%get3A_89, %get3A_90, %get3A_91] {strides = array<i32>} : memref<25x4x128xf32, #tpu.memory_space<vmem>>, vector<1x1x16xf32>,
          %get3A_93 = vector.shape_cast %get3A_92 : vector<1x1x16xf32> to vector<16xf32>
          %get3A_94 = arith.constant 1 : i32
          %get3A_95 = arith.index_cast %scan3A_87 : i32 to index
          %get3A_96 = arith.index_cast %get3A_94 : i32 to index
          %get3A_97 = arith.constant 0 : index
          %get3A_98 = tpu.vector_load %arg4[%get3A_95, %get3A_96, %get3A_97] {strides = array<i32>} : memref<25x4x128xf32, #tpu.memory_space<vmem>>, vector<1x1x16xf32>,
          %get3A_99 = vector.shape_cast %get3A_98 : vector<1x1x16xf32> to vector<16xf32>
          %get3A_100 = arith.constant 2 : i32
          %get3A_101 = arith.index_cast %scan3A_87 : i32 to index
          %get3A_102 = arith.index_cast %get3A_100 : i32 to index
          %get3A_103 = arith.constant 0 : index
          %get3A_104 = tpu.vector_load %arg4[%get3A_101, %get3A_102, %get3A_103] {strides = array<i32>} : memref<25x4x128xf32, #tpu.memory_space<vmem>>, vector<1x1x16xf32>,
          %get3A_105 = vector.shape_cast %get3A_104 : vector<1x1x16xf32> to vector<16xf32>
          %mul3A_106 = arith.constant 1.000000e+01 : f32
          %mul3A_107 = vector.broadcast %mul3A_106 : f32 to vector<16xf32>
          %mul3A_108 = arith.mulf %get3A_93, %mul3A_107 : vector<16xf32>
          %add3A_109 = arith.constant 5.000000e+02 : f32
          %add3A_110 = vector.broadcast %add3A_109 : f32 to vector<16xf32>
          %add3A_111 = arith.addf %mul3A_108, %add3A_110 : vector<16xf32>
          %mul3A_112 = arith.constant 1.000000e+01 : f32
          %mul3A_113 = vector.broadcast %mul3A_112 : f32 to vector<16xf32>
          %mul3A_114 = arith.mulf %get3A_99, %mul3A_113 : vector<16xf32>
          %add3A_115 = arith.constant 5.000000e+02 : f32
          %add3A_116 = vector.broadcast %add3A_115 : f32 to vector<16xf32>
          %add3A_117 = arith.addf %mul3A_114, %add3A_116 : vector<16xf32>
          %mul3A_118 = arith.constant 5.000000e+00 : f32
          %mul3A_119 = vector.broadcast %mul3A_118 : f32 to vector<16xf32>
          %mul3A_120 = arith.mulf %get3A_105, %mul3A_119 : vector<16xf32>
          %add3A_121 = arith.constant 5.000000e+00 : f32
          %add3A_122 = vector.broadcast %add3A_121 : f32 to vector<16xf32>
          %add3A_123 = arith.addf %mul3A_120, %add3A_122 : vector<16xf32>
          %convert_element_type3A_124 = arith.fptosi %add3A_111 : vector<16xf32> to vector<16xi32>
          %convert_element_type3A_125 = arith.sitofp %convert_element_type3A_124 : vector<16xi32> to vector<16xf32>
          %convert_element_type3A_126 = arith.fptosi %add3A_117 : vector<16xf32> to vector<16xi32>
          %convert_element_type3A_127 = arith.sitofp %convert_element_type3A_126 : vector<16xi32> to vector<16xf32>
          %convert_element_type3A_128 = arith.fptosi %add3A_123 : vector<16xf32> to vector<16xi32>
          %convert_element_type3A_129 = arith.sitofp %convert_element_type3A_128 : vector<16xi32> to vector<16xf32>
          %ge3A_130 = arith.constant 0.000000e+00 : f32
          %ge3A_131 = vector.broadcast %ge3A_130 : f32 to vector<16xf32>
          %ge3A_132 = arith.cmpf oge, %add3A_111, %ge3A_131 : vector<16xf32>
          %lt3A_133 = arith.constant 2.000000e+03 : f32
          %lt3A_134 = vector.broadcast %lt3A_133 : f32 to vector<16xf32>
          %lt3A_135 = arith.cmpf olt, %add3A_111, %lt3A_134 : vector<16xf32>
          %and3A = arith.andi %ge3A_132, %lt3A_135 : vector<16xi1>
          %ge3A_136 = arith.constant 0.000000e+00 : f32
          %ge3A_137 = vector.broadcast %ge3A_136 : f32 to vector<16xf32>
          %ge3A_138 = arith.cmpf oge, %add3A_117, %ge3A_137 : vector<16xf32>
          %and3A_139 = arith.andi %and3A, %ge3A_138 : vector<16xi1>
          %lt3A_140 = arith.constant 1.000000e+03 : f32
          %lt3A_141 = vector.broadcast %lt3A_140 : f32 to vector<16xf32>
          %lt3A_142 = arith.cmpf olt, %add3A_117, %lt3A_141 : vector<16xf32>
          %and3A_143 = arith.andi %and3A_139, %lt3A_142 : vector<16xi1>
          %ge3A_144 = arith.constant 0.000000e+00 : f32
          %ge3A_145 = vector.broadcast %ge3A_144 : f32 to vector<16xf32>
          %ge3A_146 = arith.cmpf oge, %add3A_123, %ge3A_145 : vector<16xf32>
          %and3A_147 = arith.andi %and3A_143, %ge3A_146 : vector<16xi1>
          %lt3A_148 = arith.constant 2.000000e+01 : f32
          %lt3A_149 = vector.broadcast %lt3A_148 : f32 to vector<16xf32>
          %lt3A_150 = arith.cmpf olt, %add3A_123, %lt3A_149 : vector<16xf32>
          %and3A_151 = arith.andi %and3A_147, %lt3A_150 : vector<16xi1>
          %jit3A = arith.constant -1.000000e+00 : f32
          %broadcast_in_dim3A = vector.broadcast %jit3A : f32 to vector<16xf32>
          %select_n3A = arith.select %and3A_151, %convert_element_type3A_129, %broadcast_in_dim3A : vector<16xi1>, vector<16xf32>
          %swap3A = arith.constant 0 : i32
          %swap3A_152 = arith.index_cast %scan3A_87 : i32 to index
          %swap3A_153 = arith.index_cast %swap3A : i32 to index
          %swap3A_154 = arith.constant 0 : index
          %swap3A_155 = tpu.vector_load %arg6[%swap3A_152, %swap3A_153, %swap3A_154] {strides = array<i32>} : memref<25x4x128xf32, #tpu.memory_space<vmem>>, vector<1x1x16xf32>,
          %swap3A_156 = vector.shape_cast %swap3A_155 : vector<1x1x16xf32> to vector<16xf32>
          %swap3A_157 = vector.shape_cast %select_n3A : vector<16xf32> to vector<1x1x16xf32>
          tpu.vector_store %arg6[%swap3A_152, %swap3A_153, %swap3A_154], %swap3A_157 {strides = array<i32>} : memref<25x4x128xf32, #tpu.memory_space<vmem>>, vector<1x1x16xf32>,
          %jit3A_158 = arith.constant -1.000000e+00 : f32
          %broadcast_in_dim3A_159 = vector.broadcast %jit3A_158 : f32 to vector<16xf32>
          %select_n3A_160 = arith.select %and3A_151, %convert_element_type3A_127, %broadcast_in_dim3A_159 : vector<16xi1>, vector<16xf32>
          %swap3A_161 = arith.constant 1 : i32
          %swap3A_162 = arith.index_cast %scan3A_87 : i32 to index
          %swap3A_163 = arith.index_cast %swap3A_161 : i32 to index
          %swap3A_164 = arith.constant 0 : index
          %swap3A_165 = tpu.vector_load %arg6[%swap3A_162, %swap3A_163, %swap3A_164] {strides = array<i32>} : memref<25x4x128xf32, #tpu.memory_space<vmem>>, vector<1x1x16xf32>,
          %swap3A_166 = vector.shape_cast %swap3A_165 : vector<1x1x16xf32> to vector<16xf32>
          %swap3A_167 = vector.shape_cast %select_n3A_160 : vector<16xf32> to vector<1x1x16xf32>
          tpu.vector_store %arg6[%swap3A_162, %swap3A_163, %swap3A_164], %swap3A_167 {strides = array<i32>} : memref<25x4x128xf32, #tpu.memory_space<vmem>>, vector<1x1x16xf32>,
          %jit3A_168 = arith.constant -1.000000e+00 : f32
          %broadcast_in_dim3A_169 = vector.broadcast %jit3A_168 : f32 to vector<16xf32>
          %select_n3A_170 = arith.select %and3A_151, %convert_element_type3A_125, %broadcast_in_dim3A_169 : vector<16xi1>, vector<16xf32>
          %swap3A_171 = arith.constant 2 : i32
          %swap3A_172 = arith.index_cast %scan3A_87 : i32 to index
          %swap3A_173 = arith.index_cast %swap3A_171 : i32 to index
          %swap3A_174 = arith.constant 0 : index
          %swap3A_175 = tpu.vector_load %arg6[%swap3A_172, %swap3A_173, %swap3A_174] {strides = array<i32>} : memref<25x4x128xf32, #tpu.memory_space<vmem>>, vector<1x1x16xf32>,
          %swap3A_176 = vector.shape_cast %swap3A_175 : vector<1x1x16xf32> to vector<16xf32>
          %swap3A_177 = vector.shape_cast %select_n3A_170 : vector<16xf32> to vector<1x1x16xf32>
          tpu.vector_store %arg6[%swap3A_172, %swap3A_173, %swap3A_174], %swap3A_177 {strides = array<i32>} : memref<25x4x128xf32, #tpu.memory_space<vmem>>, vector<1x1x16xf32>,
          %get3A_178 = arith.constant 0 : i32
          %get3A_179 = arith.index_cast %scan3A_87 : i32 to index
          %get3A_180 = arith.index_cast %get3A_178 : i32 to index
          %get3A_181 = arith.constant 16 : index
          %get3A_182 = tpu.vector_load %arg4[%get3A_179, %get3A_180, %get3A_181] {strides = array<i32>} : memref<25x4x128xf32, #tpu.memory_space<vmem>>, vector<1x1x16xf32>,
          %get3A_183 = vector.shape_cast %get3A_182 : vector<1x1x16xf32> to vector<16xf32>
          %get3A_184 = arith.constant 1 : i32
          %get3A_185 = arith.index_cast %scan3A_87 : i32 to index
          %get3A_186 = arith.index_cast %get3A_184 : i32 to index
          %get3A_187 = arith.constant 16 : index
          %get3A_188 = tpu.vector_load %arg4[%get3A_185, %get3A_186, %get3A_187] {strides = array<i32>} : memref<25x4x128xf32, #tpu.memory_space<vmem>>, vector<1x1x16xf32>,
          %get3A_189 = vector.shape_cast %get3A_188 : vector<1x1x16xf32> to vector<16xf32>
          %get3A_190 = arith.constant 2 : i32
          %get3A_191 = arith.index_cast %scan3A_87 : i32 to index
          %get3A_192 = arith.index_cast %get3A_190 : i32 to index
          %get3A_193 = arith.constant 16 : index
          %get3A_194 = tpu.vector_load %arg4[%get3A_191, %get3A_192, %get3A_193] {strides = array<i32>} : memref<25x4x128xf32, #tpu.memory_space<vmem>>, vector<1x1x16xf32>,
          %get3A_195 = vector.shape_cast %get3A_194 : vector<1x1x16xf32> to vector<16xf32>
          %mul3A_196 = arith.constant 1.000000e+01 : f32
          %mul3A_197 = vector.broadcast %mul3A_196 : f32 to vector<16xf32>
          %mul3A_198 = arith.mulf %get3A_183, %mul3A_197 : vector<16xf32>
          %add3A_199 = arith.constant 5.000000e+02 : f32
          %add3A_200 = vector.broadcast %add3A_199 : f32 to vector<16xf32>
          %add3A_201 = arith.addf %mul3A_198, %add3A_200 : vector<16xf32>
          %mul3A_202 = arith.constant 1.000000e+01 : f32
          %mul3A_203 = vector.broadcast %mul3A_202 : f32 to vector<16xf32>
          %mul3A_204 = arith.mulf %get3A_189, %mul3A_203 : vector<16xf32>
          %add3A_205 = arith.constant 5.000000e+02 : f32
          %add3A_206 = vector.broadcast %add3A_205 : f32 to vector<16xf32>
          %add3A_207 = arith.addf %mul3A_204, %add3A_206 : vector<16xf32>
          %mul3A_208 = arith.constant 5.000000e+00 : f32
          %mul3A_209 = vector.broadcast %mul3A_208 : f32 to vector<16xf32>
          %mul3A_210 = arith.mulf %get3A_195, %mul3A_209 : vector<16xf32>
          %add3A_211 = arith.constant 5.000000e+00 : f32
          %add3A_212 = vector.broadcast %add3A_211 : f32 to vector<16xf32>
          %add3A_213 = arith.addf %mul3A_210, %add3A_212 : vector<16xf32>
          %convert_element_type3A_214 = arith.fptosi %add3A_201 : vector<16xf32> to vector<16xi32>
          %convert_element_type3A_215 = arith.sitofp %convert_element_type3A_214 : vector<16xi32> to vector<16xf32>
          %convert_element_type3A_216 = arith.fptosi %add3A_207 : vector<16xf32> to vector<16xi32>
          %convert_element_type3A_217 = arith.sitofp %convert_element_type3A_216 : vector<16xi32> to vector<16xf32>
          %convert_element_type3A_218 = arith.fptosi %add3A_213 : vector<16xf32> to vector<16xi32>
          %convert_element_type3A_219 = arith.sitofp %convert_element_type3A_218 : vector<16xi32> to vector<16xf32>
          %ge3A_220 = arith.constant 0.000000e+00 : f32
          %ge3A_221 = vector.broadcast %ge3A_220 : f32 to vector<16xf32>
          %ge3A_222 = arith.cmpf oge, %add3A_201, %ge3A_221 : vector<16xf32>
          %lt3A_223 = arith.constant 2.000000e+03 : f32
          %lt3A_224 = vector.broadcast %lt3A_223 : f32 to vector<16xf32>
          %lt3A_225 = arith.cmpf olt, %add3A_201, %lt3A_224 : vector<16xf32>
          %and3A_226 = arith.andi %ge3A_222, %lt3A_225 : vector<16xi1>
          %ge3A_227 = arith.constant 0.000000e+00 : f32
          %ge3A_228 = vector.broadcast %ge3A_227 : f32 to vector<16xf32>
          %ge3A_229 = arith.cmpf oge, %add3A_207, %ge3A_228 : vector<16xf32>
          %and3A_230 = arith.andi %and3A_226, %ge3A_229 : vector<16xi1>
          %lt3A_231 = arith.constant 1.000000e+03 : f32
          %lt3A_232 = vector.broadcast %lt3A_231 : f32 to vector<16xf32>
          %lt3A_233 = arith.cmpf olt, %add3A_207, %lt3A_232 : vector<16xf32>
          %and3A_234 = arith.andi %and3A_230, %lt3A_233 : vector<16xi1>
          %ge3A_235 = arith.constant 0.000000e+00 : f32
          %ge3A_236 = vector.broadcast %ge3A_235 : f32 to vector<16xf32>
          %ge3A_237 = arith.cmpf oge, %add3A_213, %ge3A_236 : vector<16xf32>
          %and3A_238 = arith.andi %and3A_234, %ge3A_237 : vector<16xi1>
          %lt3A_239 = arith.constant 2.000000e+01 : f32
          %lt3A_240 = vector.broadcast %lt3A_239 : f32 to vector<16xf32>
          %lt3A_241 = arith.cmpf olt, %add3A_213, %lt3A_240 : vector<16xf32>
          %and3A_242 = arith.andi %and3A_238, %lt3A_241 : vector<16xi1>
          %jit3A_243 = arith.constant -1.000000e+00 : f32
          %broadcast_in_dim3A_244 = vector.broadcast %jit3A_243 : f32 to vector<16xf32>
          %select_n3A_245 = arith.select %and3A_242, %convert_element_type3A_219, %broadcast_in_dim3A_244 : vector<16xi1>, vector<16xf32>
          %swap3A_246 = arith.constant 0 : i32
          %swap3A_247 = arith.index_cast %scan3A_87 : i32 to index
          %swap3A_248 = arith.index_cast %swap3A_246 : i32 to index
          %swap3A_249 = arith.constant 16 : index
          %swap3A_250 = tpu.vector_load %arg6[%swap3A_247, %swap3A_248, %swap3A_249] {strides = array<i32>} : memref<25x4x128xf32, #tpu.memory_space<vmem>>, vector<1x1x16xf32>,
          %swap3A_251 = vector.shape_cast %swap3A_250 : vector<1x1x16xf32> to vector<16xf32>
          %swap3A_252 = vector.shape_cast %select_n3A_245 : vector<16xf32> to vector<1x1x16xf32>
          tpu.vector_store %arg6[%swap3A_247, %swap3A_248, %swap3A_249], %swap3A_252 {strides = array<i32>} : memref<25x4x128xf32, #tpu.memory_space<vmem>>, vector<1x1x16xf32>,
          %jit3A_253 = arith.constant -1.000000e+00 : f32
          %broadcast_in_dim3A_254 = vector.broadcast %jit3A_253 : f32 to vector<16xf32>
          %select_n3A_255 = arith.select %and3A_242, %convert_element_type3A_217, %broadcast_in_dim3A_254 : vector<16xi1>, vector<16xf32>
          %swap3A_256 = arith.constant 1 : i32
          %swap3A_257 = arith.index_cast %scan3A_87 : i32 to index
          %swap3A_258 = arith.index_cast %swap3A_256 : i32 to index
          %swap3A_259 = arith.constant 16 : index
          %swap3A_260 = tpu.vector_load %arg6[%swap3A_257, %swap3A_258, %swap3A_259] {strides = array<i32>} : memref<25x4x128xf32, #tpu.memory_space<vmem>>, vector<1x1x16xf32>,
          %swap3A_261 = vector.shape_cast %swap3A_260 : vector<1x1x16xf32> to vector<16xf32>
          %swap3A_262 = vector.shape_cast %select_n3A_255 : vector<16xf32> to vector<1x1x16xf32>
          tpu.vector_store %arg6[%swap3A_257, %swap3A_258, %swap3A_259], %swap3A_262 {strides = array<i32>} : memref<25x4x128xf32, #tpu.memory_space<vmem>>, vector<1x1x16xf32>,
          %jit3A_263 = arith.constant -1.000000e+00 : f32
          %broadcast_in_dim3A_264 = vector.broadcast %jit3A_263 : f32 to vector<16xf32>
          %select_n3A_265 = arith.select %and3A_242, %convert_element_type3A_215, %broadcast_in_dim3A_264 : vector<16xi1>, vector<16xf32>
          %swap3A_266 = arith.constant 2 : i32
          %swap3A_267 = arith.index_cast %scan3A_87 : i32 to index
          %swap3A_268 = arith.index_cast %swap3A_266 : i32 to index
          %swap3A_269 = arith.constant 16 : index
          %swap3A_270 = tpu.vector_load %arg6[%swap3A_267, %swap3A_268, %swap3A_269] {strides = array<i32>} : memref<25x4x128xf32, #tpu.memory_space<vmem>>, vector<1x1x16xf32>,
          %swap3A_271 = vector.shape_cast %swap3A_270 : vector<1x1x16xf32> to vector<16xf32>
          %swap3A_272 = vector.shape_cast %select_n3A_265 : vector<16xf32> to vector<1x1x16xf32>
          tpu.vector_store %arg6[%swap3A_267, %swap3A_268, %swap3A_269], %swap3A_272 {strides = array<i32>} : memref<25x4x128xf32, #tpu.memory_space<vmem>>, vector<1x1x16xf32>,
          %get3A_273 = arith.constant 0 : i32
          %get3A_274 = arith.index_cast %scan3A_87 : i32 to index
          %get3A_275 = arith.index_cast %get3A_273 : i32 to index
          %get3A_276 = arith.constant 32 : index
          %get3A_277 = tpu.vector_load %arg4[%get3A_274, %get3A_275, %get3A_276] {strides = array<i32>} : memref<25x4x128xf32, #tpu.memory_space<vmem>>, vector<1x1x16xf32>,
          %get3A_278 = vector.shape_cast %get3A_277 : vector<1x1x16xf32> to vector<16xf32>
          %get3A_279 = arith.constant 1 : i32
          %get3A_280 = arith.index_cast %scan3A_87 : i32 to index
          %get3A_281 = arith.index_cast %get3A_279 : i32 to index
          %get3A_282 = arith.constant 32 : index
          %get3A_283 = tpu.vector_load %arg4[%get3A_280, %get3A_281, %get3A_282] {strides = array<i32>} : memref<25x4x128xf32, #tpu.memory_space<vmem>>, vector<1x1x16xf32>,
          %get3A_284 = vector.shape_cast %get3A_283 : vector<1x1x16xf32> to vector<16xf32>
          %get3A_285 = arith.constant 2 : i32
          %get3A_286 = arith.index_cast %scan3A_87 : i32 to index
          %get3A_287 = arith.index_cast %get3A_285 : i32 to index
          %get3A_288 = arith.constant 32 : index
          %get3A_289 = tpu.vector_load %arg4[%get3A_286, %get3A_287, %get3A_288] {strides = array<i32>} : memref<25x4x128xf32, #tpu.memory_space<vmem>>, vector<1x1x16xf32>,
          %get3A_290 = vector.shape_cast %get3A_289 : vector<1x1x16xf32> to vector<16xf32>
          %mul3A_291 = arith.constant 1.000000e+01 : f32
          %mul3A_292 = vector.broadcast %mul3A_291 : f32 to vector<16xf32>
          %mul3A_293 = arith.mulf %get3A_278, %mul3A_292 : vector<16xf32>
          %add3A_294 = arith.constant 5.000000e+02 : f32
          %add3A_295 = vector.broadcast %add3A_294 : f32 to vector<16xf32>
          %add3A_296 = arith.addf %mul3A_293, %add3A_295 : vector<16xf32>
          %mul3A_297 = arith.constant 1.000000e+01 : f32
          %mul3A_298 = vector.broadcast %mul3A_297 : f32 to vector<16xf32>
          %mul3A_299 = arith.mulf %get3A_284, %mul3A_298 : vector<16xf32>
          %add3A_300 = arith.constant 5.000000e+02 : f32
          %add3A_301 = vector.broadcast %add3A_300 : f32 to vector<16xf32>
          %add3A_302 = arith.addf %mul3A_299, %add3A_301 : vector<16xf32>
          %mul3A_303 = arith.constant 5.000000e+00 : f32
          %mul3A_304 = vector.broadcast %mul3A_303 : f32 to vector<16xf32>
          %mul3A_305 = arith.mulf %get3A_290, %mul3A_304 : vector<16xf32>
          %add3A_306 = arith.constant 5.000000e+00 : f32
          %add3A_307 = vector.broadcast %add3A_306 : f32 to vector<16xf32>
          %add3A_308 = arith.addf %mul3A_305, %add3A_307 : vector<16xf32>
          %convert_element_type3A_309 = arith.fptosi %add3A_296 : vector<16xf32> to vector<16xi32>
          %convert_element_type3A_310 = arith.sitofp %convert_element_type3A_309 : vector<16xi32> to vector<16xf32>
          %convert_element_type3A_311 = arith.fptosi %add3A_302 : vector<16xf32> to vector<16xi32>
          %convert_element_type3A_312 = arith.sitofp %convert_element_type3A_311 : vector<16xi32> to vector<16xf32>
          %convert_element_type3A_313 = arith.fptosi %add3A_308 : vector<16xf32> to vector<16xi32>
          %convert_element_type3A_314 = arith.sitofp %convert_element_type3A_313 : vector<16xi32> to vector<16xf32>
          %ge3A_315 = arith.constant 0.000000e+00 : f32
          %ge3A_316 = vector.broadcast %ge3A_315 : f32 to vector<16xf32>
          %ge3A_317 = arith.cmpf oge, %add3A_296, %ge3A_316 : vector<16xf32>
          %lt3A_318 = arith.constant 2.000000e+03 : f32
          %lt3A_319 = vector.broadcast %lt3A_318 : f32 to vector<16xf32>
          %lt3A_320 = arith.cmpf olt, %add3A_296, %lt3A_319 : vector<16xf32>
          %and3A_321 = arith.andi %ge3A_317, %lt3A_320 : vector<16xi1>
          %ge3A_322 = arith.constant 0.000000e+00 : f32
          %ge3A_323 = vector.broadcast %ge3A_322 : f32 to vector<16xf32>
          %ge3A_324 = arith.cmpf oge, %add3A_302, %ge3A_323 : vector<16xf32>
          %and3A_325 = arith.andi %and3A_321, %ge3A_324 : vector<16xi1>
          %lt3A_326 = arith.constant 1.000000e+03 : f32
          %lt3A_327 = vector.broadcast %lt3A_326 : f32 to vector<16xf32>
          %lt3A_328 = arith.cmpf olt, %add3A_302, %lt3A_327 : vector<16xf32>
          %and3A_329 = arith.andi %and3A_325, %lt3A_328 : vector<16xi1>
          %ge3A_330 = arith.constant 0.000000e+00 : f32
          %ge3A_331 = vector.broadcast %ge3A_330 : f32 to vector<16xf32>
          %ge3A_332 = arith.cmpf oge, %add3A_308, %ge3A_331 : vector<16xf32>
          %and3A_333 = arith.andi %and3A_329, %ge3A_332 : vector<16xi1>
          %lt3A_334 = arith.constant 2.000000e+01 : f32
          %lt3A_335 = vector.broadcast %lt3A_334 : f32 to vector<16xf32>
          %lt3A_336 = arith.cmpf olt, %add3A_308, %lt3A_335 : vector<16xf32>
          %and3A_337 = arith.andi %and3A_333, %lt3A_336 : vector<16xi1>
          %jit3A_338 = arith.constant -1.000000e+00 : f32
          %broadcast_in_dim3A_339 = vector.broadcast %jit3A_338 : f32 to vector<16xf32>
          %select_n3A_340 = arith.select %and3A_337, %convert_element_type3A_314, %broadcast_in_dim3A_339 : vector<16xi1>, vector<16xf32>
          %swap3A_341 = arith.constant 0 : i32
          %swap3A_342 = arith.index_cast %scan3A_87 : i32 to index
          %swap3A_343 = arith.index_cast %swap3A_341 : i32 to index
          %swap3A_344 = arith.constant 32 : index
          %swap3A_345 = tpu.vector_load %arg6[%swap3A_342, %swap3A_343, %swap3A_344] {strides = array<i32>} : memref<25x4x128xf32, #tpu.memory_space<vmem>>, vector<1x1x16xf32>,
          %swap3A_346 = vector.shape_cast %swap3A_345 : vector<1x1x16xf32> to vector<16xf32>
          %swap3A_347 = vector.shape_cast %select_n3A_340 : vector<16xf32> to vector<1x1x16xf32>
          tpu.vector_store %arg6[%swap3A_342, %swap3A_343, %swap3A_344], %swap3A_347 {strides = array<i32>} : memref<25x4x128xf32, #tpu.memory_space<vmem>>, vector<1x1x16xf32>,
          %jit3A_348 = arith.constant -1.000000e+00 : f32
          %broadcast_in_dim3A_349 = vector.broadcast %jit3A_348 : f32 to vector<16xf32>
          %select_n3A_350 = arith.select %and3A_337, %convert_element_type3A_312, %broadcast_in_dim3A_349 : vector<16xi1>, vector<16xf32>
          %swap3A_351 = arith.constant 1 : i32
          %swap3A_352 = arith.index_cast %scan3A_87 : i32 to index
          %swap3A_353 = arith.index_cast %swap3A_351 : i32 to index
          %swap3A_354 = arith.constant 32 : index
          %swap3A_355 = tpu.vector_load %arg6[%swap3A_352, %swap3A_353, %swap3A_354] {strides = array<i32>} : memref<25x4x128xf32, #tpu.memory_space<vmem>>, vector<1x1x16xf32>,
          %swap3A_356 = vector.shape_cast %swap3A_355 : vector<1x1x16xf32> to vector<16xf32>
          %swap3A_357 = vector.shape_cast %select_n3A_350 : vector<16xf32> to vector<1x1x16xf32>
          tpu.vector_store %arg6[%swap3A_352, %swap3A_353, %swap3A_354], %swap3A_357 {strides = array<i32>} : memref<25x4x128xf32, #tpu.memory_space<vmem>>, vector<1x1x16xf32>,
          %jit3A_358 = arith.constant -1.000000e+00 : f32
          %broadcast_in_dim3A_359 = vector.broadcast %jit3A_358 : f32 to vector<16xf32>
          %select_n3A_360 = arith.select %and3A_337, %convert_element_type3A_310, %broadcast_in_dim3A_359 : vector<16xi1>, vector<16xf32>
          %swap3A_361 = arith.constant 2 : i32
          %swap3A_362 = arith.index_cast %scan3A_87 : i32 to index
          %swap3A_363 = arith.index_cast %swap3A_361 : i32 to index
          %swap3A_364 = arith.constant 32 : index
          %swap3A_365 = tpu.vector_load %arg6[%swap3A_362, %swap3A_363, %swap3A_364] {strides = array<i32>} : memref<25x4x128xf32, #tpu.memory_space<vmem>>, vector<1x1x16xf32>,
          %swap3A_366 = vector.shape_cast %swap3A_365 : vector<1x1x16xf32> to vector<16xf32>
          %swap3A_367 = vector.shape_cast %select_n3A_360 : vector<16xf32> to vector<1x1x16xf32>
          tpu.vector_store %arg6[%swap3A_362, %swap3A_363, %swap3A_364], %swap3A_367 {strides = array<i32>} : memref<25x4x128xf32, #tpu.memory_space<vmem>>, vector<1x1x16xf32>,
          %get3A_368 = arith.constant 0 : i32
          %get3A_369 = arith.index_cast %scan3A_87 : i32 to index
          %get3A_370 = arith.index_cast %get3A_368 : i32 to index
          %get3A_371 = arith.constant 48 : index
          %get3A_372 = tpu.vector_load %arg4[%get3A_369, %get3A_370, %get3A_371] {strides = array<i32>} : memref<25x4x128xf32, #tpu.memory_space<vmem>>, vector<1x1x16xf32>,
          %get3A_373 = vector.shape_cast %get3A_372 : vector<1x1x16xf32> to vector<16xf32>
          %get3A_374 = arith.constant 1 : i32
          %get3A_375 = arith.index_cast %scan3A_87 : i32 to index
          %get3A_376 = arith.index_cast %get3A_374 : i32 to index
          %get3A_377 = arith.constant 48 : index
          %get3A_378 = tpu.vector_load %arg4[%get3A_375, %get3A_376, %get3A_377] {strides = array<i32>} : memref<25x4x128xf32, #tpu.memory_space<vmem>>, vector<1x1x16xf32>,
          %get3A_379 = vector.shape_cast %get3A_378 : vector<1x1x16xf32> to vector<16xf32>
          %get3A_380 = arith.constant 2 : i32
          %get3A_381 = arith.index_cast %scan3A_87 : i32 to index
          %get3A_382 = arith.index_cast %get3A_380 : i32 to index
          %get3A_383 = arith.constant 48 : index
          %get3A_384 = tpu.vector_load %arg4[%get3A_381, %get3A_382, %get3A_383] {strides = array<i32>} : memref<25x4x128xf32, #tpu.memory_space<vmem>>, vector<1x1x16xf32>,
          %get3A_385 = vector.shape_cast %get3A_384 : vector<1x1x16xf32> to vector<16xf32>
          %mul3A_386 = arith.constant 1.000000e+01 : f32
          %mul3A_387 = vector.broadcast %mul3A_386 : f32 to vector<16xf32>
          %mul3A_388 = arith.mulf %get3A_373, %mul3A_387 : vector<16xf32>
          %add3A_389 = arith.constant 5.000000e+02 : f32
          %add3A_390 = vector.broadcast %add3A_389 : f32 to vector<16xf32>
          %add3A_391 = arith.addf %mul3A_388, %add3A_390 : vector<16xf32>
          %mul3A_392 = arith.constant 1.000000e+01 : f32
          %mul3A_393 = vector.broadcast %mul3A_392 : f32 to vector<16xf32>
          %mul3A_394 = arith.mulf %get3A_379, %mul3A_393 : vector<16xf32>
          %add3A_395 = arith.constant 5.000000e+02 : f32
          %add3A_396 = vector.broadcast %add3A_395 : f32 to vector<16xf32>
          %add3A_397 = arith.addf %mul3A_394, %add3A_396 : vector<16xf32>
          %mul3A_398 = arith.constant 5.000000e+00 : f32
          %mul3A_399 = vector.broadcast %mul3A_398 : f32 to vector<16xf32>
          %mul3A_400 = arith.mulf %get3A_385, %mul3A_399 : vector<16xf32>
          %add3A_401 = arith.constant 5.000000e+00 : f32
          %add3A_402 = vector.broadcast %add3A_401 : f32 to vector<16xf32>
          %add3A_403 = arith.addf %mul3A_400, %add3A_402 : vector<16xf32>
          %convert_element_type3A_404 = arith.fptosi %add3A_391 : vector<16xf32> to vector<16xi32>
          %convert_element_type3A_405 = arith.sitofp %convert_element_type3A_404 : vector<16xi32> to vector<16xf32>
          %convert_element_type3A_406 = arith.fptosi %add3A_397 : vector<16xf32> to vector<16xi32>
          %convert_element_type3A_407 = arith.sitofp %convert_element_type3A_406 : vector<16xi32> to vector<16xf32>
          %convert_element_type3A_408 = arith.fptosi %add3A_403 : vector<16xf32> to vector<16xi32>
          %convert_element_type3A_409 = arith.sitofp %convert_element_type3A_408 : vector<16xi32> to vector<16xf32>
          %ge3A_410 = arith.constant 0.000000e+00 : f32
          %ge3A_411 = vector.broadcast %ge3A_410 : f32 to vector<16xf32>
          %ge3A_412 = arith.cmpf oge, %add3A_391, %ge3A_411 : vector<16xf32>
          %lt3A_413 = arith.constant 2.000000e+03 : f32
          %lt3A_414 = vector.broadcast %lt3A_413 : f32 to vector<16xf32>
          %lt3A_415 = arith.cmpf olt, %add3A_391, %lt3A_414 : vector<16xf32>
          %and3A_416 = arith.andi %ge3A_412, %lt3A_415 : vector<16xi1>
          %ge3A_417 = arith.constant 0.000000e+00 : f32
          %ge3A_418 = vector.broadcast %ge3A_417 : f32 to vector<16xf32>
          %ge3A_419 = arith.cmpf oge, %add3A_397, %ge3A_418 : vector<16xf32>
          %and3A_420 = arith.andi %and3A_416, %ge3A_419 : vector<16xi1>
          %lt3A_421 = arith.constant 1.000000e+03 : f32
          %lt3A_422 = vector.broadcast %lt3A_421 : f32 to vector<16xf32>
          %lt3A_423 = arith.cmpf olt, %add3A_397, %lt3A_422 : vector<16xf32>
          %and3A_424 = arith.andi %and3A_420, %lt3A_423 : vector<16xi1>
          %ge3A_425 = arith.constant 0.000000e+00 : f32
          %ge3A_426 = vector.broadcast %ge3A_425 : f32 to vector<16xf32>
          %ge3A_427 = arith.cmpf oge, %add3A_403, %ge3A_426 : vector<16xf32>
          %and3A_428 = arith.andi %and3A_424, %ge3A_427 : vector<16xi1>
          %lt3A_429 = arith.constant 2.000000e+01 : f32
          %lt3A_430 = vector.broadcast %lt3A_429 : f32 to vector<16xf32>
          %lt3A_431 = arith.cmpf olt, %add3A_403, %lt3A_430 : vector<16xf32>
          %and3A_432 = arith.andi %and3A_428, %lt3A_431 : vector<16xi1>
          %jit3A_433 = arith.constant -1.000000e+00 : f32
          %broadcast_in_dim3A_434 = vector.broadcast %jit3A_433 : f32 to vector<16xf32>
          %select_n3A_435 = arith.select %and3A_432, %convert_element_type3A_409, %broadcast_in_dim3A_434 : vector<16xi1>, vector<16xf32>
          %swap3A_436 = arith.constant 0 : i32
          %swap3A_437 = arith.index_cast %scan3A_87 : i32 to index
          %swap3A_438 = arith.index_cast %swap3A_436 : i32 to index
          %swap3A_439 = arith.constant 48 : index
          %swap3A_440 = tpu.vector_load %arg6[%swap3A_437, %swap3A_438, %swap3A_439] {strides = array<i32>} : memref<25x4x128xf32, #tpu.memory_space<vmem>>, vector<1x1x16xf32>,
          %swap3A_441 = vector.shape_cast %swap3A_440 : vector<1x1x16xf32> to vector<16xf32>
          %swap3A_442 = vector.shape_cast %select_n3A_435 : vector<16xf32> to vector<1x1x16xf32>
          tpu.vector_store %arg6[%swap3A_437, %swap3A_438, %swap3A_439], %swap3A_442 {strides = array<i32>} : memref<25x4x128xf32, #tpu.memory_space<vmem>>, vector<1x1x16xf32>,
          %jit3A_443 = arith.constant -1.000000e+00 : f32
          %broadcast_in_dim3A_444 = vector.broadcast %jit3A_443 : f32 to vector<16xf32>
          %select_n3A_445 = arith.select %and3A_432, %convert_element_type3A_407, %broadcast_in_dim3A_444 : vector<16xi1>, vector<16xf32>
          %swap3A_446 = arith.constant 1 : i32
          %swap3A_447 = arith.index_cast %scan3A_87 : i32 to index
          %swap3A_448 = arith.index_cast %swap3A_446 : i32 to index
          %swap3A_449 = arith.constant 48 : index
          %swap3A_450 = tpu.vector_load %arg6[%swap3A_447, %swap3A_448, %swap3A_449] {strides = array<i32>} : memref<25x4x128xf32, #tpu.memory_space<vmem>>, vector<1x1x16xf32>,
          %swap3A_451 = vector.shape_cast %swap3A_450 : vector<1x1x16xf32> to vector<16xf32>
          %swap3A_452 = vector.shape_cast %select_n3A_445 : vector<16xf32> to vector<1x1x16xf32>
          tpu.vector_store %arg6[%swap3A_447, %swap3A_448, %swap3A_449], %swap3A_452 {strides = array<i32>} : memref<25x4x128xf32, #tpu.memory_space<vmem>>, vector<1x1x16xf32>,
          %jit3A_453 = arith.constant -1.000000e+00 : f32
          %broadcast_in_dim3A_454 = vector.broadcast %jit3A_453 : f32 to vector<16xf32>
          %select_n3A_455 = arith.select %and3A_432, %convert_element_type3A_405, %broadcast_in_dim3A_454 : vector<16xi1>, vector<16xf32>
          %swap3A_456 = arith.constant 2 : i32
          %swap3A_457 = arith.index_cast %scan3A_87 : i32 to index
          %swap3A_458 = arith.index_cast %swap3A_456 : i32 to index
          %swap3A_459 = arith.constant 48 : index
          %swap3A_460 = tpu.vector_load %arg6[%swap3A_457, %swap3A_458, %swap3A_459] {strides = array<i32>} : memref<25x4x128xf32, #tpu.memory_space<vmem>>, vector<1x1x16xf32>,
          %swap3A_461 = vector.shape_cast %swap3A_460 : vector<1x1x16xf32> to vector<16xf32>
          %swap3A_462 = vector.shape_cast %select_n3A_455 : vector<16xf32> to vector<1x1x16xf32>
          tpu.vector_store %arg6[%swap3A_457, %swap3A_458, %swap3A_459], %swap3A_462 {strides = array<i32>} : memref<25x4x128xf32, #tpu.memory_space<vmem>>, vector<1x1x16xf32>,
          %get3A_463 = arith.constant 0 : i32
          %get3A_464 = arith.index_cast %scan3A_87 : i32 to index
          %get3A_465 = arith.index_cast %get3A_463 : i32 to index
          %get3A_466 = arith.constant 64 : index
          %get3A_467 = tpu.vector_load %arg4[%get3A_464, %get3A_465, %get3A_466] {strides = array<i32>} : memref<25x4x128xf32, #tpu.memory_space<vmem>>, vector<1x1x16xf32>,
          %get3A_468 = vector.shape_cast %get3A_467 : vector<1x1x16xf32> to vector<16xf32>
          %get3A_469 = arith.constant 1 : i32
          %get3A_470 = arith.index_cast %scan3A_87 : i32 to index
          %get3A_471 = arith.index_cast %get3A_469 : i32 to index
          %get3A_472 = arith.constant 64 : index
          %get3A_473 = tpu.vector_load %arg4[%get3A_470, %get3A_471, %get3A_472] {strides = array<i32>} : memref<25x4x128xf32, #tpu.memory_space<vmem>>, vector<1x1x16xf32>,
          %get3A_474 = vector.shape_cast %get3A_473 : vector<1x1x16xf32> to vector<16xf32>
          %get3A_475 = arith.constant 2 : i32
          %get3A_476 = arith.index_cast %scan3A_87 : i32 to index
          %get3A_477 = arith.index_cast %get3A_475 : i32 to index
          %get3A_478 = arith.constant 64 : index
          %get3A_479 = tpu.vector_load %arg4[%get3A_476, %get3A_477, %get3A_478] {strides = array<i32>} : memref<25x4x128xf32, #tpu.memory_space<vmem>>, vector<1x1x16xf32>,
          %get3A_480 = vector.shape_cast %get3A_479 : vector<1x1x16xf32> to vector<16xf32>
          %mul3A_481 = arith.constant 1.000000e+01 : f32
          %mul3A_482 = vector.broadcast %mul3A_481 : f32 to vector<16xf32>
          %mul3A_483 = arith.mulf %get3A_468, %mul3A_482 : vector<16xf32>
          %add3A_484 = arith.constant 5.000000e+02 : f32
          %add3A_485 = vector.broadcast %add3A_484 : f32 to vector<16xf32>
          %add3A_486 = arith.addf %mul3A_483, %add3A_485 : vector<16xf32>
          %mul3A_487 = arith.constant 1.000000e+01 : f32
          %mul3A_488 = vector.broadcast %mul3A_487 : f32 to vector<16xf32>
          %mul3A_489 = arith.mulf %get3A_474, %mul3A_488 : vector<16xf32>
          %add3A_490 = arith.constant 5.000000e+02 : f32
          %add3A_491 = vector.broadcast %add3A_490 : f32 to vector<16xf32>
          %add3A_492 = arith.addf %mul3A_489, %add3A_491 : vector<16xf32>
          %mul3A_493 = arith.constant 5.000000e+00 : f32
          %mul3A_494 = vector.broadcast %mul3A_493 : f32 to vector<16xf32>
          %mul3A_495 = arith.mulf %get3A_480, %mul3A_494 : vector<16xf32>
          %add3A_496 = arith.constant 5.000000e+00 : f32
          %add3A_497 = vector.broadcast %add3A_496 : f32 to vector<16xf32>
          %add3A_498 = arith.addf %mul3A_495, %add3A_497 : vector<16xf32>
          %convert_element_type3A_499 = arith.fptosi %add3A_486 : vector<16xf32> to vector<16xi32>
          %convert_element_type3A_500 = arith.sitofp %convert_element_type3A_499 : vector<16xi32> to vector<16xf32>
          %convert_element_type3A_501 = arith.fptosi %add3A_492 : vector<16xf32> to vector<16xi32>
          %convert_element_type3A_502 = arith.sitofp %convert_element_type3A_501 : vector<16xi32> to vector<16xf32>
          %convert_element_type3A_503 = arith.fptosi %add3A_498 : vector<16xf32> to vector<16xi32>
          %convert_element_type3A_504 = arith.sitofp %convert_element_type3A_503 : vector<16xi32> to vector<16xf32>
          %ge3A_505 = arith.constant 0.000000e+00 : f32
          %ge3A_506 = vector.broadcast %ge3A_505 : f32 to vector<16xf32>
          %ge3A_507 = arith.cmpf oge, %add3A_486, %ge3A_506 : vector<16xf32>
          %lt3A_508 = arith.constant 2.000000e+03 : f32
          %lt3A_509 = vector.broadcast %lt3A_508 : f32 to vector<16xf32>
          %lt3A_510 = arith.cmpf olt, %add3A_486, %lt3A_509 : vector<16xf32>
          %and3A_511 = arith.andi %ge3A_507, %lt3A_510 : vector<16xi1>
          %ge3A_512 = arith.constant 0.000000e+00 : f32
          %ge3A_513 = vector.broadcast %ge3A_512 : f32 to vector<16xf32>
          %ge3A_514 = arith.cmpf oge, %add3A_492, %ge3A_513 : vector<16xf32>
          %and3A_515 = arith.andi %and3A_511, %ge3A_514 : vector<16xi1>
          %lt3A_516 = arith.constant 1.000000e+03 : f32
          %lt3A_517 = vector.broadcast %lt3A_516 : f32 to vector<16xf32>
          %lt3A_518 = arith.cmpf olt, %add3A_492, %lt3A_517 : vector<16xf32>
          %and3A_519 = arith.andi %and3A_515, %lt3A_518 : vector<16xi1>
          %ge3A_520 = arith.constant 0.000000e+00 : f32
          %ge3A_521 = vector.broadcast %ge3A_520 : f32 to vector<16xf32>
          %ge3A_522 = arith.cmpf oge, %add3A_498, %ge3A_521 : vector<16xf32>
          %and3A_523 = arith.andi %and3A_519, %ge3A_522 : vector<16xi1>
          %lt3A_524 = arith.constant 2.000000e+01 : f32
          %lt3A_525 = vector.broadcast %lt3A_524 : f32 to vector<16xf32>
          %lt3A_526 = arith.cmpf olt, %add3A_498, %lt3A_525 : vector<16xf32>
          %and3A_527 = arith.andi %and3A_523, %lt3A_526 : vector<16xi1>
          %jit3A_528 = arith.constant -1.000000e+00 : f32
          %broadcast_in_dim3A_529 = vector.broadcast %jit3A_528 : f32 to vector<16xf32>
          %select_n3A_530 = arith.select %and3A_527, %convert_element_type3A_504, %broadcast_in_dim3A_529 : vector<16xi1>, vector<16xf32>
          %swap3A_531 = arith.constant 0 : i32
          %swap3A_532 = arith.index_cast %scan3A_87 : i32 to index
          %swap3A_533 = arith.index_cast %swap3A_531 : i32 to index
          %swap3A_534 = arith.constant 64 : index
          %swap3A_535 = tpu.vector_load %arg6[%swap3A_532, %swap3A_533, %swap3A_534] {strides = array<i32>} : memref<25x4x128xf32, #tpu.memory_space<vmem>>, vector<1x1x16xf32>,
          %swap3A_536 = vector.shape_cast %swap3A_535 : vector<1x1x16xf32> to vector<16xf32>
          %swap3A_537 = vector.shape_cast %select_n3A_530 : vector<16xf32> to vector<1x1x16xf32>
          tpu.vector_store %arg6[%swap3A_532, %swap3A_533, %swap3A_534], %swap3A_537 {strides = array<i32>} : memref<25x4x128xf32, #tpu.memory_space<vmem>>, vector<1x1x16xf32>,
          %jit3A_538 = arith.constant -1.000000e+00 : f32
          %broadcast_in_dim3A_539 = vector.broadcast %jit3A_538 : f32 to vector<16xf32>
          %select_n3A_540 = arith.select %and3A_527, %convert_element_type3A_502, %broadcast_in_dim3A_539 : vector<16xi1>, vector<16xf32>
          %swap3A_541 = arith.constant 1 : i32
          %swap3A_542 = arith.index_cast %scan3A_87 : i32 to index
          %swap3A_543 = arith.index_cast %swap3A_541 : i32 to index
          %swap3A_544 = arith.constant 64 : index
          %swap3A_545 = tpu.vector_load %arg6[%swap3A_542, %swap3A_543, %swap3A_544] {strides = array<i32>} : memref<25x4x128xf32, #tpu.memory_space<vmem>>, vector<1x1x16xf32>,
          %swap3A_546 = vector.shape_cast %swap3A_545 : vector<1x1x16xf32> to vector<16xf32>
          %swap3A_547 = vector.shape_cast %select_n3A_540 : vector<16xf32> to vector<1x1x16xf32>
          tpu.vector_store %arg6[%swap3A_542, %swap3A_543, %swap3A_544], %swap3A_547 {strides = array<i32>} : memref<25x4x128xf32, #tpu.memory_space<vmem>>, vector<1x1x16xf32>,
          %jit3A_548 = arith.constant -1.000000e+00 : f32
          %broadcast_in_dim3A_549 = vector.broadcast %jit3A_548 : f32 to vector<16xf32>
          %select_n3A_550 = arith.select %and3A_527, %convert_element_type3A_500, %broadcast_in_dim3A_549 : vector<16xi1>, vector<16xf32>
          %swap3A_551 = arith.constant 2 : i32
          %swap3A_552 = arith.index_cast %scan3A_87 : i32 to index
          %swap3A_553 = arith.index_cast %swap3A_551 : i32 to index
          %swap3A_554 = arith.constant 64 : index
          %swap3A_555 = tpu.vector_load %arg6[%swap3A_552, %swap3A_553, %swap3A_554] {strides = array<i32>} : memref<25x4x128xf32, #tpu.memory_space<vmem>>, vector<1x1x16xf32>,
          %swap3A_556 = vector.shape_cast %swap3A_555 : vector<1x1x16xf32> to vector<16xf32>
          %swap3A_557 = vector.shape_cast %select_n3A_550 : vector<16xf32> to vector<1x1x16xf32>
          tpu.vector_store %arg6[%swap3A_552, %swap3A_553, %swap3A_554], %swap3A_557 {strides = array<i32>} : memref<25x4x128xf32, #tpu.memory_space<vmem>>, vector<1x1x16xf32>,
          %get3A_558 = arith.constant 0 : i32
          %get3A_559 = arith.index_cast %scan3A_87 : i32 to index
          %get3A_560 = arith.index_cast %get3A_558 : i32 to index
          %get3A_561 = arith.constant 80 : index
          %get3A_562 = tpu.vector_load %arg4[%get3A_559, %get3A_560, %get3A_561] {strides = array<i32>} : memref<25x4x128xf32, #tpu.memory_space<vmem>>, vector<1x1x16xf32>,
          %get3A_563 = vector.shape_cast %get3A_562 : vector<1x1x16xf32> to vector<16xf32>
          %get3A_564 = arith.constant 1 : i32
          %get3A_565 = arith.index_cast %scan3A_87 : i32 to index
          %get3A_566 = arith.index_cast %get3A_564 : i32 to index
          %get3A_567 = arith.constant 80 : index
          %get3A_568 = tpu.vector_load %arg4[%get3A_565, %get3A_566, %get3A_567] {strides = array<i32>} : memref<25x4x128xf32, #tpu.memory_space<vmem>>, vector<1x1x16xf32>,
          %get3A_569 = vector.shape_cast %get3A_568 : vector<1x1x16xf32> to vector<16xf32>
          %get3A_570 = arith.constant 2 : i32
          %get3A_571 = arith.index_cast %scan3A_87 : i32 to index
          %get3A_572 = arith.index_cast %get3A_570 : i32 to index
          %get3A_573 = arith.constant 80 : index
          %get3A_574 = tpu.vector_load %arg4[%get3A_571, %get3A_572, %get3A_573] {strides = array<i32>} : memref<25x4x128xf32, #tpu.memory_space<vmem>>, vector<1x1x16xf32>,
          %get3A_575 = vector.shape_cast %get3A_574 : vector<1x1x16xf32> to vector<16xf32>
          %mul3A_576 = arith.constant 1.000000e+01 : f32
          %mul3A_577 = vector.broadcast %mul3A_576 : f32 to vector<16xf32>
          %mul3A_578 = arith.mulf %get3A_563, %mul3A_577 : vector<16xf32>
          %add3A_579 = arith.constant 5.000000e+02 : f32
          %add3A_580 = vector.broadcast %add3A_579 : f32 to vector<16xf32>
          %add3A_581 = arith.addf %mul3A_578, %add3A_580 : vector<16xf32>
          %mul3A_582 = arith.constant 1.000000e+01 : f32
          %mul3A_583 = vector.broadcast %mul3A_582 : f32 to vector<16xf32>
          %mul3A_584 = arith.mulf %get3A_569, %mul3A_583 : vector<16xf32>
          %add3A_585 = arith.constant 5.000000e+02 : f32
          %add3A_586 = vector.broadcast %add3A_585 : f32 to vector<16xf32>
          %add3A_587 = arith.addf %mul3A_584, %add3A_586 : vector<16xf32>
          %mul3A_588 = arith.constant 5.000000e+00 : f32
          %mul3A_589 = vector.broadcast %mul3A_588 : f32 to vector<16xf32>
          %mul3A_590 = arith.mulf %get3A_575, %mul3A_589 : vector<16xf32>
          %add3A_591 = arith.constant 5.000000e+00 : f32
          %add3A_592 = vector.broadcast %add3A_591 : f32 to vector<16xf32>
          %add3A_593 = arith.addf %mul3A_590, %add3A_592 : vector<16xf32>
          %convert_element_type3A_594 = arith.fptosi %add3A_581 : vector<16xf32> to vector<16xi32>
          %convert_element_type3A_595 = arith.sitofp %convert_element_type3A_594 : vector<16xi32> to vector<16xf32>
          %convert_element_type3A_596 = arith.fptosi %add3A_587 : vector<16xf32> to vector<16xi32>
          %convert_element_type3A_597 = arith.sitofp %convert_element_type3A_596 : vector<16xi32> to vector<16xf32>
          %convert_element_type3A_598 = arith.fptosi %add3A_593 : vector<16xf32> to vector<16xi32>
          %convert_element_type3A_599 = arith.sitofp %convert_element_type3A_598 : vector<16xi32> to vector<16xf32>
          %ge3A_600 = arith.constant 0.000000e+00 : f32
          %ge3A_601 = vector.broadcast %ge3A_600 : f32 to vector<16xf32>
          %ge3A_602 = arith.cmpf oge, %add3A_581, %ge3A_601 : vector<16xf32>
          %lt3A_603 = arith.constant 2.000000e+03 : f32
          %lt3A_604 = vector.broadcast %lt3A_603 : f32 to vector<16xf32>
          %lt3A_605 = arith.cmpf olt, %add3A_581, %lt3A_604 : vector<16xf32>
          %and3A_606 = arith.andi %ge3A_602, %lt3A_605 : vector<16xi1>
          %ge3A_607 = arith.constant 0.000000e+00 : f32
          %ge3A_608 = vector.broadcast %ge3A_607 : f32 to vector<16xf32>
          %ge3A_609 = arith.cmpf oge, %add3A_587, %ge3A_608 : vector<16xf32>
          %and3A_610 = arith.andi %and3A_606, %ge3A_609 : vector<16xi1>
          %lt3A_611 = arith.constant 1.000000e+03 : f32
          %lt3A_612 = vector.broadcast %lt3A_611 : f32 to vector<16xf32>
          %lt3A_613 = arith.cmpf olt, %add3A_587, %lt3A_612 : vector<16xf32>
          %and3A_614 = arith.andi %and3A_610, %lt3A_613 : vector<16xi1>
          %ge3A_615 = arith.constant 0.000000e+00 : f32
          %ge3A_616 = vector.broadcast %ge3A_615 : f32 to vector<16xf32>
          %ge3A_617 = arith.cmpf oge, %add3A_593, %ge3A_616 : vector<16xf32>
          %and3A_618 = arith.andi %and3A_614, %ge3A_617 : vector<16xi1>
          %lt3A_619 = arith.constant 2.000000e+01 : f32
          %lt3A_620 = vector.broadcast %lt3A_619 : f32 to vector<16xf32>
          %lt3A_621 = arith.cmpf olt, %add3A_593, %lt3A_620 : vector<16xf32>
          %and3A_622 = arith.andi %and3A_618, %lt3A_621 : vector<16xi1>
          %jit3A_623 = arith.constant -1.000000e+00 : f32
          %broadcast_in_dim3A_624 = vector.broadcast %jit3A_623 : f32 to vector<16xf32>
          %select_n3A_625 = arith.select %and3A_622, %convert_element_type3A_599, %broadcast_in_dim3A_624 : vector<16xi1>, vector<16xf32>
          %swap3A_626 = arith.constant 0 : i32
          %swap3A_627 = arith.index_cast %scan3A_87 : i32 to index
          %swap3A_628 = arith.index_cast %swap3A_626 : i32 to index
          %swap3A_629 = arith.constant 80 : index
          %swap3A_630 = tpu.vector_load %arg6[%swap3A_627, %swap3A_628, %swap3A_629] {strides = array<i32>} : memref<25x4x128xf32, #tpu.memory_space<vmem>>, vector<1x1x16xf32>,
          %swap3A_631 = vector.shape_cast %swap3A_630 : vector<1x1x16xf32> to vector<16xf32>
          %swap3A_632 = vector.shape_cast %select_n3A_625 : vector<16xf32> to vector<1x1x16xf32>
          tpu.vector_store %arg6[%swap3A_627, %swap3A_628, %swap3A_629], %swap3A_632 {strides = array<i32>} : memref<25x4x128xf32, #tpu.memory_space<vmem>>, vector<1x1x16xf32>,
          %jit3A_633 = arith.constant -1.000000e+00 : f32
          %broadcast_in_dim3A_634 = vector.broadcast %jit3A_633 : f32 to vector<16xf32>
          %select_n3A_635 = arith.select %and3A_622, %convert_element_type3A_597, %broadcast_in_dim3A_634 : vector<16xi1>, vector<16xf32>
          %swap3A_636 = arith.constant 1 : i32
          %swap3A_637 = arith.index_cast %scan3A_87 : i32 to index
          %swap3A_638 = arith.index_cast %swap3A_636 : i32 to index
          %swap3A_639 = arith.constant 80 : index
          %swap3A_640 = tpu.vector_load %arg6[%swap3A_637, %swap3A_638, %swap3A_639] {strides = array<i32>} : memref<25x4x128xf32, #tpu.memory_space<vmem>>, vector<1x1x16xf32>,
          %swap3A_641 = vector.shape_cast %swap3A_640 : vector<1x1x16xf32> to vector<16xf32>
          %swap3A_642 = vector.shape_cast %select_n3A_635 : vector<16xf32> to vector<1x1x16xf32>
          tpu.vector_store %arg6[%swap3A_637, %swap3A_638, %swap3A_639], %swap3A_642 {strides = array<i32>} : memref<25x4x128xf32, #tpu.memory_space<vmem>>, vector<1x1x16xf32>,
          %jit3A_643 = arith.constant -1.000000e+00 : f32
          %broadcast_in_dim3A_644 = vector.broadcast %jit3A_643 : f32 to vector<16xf32>
          %select_n3A_645 = arith.select %and3A_622, %convert_element_type3A_595, %broadcast_in_dim3A_644 : vector<16xi1>, vector<16xf32>
          %swap3A_646 = arith.constant 2 : i32
          %swap3A_647 = arith.index_cast %scan3A_87 : i32 to index
          %swap3A_648 = arith.index_cast %swap3A_646 : i32 to index
          %swap3A_649 = arith.constant 80 : index
          %swap3A_650 = tpu.vector_load %arg6[%swap3A_647, %swap3A_648, %swap3A_649] {strides = array<i32>} : memref<25x4x128xf32, #tpu.memory_space<vmem>>, vector<1x1x16xf32>,
          %swap3A_651 = vector.shape_cast %swap3A_650 : vector<1x1x16xf32> to vector<16xf32>
          %swap3A_652 = vector.shape_cast %select_n3A_645 : vector<16xf32> to vector<1x1x16xf32>
          tpu.vector_store %arg6[%swap3A_647, %swap3A_648, %swap3A_649], %swap3A_652 {strides = array<i32>} : memref<25x4x128xf32, #tpu.memory_space<vmem>>, vector<1x1x16xf32>,
          %get3A_653 = arith.constant 0 : i32
          %get3A_654 = arith.index_cast %scan3A_87 : i32 to index
          %get3A_655 = arith.index_cast %get3A_653 : i32 to index
          %get3A_656 = arith.constant 96 : index
          %get3A_657 = tpu.vector_load %arg4[%get3A_654, %get3A_655, %get3A_656] {strides = array<i32>} : memref<25x4x128xf32, #tpu.memory_space<vmem>>, vector<1x1x16xf32>,
          %get3A_658 = vector.shape_cast %get3A_657 : vector<1x1x16xf32> to vector<16xf32>
          %get3A_659 = arith.constant 1 : i32
          %get3A_660 = arith.index_cast %scan3A_87 : i32 to index
          %get3A_661 = arith.index_cast %get3A_659 : i32 to index
          %get3A_662 = arith.constant 96 : index
          %get3A_663 = tpu.vector_load %arg4[%get3A_660, %get3A_661, %get3A_662] {strides = array<i32>} : memref<25x4x128xf32, #tpu.memory_space<vmem>>, vector<1x1x16xf32>,
          %get3A_664 = vector.shape_cast %get3A_663 : vector<1x1x16xf32> to vector<16xf32>
          %get3A_665 = arith.constant 2 : i32
          %get3A_666 = arith.index_cast %scan3A_87 : i32 to index
          %get3A_667 = arith.index_cast %get3A_665 : i32 to index
          %get3A_668 = arith.constant 96 : index
          %get3A_669 = tpu.vector_load %arg4[%get3A_666, %get3A_667, %get3A_668] {strides = array<i32>} : memref<25x4x128xf32, #tpu.memory_space<vmem>>, vector<1x1x16xf32>,
          %get3A_670 = vector.shape_cast %get3A_669 : vector<1x1x16xf32> to vector<16xf32>
          %mul3A_671 = arith.constant 1.000000e+01 : f32
          %mul3A_672 = vector.broadcast %mul3A_671 : f32 to vector<16xf32>
          %mul3A_673 = arith.mulf %get3A_658, %mul3A_672 : vector<16xf32>
          %add3A_674 = arith.constant 5.000000e+02 : f32
          %add3A_675 = vector.broadcast %add3A_674 : f32 to vector<16xf32>
          %add3A_676 = arith.addf %mul3A_673, %add3A_675 : vector<16xf32>
          %mul3A_677 = arith.constant 1.000000e+01 : f32
          %mul3A_678 = vector.broadcast %mul3A_677 : f32 to vector<16xf32>
          %mul3A_679 = arith.mulf %get3A_664, %mul3A_678 : vector<16xf32>
          %add3A_680 = arith.constant 5.000000e+02 : f32
          %add3A_681 = vector.broadcast %add3A_680 : f32 to vector<16xf32>
          %add3A_682 = arith.addf %mul3A_679, %add3A_681 : vector<16xf32>
          %mul3A_683 = arith.constant 5.000000e+00 : f32
          %mul3A_684 = vector.broadcast %mul3A_683 : f32 to vector<16xf32>
          %mul3A_685 = arith.mulf %get3A_670, %mul3A_684 : vector<16xf32>
          %add3A_686 = arith.constant 5.000000e+00 : f32
          %add3A_687 = vector.broadcast %add3A_686 : f32 to vector<16xf32>
          %add3A_688 = arith.addf %mul3A_685, %add3A_687 : vector<16xf32>
          %convert_element_type3A_689 = arith.fptosi %add3A_676 : vector<16xf32> to vector<16xi32>
          %convert_element_type3A_690 = arith.sitofp %convert_element_type3A_689 : vector<16xi32> to vector<16xf32>
          %convert_element_type3A_691 = arith.fptosi %add3A_682 : vector<16xf32> to vector<16xi32>
          %convert_element_type3A_692 = arith.sitofp %convert_element_type3A_691 : vector<16xi32> to vector<16xf32>
          %convert_element_type3A_693 = arith.fptosi %add3A_688 : vector<16xf32> to vector<16xi32>
          %convert_element_type3A_694 = arith.sitofp %convert_element_type3A_693 : vector<16xi32> to vector<16xf32>
          %ge3A_695 = arith.constant 0.000000e+00 : f32
          %ge3A_696 = vector.broadcast %ge3A_695 : f32 to vector<16xf32>
          %ge3A_697 = arith.cmpf oge, %add3A_676, %ge3A_696 : vector<16xf32>
          %lt3A_698 = arith.constant 2.000000e+03 : f32
          %lt3A_699 = vector.broadcast %lt3A_698 : f32 to vector<16xf32>
          %lt3A_700 = arith.cmpf olt, %add3A_676, %lt3A_699 : vector<16xf32>
          %and3A_701 = arith.andi %ge3A_697, %lt3A_700 : vector<16xi1>
          %ge3A_702 = arith.constant 0.000000e+00 : f32
          %ge3A_703 = vector.broadcast %ge3A_702 : f32 to vector<16xf32>
          %ge3A_704 = arith.cmpf oge, %add3A_682, %ge3A_703 : vector<16xf32>
          %and3A_705 = arith.andi %and3A_701, %ge3A_704 : vector<16xi1>
          %lt3A_706 = arith.constant 1.000000e+03 : f32
          %lt3A_707 = vector.broadcast %lt3A_706 : f32 to vector<16xf32>
          %lt3A_708 = arith.cmpf olt, %add3A_682, %lt3A_707 : vector<16xf32>
          %and3A_709 = arith.andi %and3A_705, %lt3A_708 : vector<16xi1>
          %ge3A_710 = arith.constant 0.000000e+00 : f32
          %ge3A_711 = vector.broadcast %ge3A_710 : f32 to vector<16xf32>
          %ge3A_712 = arith.cmpf oge, %add3A_688, %ge3A_711 : vector<16xf32>
          %and3A_713 = arith.andi %and3A_709, %ge3A_712 : vector<16xi1>
          %lt3A_714 = arith.constant 2.000000e+01 : f32
          %lt3A_715 = vector.broadcast %lt3A_714 : f32 to vector<16xf32>
          %lt3A_716 = arith.cmpf olt, %add3A_688, %lt3A_715 : vector<16xf32>
          %and3A_717 = arith.andi %and3A_713, %lt3A_716 : vector<16xi1>
          %jit3A_718 = arith.constant -1.000000e+00 : f32
          %broadcast_in_dim3A_719 = vector.broadcast %jit3A_718 : f32 to vector<16xf32>
          %select_n3A_720 = arith.select %and3A_717, %convert_element_type3A_694, %broadcast_in_dim3A_719 : vector<16xi1>, vector<16xf32>
          %swap3A_721 = arith.constant 0 : i32
          %swap3A_722 = arith.index_cast %scan3A_87 : i32 to index
          %swap3A_723 = arith.index_cast %swap3A_721 : i32 to index
          %swap3A_724 = arith.constant 96 : index
          %swap3A_725 = tpu.vector_load %arg6[%swap3A_722, %swap3A_723, %swap3A_724] {strides = array<i32>} : memref<25x4x128xf32, #tpu.memory_space<vmem>>, vector<1x1x16xf32>,
          %swap3A_726 = vector.shape_cast %swap3A_725 : vector<1x1x16xf32> to vector<16xf32>
          %swap3A_727 = vector.shape_cast %select_n3A_720 : vector<16xf32> to vector<1x1x16xf32>
          tpu.vector_store %arg6[%swap3A_722, %swap3A_723, %swap3A_724], %swap3A_727 {strides = array<i32>} : memref<25x4x128xf32, #tpu.memory_space<vmem>>, vector<1x1x16xf32>,
          %jit3A_728 = arith.constant -1.000000e+00 : f32
          %broadcast_in_dim3A_729 = vector.broadcast %jit3A_728 : f32 to vector<16xf32>
          %select_n3A_730 = arith.select %and3A_717, %convert_element_type3A_692, %broadcast_in_dim3A_729 : vector<16xi1>, vector<16xf32>
          %swap3A_731 = arith.constant 1 : i32
          %swap3A_732 = arith.index_cast %scan3A_87 : i32 to index
          %swap3A_733 = arith.index_cast %swap3A_731 : i32 to index
          %swap3A_734 = arith.constant 96 : index
          %swap3A_735 = tpu.vector_load %arg6[%swap3A_732, %swap3A_733, %swap3A_734] {strides = array<i32>} : memref<25x4x128xf32, #tpu.memory_space<vmem>>, vector<1x1x16xf32>,
          %swap3A_736 = vector.shape_cast %swap3A_735 : vector<1x1x16xf32> to vector<16xf32>
          %swap3A_737 = vector.shape_cast %select_n3A_730 : vector<16xf32> to vector<1x1x16xf32>
          tpu.vector_store %arg6[%swap3A_732, %swap3A_733, %swap3A_734], %swap3A_737 {strides = array<i32>} : memref<25x4x128xf32, #tpu.memory_space<vmem>>, vector<1x1x16xf32>,
          %jit3A_738 = arith.constant -1.000000e+00 : f32
          %broadcast_in_dim3A_739 = vector.broadcast %jit3A_738 : f32 to vector<16xf32>
          %select_n3A_740 = arith.select %and3A_717, %convert_element_type3A_690, %broadcast_in_dim3A_739 : vector<16xi1>, vector<16xf32>
          %swap3A_741 = arith.constant 2 : i32
          %swap3A_742 = arith.index_cast %scan3A_87 : i32 to index
          %swap3A_743 = arith.index_cast %swap3A_741 : i32 to index
          %swap3A_744 = arith.constant 96 : index
          %swap3A_745 = tpu.vector_load %arg6[%swap3A_742, %swap3A_743, %swap3A_744] {strides = array<i32>} : memref<25x4x128xf32, #tpu.memory_space<vmem>>, vector<1x1x16xf32>,
          %swap3A_746 = vector.shape_cast %swap3A_745 : vector<1x1x16xf32> to vector<16xf32>
          %swap3A_747 = vector.shape_cast %select_n3A_740 : vector<16xf32> to vector<1x1x16xf32>
          tpu.vector_store %arg6[%swap3A_742, %swap3A_743, %swap3A_744], %swap3A_747 {strides = array<i32>} : memref<25x4x128xf32, #tpu.memory_space<vmem>>, vector<1x1x16xf32>,
          %get3A_748 = arith.constant 0 : i32
          %get3A_749 = arith.index_cast %scan3A_87 : i32 to index
          %get3A_750 = arith.index_cast %get3A_748 : i32 to index
          %get3A_751 = arith.constant 112 : index
          %get3A_752 = tpu.vector_load %arg4[%get3A_749, %get3A_750, %get3A_751] {strides = array<i32>} : memref<25x4x128xf32, #tpu.memory_space<vmem>>, vector<1x1x16xf32>,
          %get3A_753 = vector.shape_cast %get3A_752 : vector<1x1x16xf32> to vector<16xf32>
          %get3A_754 = arith.constant 1 : i32
          %get3A_755 = arith.index_cast %scan3A_87 : i32 to index
          %get3A_756 = arith.index_cast %get3A_754 : i32 to index
          %get3A_757 = arith.constant 112 : index
          %get3A_758 = tpu.vector_load %arg4[%get3A_755, %get3A_756, %get3A_757] {strides = array<i32>} : memref<25x4x128xf32, #tpu.memory_space<vmem>>, vector<1x1x16xf32>,
          %get3A_759 = vector.shape_cast %get3A_758 : vector<1x1x16xf32> to vector<16xf32>
          %get3A_760 = arith.constant 2 : i32
          %get3A_761 = arith.index_cast %scan3A_87 : i32 to index
          %get3A_762 = arith.index_cast %get3A_760 : i32 to index
          %get3A_763 = arith.constant 112 : index
          %get3A_764 = tpu.vector_load %arg4[%get3A_761, %get3A_762, %get3A_763] {strides = array<i32>} : memref<25x4x128xf32, #tpu.memory_space<vmem>>, vector<1x1x16xf32>,
          %get3A_765 = vector.shape_cast %get3A_764 : vector<1x1x16xf32> to vector<16xf32>
          %mul3A_766 = arith.constant 1.000000e+01 : f32
          %mul3A_767 = vector.broadcast %mul3A_766 : f32 to vector<16xf32>
          %mul3A_768 = arith.mulf %get3A_753, %mul3A_767 : vector<16xf32>
          %add3A_769 = arith.constant 5.000000e+02 : f32
          %add3A_770 = vector.broadcast %add3A_769 : f32 to vector<16xf32>
          %add3A_771 = arith.addf %mul3A_768, %add3A_770 : vector<16xf32>
          %mul3A_772 = arith.constant 1.000000e+01 : f32
          %mul3A_773 = vector.broadcast %mul3A_772 : f32 to vector<16xf32>
          %mul3A_774 = arith.mulf %get3A_759, %mul3A_773 : vector<16xf32>
          %add3A_775 = arith.constant 5.000000e+02 : f32
          %add3A_776 = vector.broadcast %add3A_775 : f32 to vector<16xf32>
          %add3A_777 = arith.addf %mul3A_774, %add3A_776 : vector<16xf32>
          %mul3A_778 = arith.constant 5.000000e+00 : f32
          %mul3A_779 = vector.broadcast %mul3A_778 : f32 to vector<16xf32>
          %mul3A_780 = arith.mulf %get3A_765, %mul3A_779 : vector<16xf32>
          %add3A_781 = arith.constant 5.000000e+00 : f32
          %add3A_782 = vector.broadcast %add3A_781 : f32 to vector<16xf32>
          %add3A_783 = arith.addf %mul3A_780, %add3A_782 : vector<16xf32>
          %convert_element_type3A_784 = arith.fptosi %add3A_771 : vector<16xf32> to vector<16xi32>
          %convert_element_type3A_785 = arith.sitofp %convert_element_type3A_784 : vector<16xi32> to vector<16xf32>
          %convert_element_type3A_786 = arith.fptosi %add3A_777 : vector<16xf32> to vector<16xi32>
          %convert_element_type3A_787 = arith.sitofp %convert_element_type3A_786 : vector<16xi32> to vector<16xf32>
          %convert_element_type3A_788 = arith.fptosi %add3A_783 : vector<16xf32> to vector<16xi32>
          %convert_element_type3A_789 = arith.sitofp %convert_element_type3A_788 : vector<16xi32> to vector<16xf32>
          %ge3A_790 = arith.constant 0.000000e+00 : f32
          %ge3A_791 = vector.broadcast %ge3A_790 : f32 to vector<16xf32>
          %ge3A_792 = arith.cmpf oge, %add3A_771, %ge3A_791 : vector<16xf32>
          %lt3A_793 = arith.constant 2.000000e+03 : f32
          %lt3A_794 = vector.broadcast %lt3A_793 : f32 to vector<16xf32>
          %lt3A_795 = arith.cmpf olt, %add3A_771, %lt3A_794 : vector<16xf32>
          %and3A_796 = arith.andi %ge3A_792, %lt3A_795 : vector<16xi1>
          %ge3A_797 = arith.constant 0.000000e+00 : f32
          %ge3A_798 = vector.broadcast %ge3A_797 : f32 to vector<16xf32>
          %ge3A_799 = arith.cmpf oge, %add3A_777, %ge3A_798 : vector<16xf32>
          %and3A_800 = arith.andi %and3A_796, %ge3A_799 : vector<16xi1>
          %lt3A_801 = arith.constant 1.000000e+03 : f32
          %lt3A_802 = vector.broadcast %lt3A_801 : f32 to vector<16xf32>
          %lt3A_803 = arith.cmpf olt, %add3A_777, %lt3A_802 : vector<16xf32>
          %and3A_804 = arith.andi %and3A_800, %lt3A_803 : vector<16xi1>
          %ge3A_805 = arith.constant 0.000000e+00 : f32
          %ge3A_806 = vector.broadcast %ge3A_805 : f32 to vector<16xf32>
          %ge3A_807 = arith.cmpf oge, %add3A_783, %ge3A_806 : vector<16xf32>
          %and3A_808 = arith.andi %and3A_804, %ge3A_807 : vector<16xi1>
          %lt3A_809 = arith.constant 2.000000e+01 : f32
          %lt3A_810 = vector.broadcast %lt3A_809 : f32 to vector<16xf32>
          %lt3A_811 = arith.cmpf olt, %add3A_783, %lt3A_810 : vector<16xf32>
          %and3A_812 = arith.andi %and3A_808, %lt3A_811 : vector<16xi1>
          %jit3A_813 = arith.constant -1.000000e+00 : f32
          %broadcast_in_dim3A_814 = vector.broadcast %jit3A_813 : f32 to vector<16xf32>
          %select_n3A_815 = arith.select %and3A_812, %convert_element_type3A_789, %broadcast_in_dim3A_814 : vector<16xi1>, vector<16xf32>
          %swap3A_816 = arith.constant 0 : i32
          %swap3A_817 = arith.index_cast %scan3A_87 : i32 to index
          %swap3A_818 = arith.index_cast %swap3A_816 : i32 to index
          %swap3A_819 = arith.constant 112 : index
          %swap3A_820 = tpu.vector_load %arg6[%swap3A_817, %swap3A_818, %swap3A_819] {strides = array<i32>} : memref<25x4x128xf32, #tpu.memory_space<vmem>>, vector<1x1x16xf32>,
          %swap3A_821 = vector.shape_cast %swap3A_820 : vector<1x1x16xf32> to vector<16xf32>
          %swap3A_822 = vector.shape_cast %select_n3A_815 : vector<16xf32> to vector<1x1x16xf32>
          tpu.vector_store %arg6[%swap3A_817, %swap3A_818, %swap3A_819], %swap3A_822 {strides = array<i32>} : memref<25x4x128xf32, #tpu.memory_space<vmem>>, vector<1x1x16xf32>,
          %jit3A_823 = arith.constant -1.000000e+00 : f32
          %broadcast_in_dim3A_824 = vector.broadcast %jit3A_823 : f32 to vector<16xf32>
          %select_n3A_825 = arith.select %and3A_812, %convert_element_type3A_787, %broadcast_in_dim3A_824 : vector<16xi1>, vector<16xf32>
          %swap3A_826 = arith.constant 1 : i32
          %swap3A_827 = arith.index_cast %scan3A_87 : i32 to index
          %swap3A_828 = arith.index_cast %swap3A_826 : i32 to index
          %swap3A_829 = arith.constant 112 : index
          %swap3A_830 = tpu.vector_load %arg6[%swap3A_827, %swap3A_828, %swap3A_829] {strides = array<i32>} : memref<25x4x128xf32, #tpu.memory_space<vmem>>, vector<1x1x16xf32>,
          %swap3A_831 = vector.shape_cast %swap3A_830 : vector<1x1x16xf32> to vector<16xf32>
          %swap3A_832 = vector.shape_cast %select_n3A_825 : vector<16xf32> to vector<1x1x16xf32>
          tpu.vector_store %arg6[%swap3A_827, %swap3A_828, %swap3A_829], %swap3A_832 {strides = array<i32>} : memref<25x4x128xf32, #tpu.memory_space<vmem>>, vector<1x1x16xf32>,
          %jit3A_833 = arith.constant -1.000000e+00 : f32
          %broadcast_in_dim3A_834 = vector.broadcast %jit3A_833 : f32 to vector<16xf32>
          %select_n3A_835 = arith.select %and3A_812, %convert_element_type3A_785, %broadcast_in_dim3A_834 : vector<16xi1>, vector<16xf32>
          %swap3A_836 = arith.constant 2 : i32
          %swap3A_837 = arith.index_cast %scan3A_87 : i32 to index
          %swap3A_838 = arith.index_cast %swap3A_836 : i32 to index
          %swap3A_839 = arith.constant 112 : index
          %swap3A_840 = tpu.vector_load %arg6[%swap3A_837, %swap3A_838, %swap3A_839] {strides = array<i32>} : memref<25x4x128xf32, #tpu.memory_space<vmem>>, vector<1x1x16xf32>,
          %swap3A_841 = vector.shape_cast %swap3A_840 : vector<1x1x16xf32> to vector<16xf32>
          %swap3A_842 = vector.shape_cast %select_n3A_835 : vector<16xf32> to vector<1x1x16xf32>
          tpu.vector_store %arg6[%swap3A_837, %swap3A_838, %swap3A_839], %swap3A_842 {strides = array<i32>} : memref<25x4x128xf32, #tpu.memory_space<vmem>>, vector<1x1x16xf32>,
          %scan3A_843 = arith.constant 0 : i32
          scf.yield %scan3A_843 : i32
        }
        %scan3A_78 = arith.constant 25 : i32
        %mul3A_79 = arith.constant 25 : i32
        %mul3A_80 = arith.muli %add3A_37, %mul3A_79 : i32
        %dma_start3A_81 = arith.constant 0 : i32
        %dma_start3A_82 = arith.constant 0 : i32
        %dma_start3A_83 = tpu.memref_slice %arg3[%mul3A_80, %dma_start3A_81, %dma_start3A_82] : memref<15625x4x128xf32, #tpu.memory_space<hbm>> -> memref<25x4x128xf32, #tpu.memory_space<hbm>>
        %dma_start3A_84 = arith.constant 0 : i32
        %dma_start3A_85 = arith.constant 0 : i32
        %dma_start3A_86 = tpu.memref_slice %arg3[%mul3A_80, %dma_start3A_84, %dma_start3A_85] : memref<15625x4x128xf32, #tpu.memory_space<hbm>> -> memref<25x4x128xf32, #tpu.memory_space<hbm>>
        tpu.enqueue_dma source(%arg6 : memref<25x4x128xf32, #tpu.memory_space<vmem>>) target(%dma_start3A_86 : memref<25x4x128xf32, #tpu.memory_space<hbm>>) target_semaphore(%arg10 : memref<!tpu.dma_semaphore, #tpu.memory_space<semaphore_mem>>)
      } else {
      }
      %mul3A_40 = arith.constant 2 : i32
      %mul3A_41 = arith.muli %scan3A_29, %mul3A_40 : i32
      %add3A_42 = arith.constant 1 : i32
      %add3A_43 = arith.addi %mul3A_41, %add3A_42 : i32
      %mul3A_44 = arith.constant 32 : i32
      %mul3A_45 = arith.muli %add3A_43, %mul3A_44 : i32
      %add3A_46 = arith.addi %add3A, %mul3A_45 : i32
      %lt3A_47 = arith.constant 625 : i32
      %lt3A_48 = arith.cmpi slt, %add3A_46, %lt3A_47 : i32
      %convert_element_type3A_49 = arith.extui %lt3A_48 : i1 to i32
      %cond3A_50 = arith.constant 0 : i32
      %cond3A_51 = arith.cmpi ne, %convert_element_type3A_49, %cond3A_50 : i32
      scf.if %cond3A_51 {
        %add3A_53 = arith.constant 32 : i32
        %add3A_54 = arith.addi %add3A_46, %add3A_53 : i32
        %lt3A_55 = arith.constant 625 : i32
        %lt3A_56 = arith.cmpi slt, %add3A_54, %lt3A_55 : i32
        %convert_element_type3A_57 = arith.extui %lt3A_56 : i1 to i32
        %cond3A_58 = arith.constant 0 : i32
        %cond3A_59 = arith.cmpi ne, %convert_element_type3A_57, %cond3A_58 : i32
        scf.if %cond3A_59 {
          %mul3A_87 = arith.constant 25 : i32
          %mul3A_88 = arith.muli %add3A_54, %mul3A_87 : i32
          %dma_start3A_89 = arith.constant 0 : i32
          %dma_start3A_90 = arith.constant 0 : i32
          %dma_start3A_91 = tpu.memref_slice %arg2[%mul3A_88, %dma_start3A_89, %dma_start3A_90] : memref<15625x4x128xf32, #tpu.memory_space<hbm>> -> memref<25x4x128xf32, #tpu.memory_space<hbm>>
          %dma_start3A_92 = arith.constant 0 : i32
          %dma_start3A_93 = arith.constant 0 : i32
          %dma_start3A_94 = tpu.memref_slice %arg2[%mul3A_88, %dma_start3A_92, %dma_start3A_93] : memref<15625x4x128xf32, #tpu.memory_space<hbm>> -> memref<25x4x128xf32, #tpu.memory_space<hbm>>
          tpu.enqueue_dma source(%dma_start3A_94 : memref<25x4x128xf32, #tpu.memory_space<hbm>>) target(%arg4 : memref<25x4x128xf32, #tpu.memory_space<vmem>>) target_semaphore(%arg8 : memref<!tpu.dma_semaphore, #tpu.memory_space<semaphore_mem>>)
        } else {
        }
        %mul3A_60 = arith.constant 25 : i32
        %mul3A_61 = arith.muli %add3A_46, %mul3A_60 : i32
        %dma_wait3A_62 = arith.constant 0 : i32
        %dma_wait3A_63 = arith.constant 0 : i32
        %dma_wait3A_64 = tpu.memref_slice %arg2[%mul3A_61, %dma_wait3A_62, %dma_wait3A_63] : memref<15625x4x128xf32, #tpu.memory_space<hbm>> -> memref<25x4x128xf32, #tpu.memory_space<hbm>>
        %dma_wait3A_65 = arith.constant 0 : i32
        %dma_wait3A_66 = arith.constant 0 : i32
        %dma_wait3A_67 = tpu.memref_slice %arg2[%mul3A_61, %dma_wait3A_65, %dma_wait3A_66] : memref<15625x4x128xf32, #tpu.memory_space<hbm>> -> memref<25x4x128xf32, #tpu.memory_space<hbm>>
        tpu.wait_dma2 semaphore(%arg9 : memref<!tpu.dma_semaphore, #tpu.memory_space<semaphore_mem>>) src(%dma_wait3A_67 : memref<25x4x128xf32, #tpu.memory_space<hbm>>) dst(%arg5 : memref<25x4x128xf32, #tpu.memory_space<vmem>>)
        %ge3A = arith.constant 2 : i32
        %ge3A_68 = arith.cmpi sge, %add3A_43, %ge3A : i32
        %convert_element_type3A_69 = arith.extui %ge3A_68 : i1 to i32
        %cond3A_70 = arith.constant 0 : i32
        %cond3A_71 = arith.cmpi ne, %convert_element_type3A_69, %cond3A_70 : i32
        scf.if %cond3A_71 {
          %mul3A_87 = arith.constant 25 : i32
          %mul3A_88 = arith.muli %add3A_46, %mul3A_87 : i32
          %dma_wait3A_89 = arith.constant 0 : i32
          %dma_wait3A_90 = arith.constant 0 : i32
          %dma_wait3A_91 = tpu.memref_slice %arg3[%mul3A_88, %dma_wait3A_89, %dma_wait3A_90] : memref<15625x4x128xf32, #tpu.memory_space<hbm>> -> memref<25x4x128xf32, #tpu.memory_space<hbm>>
          %dma_wait3A_92 = arith.constant 0 : i32
          %dma_wait3A_93 = arith.constant 0 : i32
          %dma_wait3A_94 = tpu.memref_slice %arg3[%mul3A_88, %dma_wait3A_92, %dma_wait3A_93] : memref<15625x4x128xf32, #tpu.memory_space<hbm>> -> memref<25x4x128xf32, #tpu.memory_space<hbm>>
          tpu.wait_dma2 semaphore(%arg11 : memref<!tpu.dma_semaphore, #tpu.memory_space<semaphore_mem>>) src(%arg7 : memref<25x4x128xf32, #tpu.memory_space<vmem>>) dst(%dma_wait3A_94 : memref<25x4x128xf32, #tpu.memory_space<hbm>>)
        } else {
        }
        %scan3A_72 = arith.constant 0 : i32
        %scan3A_73 = arith.constant 0 : i32
        %scan3A_74 = arith.constant 25 : i32
        %scan3A_75 = arith.addi %scan3A_73, %scan3A_74 : i32
        %scan3A_76 = arith.constant 1 : i32
        %scan3A_77 = scf.for %scan3A_87 = %scan3A_73 to %scan3A_75 step %scan3A_76 iter_args(%scan3A_88 = %scan3A_72) -> (i32)  : i32 {
          %get3A = arith.constant 0 : i32
          %get3A_89 = arith.index_cast %scan3A_87 : i32 to index
          %get3A_90 = arith.index_cast %get3A : i32 to index
          %get3A_91 = arith.constant 0 : index
          %get3A_92 = tpu.vector_load %arg5[%get3A_89, %get3A_90, %get3A_91] {strides = array<i32>} : memref<25x4x128xf32, #tpu.memory_space<vmem>>, vector<1x1x16xf32>,
          %get3A_93 = vector.shape_cast %get3A_92 : vector<1x1x16xf32> to vector<16xf32>
          %get3A_94 = arith.constant 1 : i32
          %get3A_95 = arith.index_cast %scan3A_87 : i32 to index
          %get3A_96 = arith.index_cast %get3A_94 : i32 to index
          %get3A_97 = arith.constant 0 : index
          %get3A_98 = tpu.vector_load %arg5[%get3A_95, %get3A_96, %get3A_97] {strides = array<i32>} : memref<25x4x128xf32, #tpu.memory_space<vmem>>, vector<1x1x16xf32>,
          %get3A_99 = vector.shape_cast %get3A_98 : vector<1x1x16xf32> to vector<16xf32>
          %get3A_100 = arith.constant 2 : i32
          %get3A_101 = arith.index_cast %scan3A_87 : i32 to index
          %get3A_102 = arith.index_cast %get3A_100 : i32 to index
          %get3A_103 = arith.constant 0 : index
          %get3A_104 = tpu.vector_load %arg5[%get3A_101, %get3A_102, %get3A_103] {strides = array<i32>} : memref<25x4x128xf32, #tpu.memory_space<vmem>>, vector<1x1x16xf32>,
          %get3A_105 = vector.shape_cast %get3A_104 : vector<1x1x16xf32> to vector<16xf32>
          %mul3A_106 = arith.constant 1.000000e+01 : f32
          %mul3A_107 = vector.broadcast %mul3A_106 : f32 to vector<16xf32>
          %mul3A_108 = arith.mulf %get3A_93, %mul3A_107 : vector<16xf32>
          %add3A_109 = arith.constant 5.000000e+02 : f32
          %add3A_110 = vector.broadcast %add3A_109 : f32 to vector<16xf32>
          %add3A_111 = arith.addf %mul3A_108, %add3A_110 : vector<16xf32>
          %mul3A_112 = arith.constant 1.000000e+01 : f32
          %mul3A_113 = vector.broadcast %mul3A_112 : f32 to vector<16xf32>
          %mul3A_114 = arith.mulf %get3A_99, %mul3A_113 : vector<16xf32>
          %add3A_115 = arith.constant 5.000000e+02 : f32
          %add3A_116 = vector.broadcast %add3A_115 : f32 to vector<16xf32>
          %add3A_117 = arith.addf %mul3A_114, %add3A_116 : vector<16xf32>
          %mul3A_118 = arith.constant 5.000000e+00 : f32
          %mul3A_119 = vector.broadcast %mul3A_118 : f32 to vector<16xf32>
          %mul3A_120 = arith.mulf %get3A_105, %mul3A_119 : vector<16xf32>
          %add3A_121 = arith.constant 5.000000e+00 : f32
          %add3A_122 = vector.broadcast %add3A_121 : f32 to vector<16xf32>
          %add3A_123 = arith.addf %mul3A_120, %add3A_122 : vector<16xf32>
          %convert_element_type3A_124 = arith.fptosi %add3A_111 : vector<16xf32> to vector<16xi32>
          %convert_element_type3A_125 = arith.sitofp %convert_element_type3A_124 : vector<16xi32> to vector<16xf32>
          %convert_element_type3A_126 = arith.fptosi %add3A_117 : vector<16xf32> to vector<16xi32>
          %convert_element_type3A_127 = arith.sitofp %convert_element_type3A_126 : vector<16xi32> to vector<16xf32>
          %convert_element_type3A_128 = arith.fptosi %add3A_123 : vector<16xf32> to vector<16xi32>
          %convert_element_type3A_129 = arith.sitofp %convert_element_type3A_128 : vector<16xi32> to vector<16xf32>
          %ge3A_130 = arith.constant 0.000000e+00 : f32
          %ge3A_131 = vector.broadcast %ge3A_130 : f32 to vector<16xf32>
          %ge3A_132 = arith.cmpf oge, %add3A_111, %ge3A_131 : vector<16xf32>
          %lt3A_133 = arith.constant 2.000000e+03 : f32
          %lt3A_134 = vector.broadcast %lt3A_133 : f32 to vector<16xf32>
          %lt3A_135 = arith.cmpf olt, %add3A_111, %lt3A_134 : vector<16xf32>
          %and3A = arith.andi %ge3A_132, %lt3A_135 : vector<16xi1>
          %ge3A_136 = arith.constant 0.000000e+00 : f32
          %ge3A_137 = vector.broadcast %ge3A_136 : f32 to vector<16xf32>
          %ge3A_138 = arith.cmpf oge, %add3A_117, %ge3A_137 : vector<16xf32>
          %and3A_139 = arith.andi %and3A, %ge3A_138 : vector<16xi1>
          %lt3A_140 = arith.constant 1.000000e+03 : f32
          %lt3A_141 = vector.broadcast %lt3A_140 : f32 to vector<16xf32>
          %lt3A_142 = arith.cmpf olt, %add3A_117, %lt3A_141 : vector<16xf32>
          %and3A_143 = arith.andi %and3A_139, %lt3A_142 : vector<16xi1>
          %ge3A_144 = arith.constant 0.000000e+00 : f32
          %ge3A_145 = vector.broadcast %ge3A_144 : f32 to vector<16xf32>
          %ge3A_146 = arith.cmpf oge, %add3A_123, %ge3A_145 : vector<16xf32>
          %and3A_147 = arith.andi %and3A_143, %ge3A_146 : vector<16xi1>
          %lt3A_148 = arith.constant 2.000000e+01 : f32
          %lt3A_149 = vector.broadcast %lt3A_148 : f32 to vector<16xf32>
          %lt3A_150 = arith.cmpf olt, %add3A_123, %lt3A_149 : vector<16xf32>
          %and3A_151 = arith.andi %and3A_147, %lt3A_150 : vector<16xi1>
          %jit3A = arith.constant -1.000000e+00 : f32
          %broadcast_in_dim3A = vector.broadcast %jit3A : f32 to vector<16xf32>
          %select_n3A = arith.select %and3A_151, %convert_element_type3A_129, %broadcast_in_dim3A : vector<16xi1>, vector<16xf32>
          %swap3A = arith.constant 0 : i32
          %swap3A_152 = arith.index_cast %scan3A_87 : i32 to index
          %swap3A_153 = arith.index_cast %swap3A : i32 to index
          %swap3A_154 = arith.constant 0 : index
          %swap3A_155 = tpu.vector_load %arg7[%swap3A_152, %swap3A_153, %swap3A_154] {strides = array<i32>} : memref<25x4x128xf32, #tpu.memory_space<vmem>>, vector<1x1x16xf32>,
          %swap3A_156 = vector.shape_cast %swap3A_155 : vector<1x1x16xf32> to vector<16xf32>
          %swap3A_157 = vector.shape_cast %select_n3A : vector<16xf32> to vector<1x1x16xf32>
          tpu.vector_store %arg7[%swap3A_152, %swap3A_153, %swap3A_154], %swap3A_157 {strides = array<i32>} : memref<25x4x128xf32, #tpu.memory_space<vmem>>, vector<1x1x16xf32>,
          %jit3A_158 = arith.constant -1.000000e+00 : f32
          %broadcast_in_dim3A_159 = vector.broadcast %jit3A_158 : f32 to vector<16xf32>
          %select_n3A_160 = arith.select %and3A_151, %convert_element_type3A_127, %broadcast_in_dim3A_159 : vector<16xi1>, vector<16xf32>
          %swap3A_161 = arith.constant 1 : i32
          %swap3A_162 = arith.index_cast %scan3A_87 : i32 to index
          %swap3A_163 = arith.index_cast %swap3A_161 : i32 to index
          %swap3A_164 = arith.constant 0 : index
          %swap3A_165 = tpu.vector_load %arg7[%swap3A_162, %swap3A_163, %swap3A_164] {strides = array<i32>} : memref<25x4x128xf32, #tpu.memory_space<vmem>>, vector<1x1x16xf32>,
          %swap3A_166 = vector.shape_cast %swap3A_165 : vector<1x1x16xf32> to vector<16xf32>
          %swap3A_167 = vector.shape_cast %select_n3A_160 : vector<16xf32> to vector<1x1x16xf32>
          tpu.vector_store %arg7[%swap3A_162, %swap3A_163, %swap3A_164], %swap3A_167 {strides = array<i32>} : memref<25x4x128xf32, #tpu.memory_space<vmem>>, vector<1x1x16xf32>,
          %jit3A_168 = arith.constant -1.000000e+00 : f32
          %broadcast_in_dim3A_169 = vector.broadcast %jit3A_168 : f32 to vector<16xf32>
          %select_n3A_170 = arith.select %and3A_151, %convert_element_type3A_125, %broadcast_in_dim3A_169 : vector<16xi1>, vector<16xf32>
          %swap3A_171 = arith.constant 2 : i32
          %swap3A_172 = arith.index_cast %scan3A_87 : i32 to index
          %swap3A_173 = arith.index_cast %swap3A_171 : i32 to index
          %swap3A_174 = arith.constant 0 : index
          %swap3A_175 = tpu.vector_load %arg7[%swap3A_172, %swap3A_173, %swap3A_174] {strides = array<i32>} : memref<25x4x128xf32, #tpu.memory_space<vmem>>, vector<1x1x16xf32>,
          %swap3A_176 = vector.shape_cast %swap3A_175 : vector<1x1x16xf32> to vector<16xf32>
          %swap3A_177 = vector.shape_cast %select_n3A_170 : vector<16xf32> to vector<1x1x16xf32>
          tpu.vector_store %arg7[%swap3A_172, %swap3A_173, %swap3A_174], %swap3A_177 {strides = array<i32>} : memref<25x4x128xf32, #tpu.memory_space<vmem>>, vector<1x1x16xf32>,
          %get3A_178 = arith.constant 0 : i32
          %get3A_179 = arith.index_cast %scan3A_87 : i32 to index
          %get3A_180 = arith.index_cast %get3A_178 : i32 to index
          %get3A_181 = arith.constant 16 : index
          %get3A_182 = tpu.vector_load %arg5[%get3A_179, %get3A_180, %get3A_181] {strides = array<i32>} : memref<25x4x128xf32, #tpu.memory_space<vmem>>, vector<1x1x16xf32>,
          %get3A_183 = vector.shape_cast %get3A_182 : vector<1x1x16xf32> to vector<16xf32>
          %get3A_184 = arith.constant 1 : i32
          %get3A_185 = arith.index_cast %scan3A_87 : i32 to index
          %get3A_186 = arith.index_cast %get3A_184 : i32 to index
          %get3A_187 = arith.constant 16 : index
          %get3A_188 = tpu.vector_load %arg5[%get3A_185, %get3A_186, %get3A_187] {strides = array<i32>} : memref<25x4x128xf32, #tpu.memory_space<vmem>>, vector<1x1x16xf32>,
          %get3A_189 = vector.shape_cast %get3A_188 : vector<1x1x16xf32> to vector<16xf32>
          %get3A_190 = arith.constant 2 : i32
          %get3A_191 = arith.index_cast %scan3A_87 : i32 to index
          %get3A_192 = arith.index_cast %get3A_190 : i32 to index
          %get3A_193 = arith.constant 16 : index
          %get3A_194 = tpu.vector_load %arg5[%get3A_191, %get3A_192, %get3A_193] {strides = array<i32>} : memref<25x4x128xf32, #tpu.memory_space<vmem>>, vector<1x1x16xf32>,
          %get3A_195 = vector.shape_cast %get3A_194 : vector<1x1x16xf32> to vector<16xf32>
          %mul3A_196 = arith.constant 1.000000e+01 : f32
          %mul3A_197 = vector.broadcast %mul3A_196 : f32 to vector<16xf32>
          %mul3A_198 = arith.mulf %get3A_183, %mul3A_197 : vector<16xf32>
          %add3A_199 = arith.constant 5.000000e+02 : f32
          %add3A_200 = vector.broadcast %add3A_199 : f32 to vector<16xf32>
          %add3A_201 = arith.addf %mul3A_198, %add3A_200 : vector<16xf32>
          %mul3A_202 = arith.constant 1.000000e+01 : f32
          %mul3A_203 = vector.broadcast %mul3A_202 : f32 to vector<16xf32>
          %mul3A_204 = arith.mulf %get3A_189, %mul3A_203 : vector<16xf32>
          %add3A_205 = arith.constant 5.000000e+02 : f32
          %add3A_206 = vector.broadcast %add3A_205 : f32 to vector<16xf32>
          %add3A_207 = arith.addf %mul3A_204, %add3A_206 : vector<16xf32>
          %mul3A_208 = arith.constant 5.000000e+00 : f32
          %mul3A_209 = vector.broadcast %mul3A_208 : f32 to vector<16xf32>
          %mul3A_210 = arith.mulf %get3A_195, %mul3A_209 : vector<16xf32>
          %add3A_211 = arith.constant 5.000000e+00 : f32
          %add3A_212 = vector.broadcast %add3A_211 : f32 to vector<16xf32>
          %add3A_213 = arith.addf %mul3A_210, %add3A_212 : vector<16xf32>
          %convert_element_type3A_214 = arith.fptosi %add3A_201 : vector<16xf32> to vector<16xi32>
          %convert_element_type3A_215 = arith.sitofp %convert_element_type3A_214 : vector<16xi32> to vector<16xf32>
          %convert_element_type3A_216 = arith.fptosi %add3A_207 : vector<16xf32> to vector<16xi32>
          %convert_element_type3A_217 = arith.sitofp %convert_element_type3A_216 : vector<16xi32> to vector<16xf32>
          %convert_element_type3A_218 = arith.fptosi %add3A_213 : vector<16xf32> to vector<16xi32>
          %convert_element_type3A_219 = arith.sitofp %convert_element_type3A_218 : vector<16xi32> to vector<16xf32>
          %ge3A_220 = arith.constant 0.000000e+00 : f32
          %ge3A_221 = vector.broadcast %ge3A_220 : f32 to vector<16xf32>
          %ge3A_222 = arith.cmpf oge, %add3A_201, %ge3A_221 : vector<16xf32>
          %lt3A_223 = arith.constant 2.000000e+03 : f32
          %lt3A_224 = vector.broadcast %lt3A_223 : f32 to vector<16xf32>
          %lt3A_225 = arith.cmpf olt, %add3A_201, %lt3A_224 : vector<16xf32>
          %and3A_226 = arith.andi %ge3A_222, %lt3A_225 : vector<16xi1>
          %ge3A_227 = arith.constant 0.000000e+00 : f32
          %ge3A_228 = vector.broadcast %ge3A_227 : f32 to vector<16xf32>
          %ge3A_229 = arith.cmpf oge, %add3A_207, %ge3A_228 : vector<16xf32>
          %and3A_230 = arith.andi %and3A_226, %ge3A_229 : vector<16xi1>
          %lt3A_231 = arith.constant 1.000000e+03 : f32
          %lt3A_232 = vector.broadcast %lt3A_231 : f32 to vector<16xf32>
          %lt3A_233 = arith.cmpf olt, %add3A_207, %lt3A_232 : vector<16xf32>
          %and3A_234 = arith.andi %and3A_230, %lt3A_233 : vector<16xi1>
          %ge3A_235 = arith.constant 0.000000e+00 : f32
          %ge3A_236 = vector.broadcast %ge3A_235 : f32 to vector<16xf32>
          %ge3A_237 = arith.cmpf oge, %add3A_213, %ge3A_236 : vector<16xf32>
          %and3A_238 = arith.andi %and3A_234, %ge3A_237 : vector<16xi1>
          %lt3A_239 = arith.constant 2.000000e+01 : f32
          %lt3A_240 = vector.broadcast %lt3A_239 : f32 to vector<16xf32>
          %lt3A_241 = arith.cmpf olt, %add3A_213, %lt3A_240 : vector<16xf32>
          %and3A_242 = arith.andi %and3A_238, %lt3A_241 : vector<16xi1>
          %jit3A_243 = arith.constant -1.000000e+00 : f32
          %broadcast_in_dim3A_244 = vector.broadcast %jit3A_243 : f32 to vector<16xf32>
          %select_n3A_245 = arith.select %and3A_242, %convert_element_type3A_219, %broadcast_in_dim3A_244 : vector<16xi1>, vector<16xf32>
          %swap3A_246 = arith.constant 0 : i32
          %swap3A_247 = arith.index_cast %scan3A_87 : i32 to index
          %swap3A_248 = arith.index_cast %swap3A_246 : i32 to index
          %swap3A_249 = arith.constant 16 : index
          %swap3A_250 = tpu.vector_load %arg7[%swap3A_247, %swap3A_248, %swap3A_249] {strides = array<i32>} : memref<25x4x128xf32, #tpu.memory_space<vmem>>, vector<1x1x16xf32>,
          %swap3A_251 = vector.shape_cast %swap3A_250 : vector<1x1x16xf32> to vector<16xf32>
          %swap3A_252 = vector.shape_cast %select_n3A_245 : vector<16xf32> to vector<1x1x16xf32>
          tpu.vector_store %arg7[%swap3A_247, %swap3A_248, %swap3A_249], %swap3A_252 {strides = array<i32>} : memref<25x4x128xf32, #tpu.memory_space<vmem>>, vector<1x1x16xf32>,
          %jit3A_253 = arith.constant -1.000000e+00 : f32
          %broadcast_in_dim3A_254 = vector.broadcast %jit3A_253 : f32 to vector<16xf32>
          %select_n3A_255 = arith.select %and3A_242, %convert_element_type3A_217, %broadcast_in_dim3A_254 : vector<16xi1>, vector<16xf32>
          %swap3A_256 = arith.constant 1 : i32
          %swap3A_257 = arith.index_cast %scan3A_87 : i32 to index
          %swap3A_258 = arith.index_cast %swap3A_256 : i32 to index
          %swap3A_259 = arith.constant 16 : index
          %swap3A_260 = tpu.vector_load %arg7[%swap3A_257, %swap3A_258, %swap3A_259] {strides = array<i32>} : memref<25x4x128xf32, #tpu.memory_space<vmem>>, vector<1x1x16xf32>,
          %swap3A_261 = vector.shape_cast %swap3A_260 : vector<1x1x16xf32> to vector<16xf32>
          %swap3A_262 = vector.shape_cast %select_n3A_255 : vector<16xf32> to vector<1x1x16xf32>
          tpu.vector_store %arg7[%swap3A_257, %swap3A_258, %swap3A_259], %swap3A_262 {strides = array<i32>} : memref<25x4x128xf32, #tpu.memory_space<vmem>>, vector<1x1x16xf32>,
          %jit3A_263 = arith.constant -1.000000e+00 : f32
          %broadcast_in_dim3A_264 = vector.broadcast %jit3A_263 : f32 to vector<16xf32>
          %select_n3A_265 = arith.select %and3A_242, %convert_element_type3A_215, %broadcast_in_dim3A_264 : vector<16xi1>, vector<16xf32>
          %swap3A_266 = arith.constant 2 : i32
          %swap3A_267 = arith.index_cast %scan3A_87 : i32 to index
          %swap3A_268 = arith.index_cast %swap3A_266 : i32 to index
          %swap3A_269 = arith.constant 16 : index
          %swap3A_270 = tpu.vector_load %arg7[%swap3A_267, %swap3A_268, %swap3A_269] {strides = array<i32>} : memref<25x4x128xf32, #tpu.memory_space<vmem>>, vector<1x1x16xf32>,
          %swap3A_271 = vector.shape_cast %swap3A_270 : vector<1x1x16xf32> to vector<16xf32>
          %swap3A_272 = vector.shape_cast %select_n3A_265 : vector<16xf32> to vector<1x1x16xf32>
          tpu.vector_store %arg7[%swap3A_267, %swap3A_268, %swap3A_269], %swap3A_272 {strides = array<i32>} : memref<25x4x128xf32, #tpu.memory_space<vmem>>, vector<1x1x16xf32>,
          %get3A_273 = arith.constant 0 : i32
          %get3A_274 = arith.index_cast %scan3A_87 : i32 to index
          %get3A_275 = arith.index_cast %get3A_273 : i32 to index
          %get3A_276 = arith.constant 32 : index
          %get3A_277 = tpu.vector_load %arg5[%get3A_274, %get3A_275, %get3A_276] {strides = array<i32>} : memref<25x4x128xf32, #tpu.memory_space<vmem>>, vector<1x1x16xf32>,
          %get3A_278 = vector.shape_cast %get3A_277 : vector<1x1x16xf32> to vector<16xf32>
          %get3A_279 = arith.constant 1 : i32
          %get3A_280 = arith.index_cast %scan3A_87 : i32 to index
          %get3A_281 = arith.index_cast %get3A_279 : i32 to index
          %get3A_282 = arith.constant 32 : index
          %get3A_283 = tpu.vector_load %arg5[%get3A_280, %get3A_281, %get3A_282] {strides = array<i32>} : memref<25x4x128xf32, #tpu.memory_space<vmem>>, vector<1x1x16xf32>,
          %get3A_284 = vector.shape_cast %get3A_283 : vector<1x1x16xf32> to vector<16xf32>
          %get3A_285 = arith.constant 2 : i32
          %get3A_286 = arith.index_cast %scan3A_87 : i32 to index
          %get3A_287 = arith.index_cast %get3A_285 : i32 to index
          %get3A_288 = arith.constant 32 : index
          %get3A_289 = tpu.vector_load %arg5[%get3A_286, %get3A_287, %get3A_288] {strides = array<i32>} : memref<25x4x128xf32, #tpu.memory_space<vmem>>, vector<1x1x16xf32>,
          %get3A_290 = vector.shape_cast %get3A_289 : vector<1x1x16xf32> to vector<16xf32>
          %mul3A_291 = arith.constant 1.000000e+01 : f32
          %mul3A_292 = vector.broadcast %mul3A_291 : f32 to vector<16xf32>
          %mul3A_293 = arith.mulf %get3A_278, %mul3A_292 : vector<16xf32>
          %add3A_294 = arith.constant 5.000000e+02 : f32
          %add3A_295 = vector.broadcast %add3A_294 : f32 to vector<16xf32>
          %add3A_296 = arith.addf %mul3A_293, %add3A_295 : vector<16xf32>
          %mul3A_297 = arith.constant 1.000000e+01 : f32
          %mul3A_298 = vector.broadcast %mul3A_297 : f32 to vector<16xf32>
          %mul3A_299 = arith.mulf %get3A_284, %mul3A_298 : vector<16xf32>
          %add3A_300 = arith.constant 5.000000e+02 : f32
          %add3A_301 = vector.broadcast %add3A_300 : f32 to vector<16xf32>
          %add3A_302 = arith.addf %mul3A_299, %add3A_301 : vector<16xf32>
          %mul3A_303 = arith.constant 5.000000e+00 : f32
          %mul3A_304 = vector.broadcast %mul3A_303 : f32 to vector<16xf32>
          %mul3A_305 = arith.mulf %get3A_290, %mul3A_304 : vector<16xf32>
          %add3A_306 = arith.constant 5.000000e+00 : f32
          %add3A_307 = vector.broadcast %add3A_306 : f32 to vector<16xf32>
          %add3A_308 = arith.addf %mul3A_305, %add3A_307 : vector<16xf32>
          %convert_element_type3A_309 = arith.fptosi %add3A_296 : vector<16xf32> to vector<16xi32>
          %convert_element_type3A_310 = arith.sitofp %convert_element_type3A_309 : vector<16xi32> to vector<16xf32>
          %convert_element_type3A_311 = arith.fptosi %add3A_302 : vector<16xf32> to vector<16xi32>
          %convert_element_type3A_312 = arith.sitofp %convert_element_type3A_311 : vector<16xi32> to vector<16xf32>
          %convert_element_type3A_313 = arith.fptosi %add3A_308 : vector<16xf32> to vector<16xi32>
          %convert_element_type3A_314 = arith.sitofp %convert_element_type3A_313 : vector<16xi32> to vector<16xf32>
          %ge3A_315 = arith.constant 0.000000e+00 : f32
          %ge3A_316 = vector.broadcast %ge3A_315 : f32 to vector<16xf32>
          %ge3A_317 = arith.cmpf oge, %add3A_296, %ge3A_316 : vector<16xf32>
          %lt3A_318 = arith.constant 2.000000e+03 : f32
          %lt3A_319 = vector.broadcast %lt3A_318 : f32 to vector<16xf32>
          %lt3A_320 = arith.cmpf olt, %add3A_296, %lt3A_319 : vector<16xf32>
          %and3A_321 = arith.andi %ge3A_317, %lt3A_320 : vector<16xi1>
          %ge3A_322 = arith.constant 0.000000e+00 : f32
          %ge3A_323 = vector.broadcast %ge3A_322 : f32 to vector<16xf32>
          %ge3A_324 = arith.cmpf oge, %add3A_302, %ge3A_323 : vector<16xf32>
          %and3A_325 = arith.andi %and3A_321, %ge3A_324 : vector<16xi1>
          %lt3A_326 = arith.constant 1.000000e+03 : f32
          %lt3A_327 = vector.broadcast %lt3A_326 : f32 to vector<16xf32>
          %lt3A_328 = arith.cmpf olt, %add3A_302, %lt3A_327 : vector<16xf32>
          %and3A_329 = arith.andi %and3A_325, %lt3A_328 : vector<16xi1>
          %ge3A_330 = arith.constant 0.000000e+00 : f32
          %ge3A_331 = vector.broadcast %ge3A_330 : f32 to vector<16xf32>
          %ge3A_332 = arith.cmpf oge, %add3A_308, %ge3A_331 : vector<16xf32>
          %and3A_333 = arith.andi %and3A_329, %ge3A_332 : vector<16xi1>
          %lt3A_334 = arith.constant 2.000000e+01 : f32
          %lt3A_335 = vector.broadcast %lt3A_334 : f32 to vector<16xf32>
          %lt3A_336 = arith.cmpf olt, %add3A_308, %lt3A_335 : vector<16xf32>
          %and3A_337 = arith.andi %and3A_333, %lt3A_336 : vector<16xi1>
          %jit3A_338 = arith.constant -1.000000e+00 : f32
          %broadcast_in_dim3A_339 = vector.broadcast %jit3A_338 : f32 to vector<16xf32>
          %select_n3A_340 = arith.select %and3A_337, %convert_element_type3A_314, %broadcast_in_dim3A_339 : vector<16xi1>, vector<16xf32>
          %swap3A_341 = arith.constant 0 : i32
          %swap3A_342 = arith.index_cast %scan3A_87 : i32 to index
          %swap3A_343 = arith.index_cast %swap3A_341 : i32 to index
          %swap3A_344 = arith.constant 32 : index
          %swap3A_345 = tpu.vector_load %arg7[%swap3A_342, %swap3A_343, %swap3A_344] {strides = array<i32>} : memref<25x4x128xf32, #tpu.memory_space<vmem>>, vector<1x1x16xf32>,
          %swap3A_346 = vector.shape_cast %swap3A_345 : vector<1x1x16xf32> to vector<16xf32>
          %swap3A_347 = vector.shape_cast %select_n3A_340 : vector<16xf32> to vector<1x1x16xf32>
          tpu.vector_store %arg7[%swap3A_342, %swap3A_343, %swap3A_344], %swap3A_347 {strides = array<i32>} : memref<25x4x128xf32, #tpu.memory_space<vmem>>, vector<1x1x16xf32>,
          %jit3A_348 = arith.constant -1.000000e+00 : f32
          %broadcast_in_dim3A_349 = vector.broadcast %jit3A_348 : f32 to vector<16xf32>
          %select_n3A_350 = arith.select %and3A_337, %convert_element_type3A_312, %broadcast_in_dim3A_349 : vector<16xi1>, vector<16xf32>
          %swap3A_351 = arith.constant 1 : i32
          %swap3A_352 = arith.index_cast %scan3A_87 : i32 to index
          %swap3A_353 = arith.index_cast %swap3A_351 : i32 to index
          %swap3A_354 = arith.constant 32 : index
          %swap3A_355 = tpu.vector_load %arg7[%swap3A_352, %swap3A_353, %swap3A_354] {strides = array<i32>} : memref<25x4x128xf32, #tpu.memory_space<vmem>>, vector<1x1x16xf32>,
          %swap3A_356 = vector.shape_cast %swap3A_355 : vector<1x1x16xf32> to vector<16xf32>
          %swap3A_357 = vector.shape_cast %select_n3A_350 : vector<16xf32> to vector<1x1x16xf32>
          tpu.vector_store %arg7[%swap3A_352, %swap3A_353, %swap3A_354], %swap3A_357 {strides = array<i32>} : memref<25x4x128xf32, #tpu.memory_space<vmem>>, vector<1x1x16xf32>,
          %jit3A_358 = arith.constant -1.000000e+00 : f32
          %broadcast_in_dim3A_359 = vector.broadcast %jit3A_358 : f32 to vector<16xf32>
          %select_n3A_360 = arith.select %and3A_337, %convert_element_type3A_310, %broadcast_in_dim3A_359 : vector<16xi1>, vector<16xf32>
          %swap3A_361 = arith.constant 2 : i32
          %swap3A_362 = arith.index_cast %scan3A_87 : i32 to index
          %swap3A_363 = arith.index_cast %swap3A_361 : i32 to index
          %swap3A_364 = arith.constant 32 : index
          %swap3A_365 = tpu.vector_load %arg7[%swap3A_362, %swap3A_363, %swap3A_364] {strides = array<i32>} : memref<25x4x128xf32, #tpu.memory_space<vmem>>, vector<1x1x16xf32>,
          %swap3A_366 = vector.shape_cast %swap3A_365 : vector<1x1x16xf32> to vector<16xf32>
          %swap3A_367 = vector.shape_cast %select_n3A_360 : vector<16xf32> to vector<1x1x16xf32>
          tpu.vector_store %arg7[%swap3A_362, %swap3A_363, %swap3A_364], %swap3A_367 {strides = array<i32>} : memref<25x4x128xf32, #tpu.memory_space<vmem>>, vector<1x1x16xf32>,
          %get3A_368 = arith.constant 0 : i32
          %get3A_369 = arith.index_cast %scan3A_87 : i32 to index
          %get3A_370 = arith.index_cast %get3A_368 : i32 to index
          %get3A_371 = arith.constant 48 : index
          %get3A_372 = tpu.vector_load %arg5[%get3A_369, %get3A_370, %get3A_371] {strides = array<i32>} : memref<25x4x128xf32, #tpu.memory_space<vmem>>, vector<1x1x16xf32>,
          %get3A_373 = vector.shape_cast %get3A_372 : vector<1x1x16xf32> to vector<16xf32>
          %get3A_374 = arith.constant 1 : i32
          %get3A_375 = arith.index_cast %scan3A_87 : i32 to index
          %get3A_376 = arith.index_cast %get3A_374 : i32 to index
          %get3A_377 = arith.constant 48 : index
          %get3A_378 = tpu.vector_load %arg5[%get3A_375, %get3A_376, %get3A_377] {strides = array<i32>} : memref<25x4x128xf32, #tpu.memory_space<vmem>>, vector<1x1x16xf32>,
          %get3A_379 = vector.shape_cast %get3A_378 : vector<1x1x16xf32> to vector<16xf32>
          %get3A_380 = arith.constant 2 : i32
          %get3A_381 = arith.index_cast %scan3A_87 : i32 to index
          %get3A_382 = arith.index_cast %get3A_380 : i32 to index
          %get3A_383 = arith.constant 48 : index
          %get3A_384 = tpu.vector_load %arg5[%get3A_381, %get3A_382, %get3A_383] {strides = array<i32>} : memref<25x4x128xf32, #tpu.memory_space<vmem>>, vector<1x1x16xf32>,
          %get3A_385 = vector.shape_cast %get3A_384 : vector<1x1x16xf32> to vector<16xf32>
          %mul3A_386 = arith.constant 1.000000e+01 : f32
          %mul3A_387 = vector.broadcast %mul3A_386 : f32 to vector<16xf32>
          %mul3A_388 = arith.mulf %get3A_373, %mul3A_387 : vector<16xf32>
          %add3A_389 = arith.constant 5.000000e+02 : f32
          %add3A_390 = vector.broadcast %add3A_389 : f32 to vector<16xf32>
          %add3A_391 = arith.addf %mul3A_388, %add3A_390 : vector<16xf32>
          %mul3A_392 = arith.constant 1.000000e+01 : f32
          %mul3A_393 = vector.broadcast %mul3A_392 : f32 to vector<16xf32>
          %mul3A_394 = arith.mulf %get3A_379, %mul3A_393 : vector<16xf32>
          %add3A_395 = arith.constant 5.000000e+02 : f32
          %add3A_396 = vector.broadcast %add3A_395 : f32 to vector<16xf32>
          %add3A_397 = arith.addf %mul3A_394, %add3A_396 : vector<16xf32>
          %mul3A_398 = arith.constant 5.000000e+00 : f32
          %mul3A_399 = vector.broadcast %mul3A_398 : f32 to vector<16xf32>
          %mul3A_400 = arith.mulf %get3A_385, %mul3A_399 : vector<16xf32>
          %add3A_401 = arith.constant 5.000000e+00 : f32
          %add3A_402 = vector.broadcast %add3A_401 : f32 to vector<16xf32>
          %add3A_403 = arith.addf %mul3A_400, %add3A_402 : vector<16xf32>
          %convert_element_type3A_404 = arith.fptosi %add3A_391 : vector<16xf32> to vector<16xi32>
          %convert_element_type3A_405 = arith.sitofp %convert_element_type3A_404 : vector<16xi32> to vector<16xf32>
          %convert_element_type3A_406 = arith.fptosi %add3A_397 : vector<16xf32> to vector<16xi32>
          %convert_element_type3A_407 = arith.sitofp %convert_element_type3A_406 : vector<16xi32> to vector<16xf32>
          %convert_element_type3A_408 = arith.fptosi %add3A_403 : vector<16xf32> to vector<16xi32>
          %convert_element_type3A_409 = arith.sitofp %convert_element_type3A_408 : vector<16xi32> to vector<16xf32>
          %ge3A_410 = arith.constant 0.000000e+00 : f32
          %ge3A_411 = vector.broadcast %ge3A_410 : f32 to vector<16xf32>
          %ge3A_412 = arith.cmpf oge, %add3A_391, %ge3A_411 : vector<16xf32>
          %lt3A_413 = arith.constant 2.000000e+03 : f32
          %lt3A_414 = vector.broadcast %lt3A_413 : f32 to vector<16xf32>
          %lt3A_415 = arith.cmpf olt, %add3A_391, %lt3A_414 : vector<16xf32>
          %and3A_416 = arith.andi %ge3A_412, %lt3A_415 : vector<16xi1>
          %ge3A_417 = arith.constant 0.000000e+00 : f32
          %ge3A_418 = vector.broadcast %ge3A_417 : f32 to vector<16xf32>
          %ge3A_419 = arith.cmpf oge, %add3A_397, %ge3A_418 : vector<16xf32>
          %and3A_420 = arith.andi %and3A_416, %ge3A_419 : vector<16xi1>
          %lt3A_421 = arith.constant 1.000000e+03 : f32
          %lt3A_422 = vector.broadcast %lt3A_421 : f32 to vector<16xf32>
          %lt3A_423 = arith.cmpf olt, %add3A_397, %lt3A_422 : vector<16xf32>
          %and3A_424 = arith.andi %and3A_420, %lt3A_423 : vector<16xi1>
          %ge3A_425 = arith.constant 0.000000e+00 : f32
          %ge3A_426 = vector.broadcast %ge3A_425 : f32 to vector<16xf32>
          %ge3A_427 = arith.cmpf oge, %add3A_403, %ge3A_426 : vector<16xf32>
          %and3A_428 = arith.andi %and3A_424, %ge3A_427 : vector<16xi1>
          %lt3A_429 = arith.constant 2.000000e+01 : f32
          %lt3A_430 = vector.broadcast %lt3A_429 : f32 to vector<16xf32>
          %lt3A_431 = arith.cmpf olt, %add3A_403, %lt3A_430 : vector<16xf32>
          %and3A_432 = arith.andi %and3A_428, %lt3A_431 : vector<16xi1>
          %jit3A_433 = arith.constant -1.000000e+00 : f32
          %broadcast_in_dim3A_434 = vector.broadcast %jit3A_433 : f32 to vector<16xf32>
          %select_n3A_435 = arith.select %and3A_432, %convert_element_type3A_409, %broadcast_in_dim3A_434 : vector<16xi1>, vector<16xf32>
          %swap3A_436 = arith.constant 0 : i32
          %swap3A_437 = arith.index_cast %scan3A_87 : i32 to index
          %swap3A_438 = arith.index_cast %swap3A_436 : i32 to index
          %swap3A_439 = arith.constant 48 : index
          %swap3A_440 = tpu.vector_load %arg7[%swap3A_437, %swap3A_438, %swap3A_439] {strides = array<i32>} : memref<25x4x128xf32, #tpu.memory_space<vmem>>, vector<1x1x16xf32>,
          %swap3A_441 = vector.shape_cast %swap3A_440 : vector<1x1x16xf32> to vector<16xf32>
          %swap3A_442 = vector.shape_cast %select_n3A_435 : vector<16xf32> to vector<1x1x16xf32>
          tpu.vector_store %arg7[%swap3A_437, %swap3A_438, %swap3A_439], %swap3A_442 {strides = array<i32>} : memref<25x4x128xf32, #tpu.memory_space<vmem>>, vector<1x1x16xf32>,
          %jit3A_443 = arith.constant -1.000000e+00 : f32
          %broadcast_in_dim3A_444 = vector.broadcast %jit3A_443 : f32 to vector<16xf32>
          %select_n3A_445 = arith.select %and3A_432, %convert_element_type3A_407, %broadcast_in_dim3A_444 : vector<16xi1>, vector<16xf32>
          %swap3A_446 = arith.constant 1 : i32
          %swap3A_447 = arith.index_cast %scan3A_87 : i32 to index
          %swap3A_448 = arith.index_cast %swap3A_446 : i32 to index
          %swap3A_449 = arith.constant 48 : index
          %swap3A_450 = tpu.vector_load %arg7[%swap3A_447, %swap3A_448, %swap3A_449] {strides = array<i32>} : memref<25x4x128xf32, #tpu.memory_space<vmem>>, vector<1x1x16xf32>,
          %swap3A_451 = vector.shape_cast %swap3A_450 : vector<1x1x16xf32> to vector<16xf32>
          %swap3A_452 = vector.shape_cast %select_n3A_445 : vector<16xf32> to vector<1x1x16xf32>
          tpu.vector_store %arg7[%swap3A_447, %swap3A_448, %swap3A_449], %swap3A_452 {strides = array<i32>} : memref<25x4x128xf32, #tpu.memory_space<vmem>>, vector<1x1x16xf32>,
          %jit3A_453 = arith.constant -1.000000e+00 : f32
          %broadcast_in_dim3A_454 = vector.broadcast %jit3A_453 : f32 to vector<16xf32>
          %select_n3A_455 = arith.select %and3A_432, %convert_element_type3A_405, %broadcast_in_dim3A_454 : vector<16xi1>, vector<16xf32>
          %swap3A_456 = arith.constant 2 : i32
          %swap3A_457 = arith.index_cast %scan3A_87 : i32 to index
          %swap3A_458 = arith.index_cast %swap3A_456 : i32 to index
          %swap3A_459 = arith.constant 48 : index
          %swap3A_460 = tpu.vector_load %arg7[%swap3A_457, %swap3A_458, %swap3A_459] {strides = array<i32>} : memref<25x4x128xf32, #tpu.memory_space<vmem>>, vector<1x1x16xf32>,
          %swap3A_461 = vector.shape_cast %swap3A_460 : vector<1x1x16xf32> to vector<16xf32>
          %swap3A_462 = vector.shape_cast %select_n3A_455 : vector<16xf32> to vector<1x1x16xf32>
          tpu.vector_store %arg7[%swap3A_457, %swap3A_458, %swap3A_459], %swap3A_462 {strides = array<i32>} : memref<25x4x128xf32, #tpu.memory_space<vmem>>, vector<1x1x16xf32>,
          %get3A_463 = arith.constant 0 : i32
          %get3A_464 = arith.index_cast %scan3A_87 : i32 to index
          %get3A_465 = arith.index_cast %get3A_463 : i32 to index
          %get3A_466 = arith.constant 64 : index
          %get3A_467 = tpu.vector_load %arg5[%get3A_464, %get3A_465, %get3A_466] {strides = array<i32>} : memref<25x4x128xf32, #tpu.memory_space<vmem>>, vector<1x1x16xf32>,
          %get3A_468 = vector.shape_cast %get3A_467 : vector<1x1x16xf32> to vector<16xf32>
          %get3A_469 = arith.constant 1 : i32
          %get3A_470 = arith.index_cast %scan3A_87 : i32 to index
          %get3A_471 = arith.index_cast %get3A_469 : i32 to index
          %get3A_472 = arith.constant 64 : index
          %get3A_473 = tpu.vector_load %arg5[%get3A_470, %get3A_471, %get3A_472] {strides = array<i32>} : memref<25x4x128xf32, #tpu.memory_space<vmem>>, vector<1x1x16xf32>,
          %get3A_474 = vector.shape_cast %get3A_473 : vector<1x1x16xf32> to vector<16xf32>
          %get3A_475 = arith.constant 2 : i32
          %get3A_476 = arith.index_cast %scan3A_87 : i32 to index
          %get3A_477 = arith.index_cast %get3A_475 : i32 to index
          %get3A_478 = arith.constant 64 : index
          %get3A_479 = tpu.vector_load %arg5[%get3A_476, %get3A_477, %get3A_478] {strides = array<i32>} : memref<25x4x128xf32, #tpu.memory_space<vmem>>, vector<1x1x16xf32>,
          %get3A_480 = vector.shape_cast %get3A_479 : vector<1x1x16xf32> to vector<16xf32>
          %mul3A_481 = arith.constant 1.000000e+01 : f32
          %mul3A_482 = vector.broadcast %mul3A_481 : f32 to vector<16xf32>
          %mul3A_483 = arith.mulf %get3A_468, %mul3A_482 : vector<16xf32>
          %add3A_484 = arith.constant 5.000000e+02 : f32
          %add3A_485 = vector.broadcast %add3A_484 : f32 to vector<16xf32>
          %add3A_486 = arith.addf %mul3A_483, %add3A_485 : vector<16xf32>
          %mul3A_487 = arith.constant 1.000000e+01 : f32
          %mul3A_488 = vector.broadcast %mul3A_487 : f32 to vector<16xf32>
          %mul3A_489 = arith.mulf %get3A_474, %mul3A_488 : vector<16xf32>
          %add3A_490 = arith.constant 5.000000e+02 : f32
          %add3A_491 = vector.broadcast %add3A_490 : f32 to vector<16xf32>
          %add3A_492 = arith.addf %mul3A_489, %add3A_491 : vector<16xf32>
          %mul3A_493 = arith.constant 5.000000e+00 : f32
          %mul3A_494 = vector.broadcast %mul3A_493 : f32 to vector<16xf32>
          %mul3A_495 = arith.mulf %get3A_480, %mul3A_494 : vector<16xf32>
          %add3A_496 = arith.constant 5.000000e+00 : f32
          %add3A_497 = vector.broadcast %add3A_496 : f32 to vector<16xf32>
          %add3A_498 = arith.addf %mul3A_495, %add3A_497 : vector<16xf32>
          %convert_element_type3A_499 = arith.fptosi %add3A_486 : vector<16xf32> to vector<16xi32>
          %convert_element_type3A_500 = arith.sitofp %convert_element_type3A_499 : vector<16xi32> to vector<16xf32>
          %convert_element_type3A_501 = arith.fptosi %add3A_492 : vector<16xf32> to vector<16xi32>
          %convert_element_type3A_502 = arith.sitofp %convert_element_type3A_501 : vector<16xi32> to vector<16xf32>
          %convert_element_type3A_503 = arith.fptosi %add3A_498 : vector<16xf32> to vector<16xi32>
          %convert_element_type3A_504 = arith.sitofp %convert_element_type3A_503 : vector<16xi32> to vector<16xf32>
          %ge3A_505 = arith.constant 0.000000e+00 : f32
          %ge3A_506 = vector.broadcast %ge3A_505 : f32 to vector<16xf32>
          %ge3A_507 = arith.cmpf oge, %add3A_486, %ge3A_506 : vector<16xf32>
          %lt3A_508 = arith.constant 2.000000e+03 : f32
          %lt3A_509 = vector.broadcast %lt3A_508 : f32 to vector<16xf32>
          %lt3A_510 = arith.cmpf olt, %add3A_486, %lt3A_509 : vector<16xf32>
          %and3A_511 = arith.andi %ge3A_507, %lt3A_510 : vector<16xi1>
          %ge3A_512 = arith.constant 0.000000e+00 : f32
          %ge3A_513 = vector.broadcast %ge3A_512 : f32 to vector<16xf32>
          %ge3A_514 = arith.cmpf oge, %add3A_492, %ge3A_513 : vector<16xf32>
          %and3A_515 = arith.andi %and3A_511, %ge3A_514 : vector<16xi1>
          %lt3A_516 = arith.constant 1.000000e+03 : f32
          %lt3A_517 = vector.broadcast %lt3A_516 : f32 to vector<16xf32>
          %lt3A_518 = arith.cmpf olt, %add3A_492, %lt3A_517 : vector<16xf32>
          %and3A_519 = arith.andi %and3A_515, %lt3A_518 : vector<16xi1>
          %ge3A_520 = arith.constant 0.000000e+00 : f32
          %ge3A_521 = vector.broadcast %ge3A_520 : f32 to vector<16xf32>
          %ge3A_522 = arith.cmpf oge, %add3A_498, %ge3A_521 : vector<16xf32>
          %and3A_523 = arith.andi %and3A_519, %ge3A_522 : vector<16xi1>
          %lt3A_524 = arith.constant 2.000000e+01 : f32
          %lt3A_525 = vector.broadcast %lt3A_524 : f32 to vector<16xf32>
          %lt3A_526 = arith.cmpf olt, %add3A_498, %lt3A_525 : vector<16xf32>
          %and3A_527 = arith.andi %and3A_523, %lt3A_526 : vector<16xi1>
          %jit3A_528 = arith.constant -1.000000e+00 : f32
          %broadcast_in_dim3A_529 = vector.broadcast %jit3A_528 : f32 to vector<16xf32>
          %select_n3A_530 = arith.select %and3A_527, %convert_element_type3A_504, %broadcast_in_dim3A_529 : vector<16xi1>, vector<16xf32>
          %swap3A_531 = arith.constant 0 : i32
          %swap3A_532 = arith.index_cast %scan3A_87 : i32 to index
          %swap3A_533 = arith.index_cast %swap3A_531 : i32 to index
          %swap3A_534 = arith.constant 64 : index
          %swap3A_535 = tpu.vector_load %arg7[%swap3A_532, %swap3A_533, %swap3A_534] {strides = array<i32>} : memref<25x4x128xf32, #tpu.memory_space<vmem>>, vector<1x1x16xf32>,
          %swap3A_536 = vector.shape_cast %swap3A_535 : vector<1x1x16xf32> to vector<16xf32>
          %swap3A_537 = vector.shape_cast %select_n3A_530 : vector<16xf32> to vector<1x1x16xf32>
          tpu.vector_store %arg7[%swap3A_532, %swap3A_533, %swap3A_534], %swap3A_537 {strides = array<i32>} : memref<25x4x128xf32, #tpu.memory_space<vmem>>, vector<1x1x16xf32>,
          %jit3A_538 = arith.constant -1.000000e+00 : f32
          %broadcast_in_dim3A_539 = vector.broadcast %jit3A_538 : f32 to vector<16xf32>
          %select_n3A_540 = arith.select %and3A_527, %convert_element_type3A_502, %broadcast_in_dim3A_539 : vector<16xi1>, vector<16xf32>
          %swap3A_541 = arith.constant 1 : i32
          %swap3A_542 = arith.index_cast %scan3A_87 : i32 to index
          %swap3A_543 = arith.index_cast %swap3A_541 : i32 to index
          %swap3A_544 = arith.constant 64 : index
          %swap3A_545 = tpu.vector_load %arg7[%swap3A_542, %swap3A_543, %swap3A_544] {strides = array<i32>} : memref<25x4x128xf32, #tpu.memory_space<vmem>>, vector<1x1x16xf32>,
          %swap3A_546 = vector.shape_cast %swap3A_545 : vector<1x1x16xf32> to vector<16xf32>
          %swap3A_547 = vector.shape_cast %select_n3A_540 : vector<16xf32> to vector<1x1x16xf32>
          tpu.vector_store %arg7[%swap3A_542, %swap3A_543, %swap3A_544], %swap3A_547 {strides = array<i32>} : memref<25x4x128xf32, #tpu.memory_space<vmem>>, vector<1x1x16xf32>,
          %jit3A_548 = arith.constant -1.000000e+00 : f32
          %broadcast_in_dim3A_549 = vector.broadcast %jit3A_548 : f32 to vector<16xf32>
          %select_n3A_550 = arith.select %and3A_527, %convert_element_type3A_500, %broadcast_in_dim3A_549 : vector<16xi1>, vector<16xf32>
          %swap3A_551 = arith.constant 2 : i32
          %swap3A_552 = arith.index_cast %scan3A_87 : i32 to index
          %swap3A_553 = arith.index_cast %swap3A_551 : i32 to index
          %swap3A_554 = arith.constant 64 : index
          %swap3A_555 = tpu.vector_load %arg7[%swap3A_552, %swap3A_553, %swap3A_554] {strides = array<i32>} : memref<25x4x128xf32, #tpu.memory_space<vmem>>, vector<1x1x16xf32>,
          %swap3A_556 = vector.shape_cast %swap3A_555 : vector<1x1x16xf32> to vector<16xf32>
          %swap3A_557 = vector.shape_cast %select_n3A_550 : vector<16xf32> to vector<1x1x16xf32>
          tpu.vector_store %arg7[%swap3A_552, %swap3A_553, %swap3A_554], %swap3A_557 {strides = array<i32>} : memref<25x4x128xf32, #tpu.memory_space<vmem>>, vector<1x1x16xf32>,
          %get3A_558 = arith.constant 0 : i32
          %get3A_559 = arith.index_cast %scan3A_87 : i32 to index
          %get3A_560 = arith.index_cast %get3A_558 : i32 to index
          %get3A_561 = arith.constant 80 : index
          %get3A_562 = tpu.vector_load %arg5[%get3A_559, %get3A_560, %get3A_561] {strides = array<i32>} : memref<25x4x128xf32, #tpu.memory_space<vmem>>, vector<1x1x16xf32>,
          %get3A_563 = vector.shape_cast %get3A_562 : vector<1x1x16xf32> to vector<16xf32>
          %get3A_564 = arith.constant 1 : i32
          %get3A_565 = arith.index_cast %scan3A_87 : i32 to index
          %get3A_566 = arith.index_cast %get3A_564 : i32 to index
          %get3A_567 = arith.constant 80 : index
          %get3A_568 = tpu.vector_load %arg5[%get3A_565, %get3A_566, %get3A_567] {strides = array<i32>} : memref<25x4x128xf32, #tpu.memory_space<vmem>>, vector<1x1x16xf32>,
          %get3A_569 = vector.shape_cast %get3A_568 : vector<1x1x16xf32> to vector<16xf32>
          %get3A_570 = arith.constant 2 : i32
          %get3A_571 = arith.index_cast %scan3A_87 : i32 to index
          %get3A_572 = arith.index_cast %get3A_570 : i32 to index
          %get3A_573 = arith.constant 80 : index
          %get3A_574 = tpu.vector_load %arg5[%get3A_571, %get3A_572, %get3A_573] {strides = array<i32>} : memref<25x4x128xf32, #tpu.memory_space<vmem>>, vector<1x1x16xf32>,
          %get3A_575 = vector.shape_cast %get3A_574 : vector<1x1x16xf32> to vector<16xf32>
          %mul3A_576 = arith.constant 1.000000e+01 : f32
          %mul3A_577 = vector.broadcast %mul3A_576 : f32 to vector<16xf32>
          %mul3A_578 = arith.mulf %get3A_563, %mul3A_577 : vector<16xf32>
          %add3A_579 = arith.constant 5.000000e+02 : f32
          %add3A_580 = vector.broadcast %add3A_579 : f32 to vector<16xf32>
          %add3A_581 = arith.addf %mul3A_578, %add3A_580 : vector<16xf32>
          %mul3A_582 = arith.constant 1.000000e+01 : f32
          %mul3A_583 = vector.broadcast %mul3A_582 : f32 to vector<16xf32>
          %mul3A_584 = arith.mulf %get3A_569, %mul3A_583 : vector<16xf32>
          %add3A_585 = arith.constant 5.000000e+02 : f32
          %add3A_586 = vector.broadcast %add3A_585 : f32 to vector<16xf32>
          %add3A_587 = arith.addf %mul3A_584, %add3A_586 : vector<16xf32>
          %mul3A_588 = arith.constant 5.000000e+00 : f32
          %mul3A_589 = vector.broadcast %mul3A_588 : f32 to vector<16xf32>
          %mul3A_590 = arith.mulf %get3A_575, %mul3A_589 : vector<16xf32>
          %add3A_591 = arith.constant 5.000000e+00 : f32
          %add3A_592 = vector.broadcast %add3A_591 : f32 to vector<16xf32>
          %add3A_593 = arith.addf %mul3A_590, %add3A_592 : vector<16xf32>
          %convert_element_type3A_594 = arith.fptosi %add3A_581 : vector<16xf32> to vector<16xi32>
          %convert_element_type3A_595 = arith.sitofp %convert_element_type3A_594 : vector<16xi32> to vector<16xf32>
          %convert_element_type3A_596 = arith.fptosi %add3A_587 : vector<16xf32> to vector<16xi32>
          %convert_element_type3A_597 = arith.sitofp %convert_element_type3A_596 : vector<16xi32> to vector<16xf32>
          %convert_element_type3A_598 = arith.fptosi %add3A_593 : vector<16xf32> to vector<16xi32>
          %convert_element_type3A_599 = arith.sitofp %convert_element_type3A_598 : vector<16xi32> to vector<16xf32>
          %ge3A_600 = arith.constant 0.000000e+00 : f32
          %ge3A_601 = vector.broadcast %ge3A_600 : f32 to vector<16xf32>
          %ge3A_602 = arith.cmpf oge, %add3A_581, %ge3A_601 : vector<16xf32>
          %lt3A_603 = arith.constant 2.000000e+03 : f32
          %lt3A_604 = vector.broadcast %lt3A_603 : f32 to vector<16xf32>
          %lt3A_605 = arith.cmpf olt, %add3A_581, %lt3A_604 : vector<16xf32>
          %and3A_606 = arith.andi %ge3A_602, %lt3A_605 : vector<16xi1>
          %ge3A_607 = arith.constant 0.000000e+00 : f32
          %ge3A_608 = vector.broadcast %ge3A_607 : f32 to vector<16xf32>
          %ge3A_609 = arith.cmpf oge, %add3A_587, %ge3A_608 : vector<16xf32>
          %and3A_610 = arith.andi %and3A_606, %ge3A_609 : vector<16xi1>
          %lt3A_611 = arith.constant 1.000000e+03 : f32
          %lt3A_612 = vector.broadcast %lt3A_611 : f32 to vector<16xf32>
          %lt3A_613 = arith.cmpf olt, %add3A_587, %lt3A_612 : vector<16xf32>
          %and3A_614 = arith.andi %and3A_610, %lt3A_613 : vector<16xi1>
          %ge3A_615 = arith.constant 0.000000e+00 : f32
          %ge3A_616 = vector.broadcast %ge3A_615 : f32 to vector<16xf32>
          %ge3A_617 = arith.cmpf oge, %add3A_593, %ge3A_616 : vector<16xf32>
          %and3A_618 = arith.andi %and3A_614, %ge3A_617 : vector<16xi1>
          %lt3A_619 = arith.constant 2.000000e+01 : f32
          %lt3A_620 = vector.broadcast %lt3A_619 : f32 to vector<16xf32>
          %lt3A_621 = arith.cmpf olt, %add3A_593, %lt3A_620 : vector<16xf32>
          %and3A_622 = arith.andi %and3A_618, %lt3A_621 : vector<16xi1>
          %jit3A_623 = arith.constant -1.000000e+00 : f32
          %broadcast_in_dim3A_624 = vector.broadcast %jit3A_623 : f32 to vector<16xf32>
          %select_n3A_625 = arith.select %and3A_622, %convert_element_type3A_599, %broadcast_in_dim3A_624 : vector<16xi1>, vector<16xf32>
          %swap3A_626 = arith.constant 0 : i32
          %swap3A_627 = arith.index_cast %scan3A_87 : i32 to index
          %swap3A_628 = arith.index_cast %swap3A_626 : i32 to index
          %swap3A_629 = arith.constant 80 : index
          %swap3A_630 = tpu.vector_load %arg7[%swap3A_627, %swap3A_628, %swap3A_629] {strides = array<i32>} : memref<25x4x128xf32, #tpu.memory_space<vmem>>, vector<1x1x16xf32>,
          %swap3A_631 = vector.shape_cast %swap3A_630 : vector<1x1x16xf32> to vector<16xf32>
          %swap3A_632 = vector.shape_cast %select_n3A_625 : vector<16xf32> to vector<1x1x16xf32>
          tpu.vector_store %arg7[%swap3A_627, %swap3A_628, %swap3A_629], %swap3A_632 {strides = array<i32>} : memref<25x4x128xf32, #tpu.memory_space<vmem>>, vector<1x1x16xf32>,
          %jit3A_633 = arith.constant -1.000000e+00 : f32
          %broadcast_in_dim3A_634 = vector.broadcast %jit3A_633 : f32 to vector<16xf32>
          %select_n3A_635 = arith.select %and3A_622, %convert_element_type3A_597, %broadcast_in_dim3A_634 : vector<16xi1>, vector<16xf32>
          %swap3A_636 = arith.constant 1 : i32
          %swap3A_637 = arith.index_cast %scan3A_87 : i32 to index
          %swap3A_638 = arith.index_cast %swap3A_636 : i32 to index
          %swap3A_639 = arith.constant 80 : index
          %swap3A_640 = tpu.vector_load %arg7[%swap3A_637, %swap3A_638, %swap3A_639] {strides = array<i32>} : memref<25x4x128xf32, #tpu.memory_space<vmem>>, vector<1x1x16xf32>,
          %swap3A_641 = vector.shape_cast %swap3A_640 : vector<1x1x16xf32> to vector<16xf32>
          %swap3A_642 = vector.shape_cast %select_n3A_635 : vector<16xf32> to vector<1x1x16xf32>
          tpu.vector_store %arg7[%swap3A_637, %swap3A_638, %swap3A_639], %swap3A_642 {strides = array<i32>} : memref<25x4x128xf32, #tpu.memory_space<vmem>>, vector<1x1x16xf32>,
          %jit3A_643 = arith.constant -1.000000e+00 : f32
          %broadcast_in_dim3A_644 = vector.broadcast %jit3A_643 : f32 to vector<16xf32>
          %select_n3A_645 = arith.select %and3A_622, %convert_element_type3A_595, %broadcast_in_dim3A_644 : vector<16xi1>, vector<16xf32>
          %swap3A_646 = arith.constant 2 : i32
          %swap3A_647 = arith.index_cast %scan3A_87 : i32 to index
          %swap3A_648 = arith.index_cast %swap3A_646 : i32 to index
          %swap3A_649 = arith.constant 80 : index
          %swap3A_650 = tpu.vector_load %arg7[%swap3A_647, %swap3A_648, %swap3A_649] {strides = array<i32>} : memref<25x4x128xf32, #tpu.memory_space<vmem>>, vector<1x1x16xf32>,
          %swap3A_651 = vector.shape_cast %swap3A_650 : vector<1x1x16xf32> to vector<16xf32>
          %swap3A_652 = vector.shape_cast %select_n3A_645 : vector<16xf32> to vector<1x1x16xf32>
          tpu.vector_store %arg7[%swap3A_647, %swap3A_648, %swap3A_649], %swap3A_652 {strides = array<i32>} : memref<25x4x128xf32, #tpu.memory_space<vmem>>, vector<1x1x16xf32>,
          %get3A_653 = arith.constant 0 : i32
          %get3A_654 = arith.index_cast %scan3A_87 : i32 to index
          %get3A_655 = arith.index_cast %get3A_653 : i32 to index
          %get3A_656 = arith.constant 96 : index
          %get3A_657 = tpu.vector_load %arg5[%get3A_654, %get3A_655, %get3A_656] {strides = array<i32>} : memref<25x4x128xf32, #tpu.memory_space<vmem>>, vector<1x1x16xf32>,
          %get3A_658 = vector.shape_cast %get3A_657 : vector<1x1x16xf32> to vector<16xf32>
          %get3A_659 = arith.constant 1 : i32
          %get3A_660 = arith.index_cast %scan3A_87 : i32 to index
          %get3A_661 = arith.index_cast %get3A_659 : i32 to index
          %get3A_662 = arith.constant 96 : index
          %get3A_663 = tpu.vector_load %arg5[%get3A_660, %get3A_661, %get3A_662] {strides = array<i32>} : memref<25x4x128xf32, #tpu.memory_space<vmem>>, vector<1x1x16xf32>,
          %get3A_664 = vector.shape_cast %get3A_663 : vector<1x1x16xf32> to vector<16xf32>
          %get3A_665 = arith.constant 2 : i32
          %get3A_666 = arith.index_cast %scan3A_87 : i32 to index
          %get3A_667 = arith.index_cast %get3A_665 : i32 to index
          %get3A_668 = arith.constant 96 : index
          %get3A_669 = tpu.vector_load %arg5[%get3A_666, %get3A_667, %get3A_668] {strides = array<i32>} : memref<25x4x128xf32, #tpu.memory_space<vmem>>, vector<1x1x16xf32>,
          %get3A_670 = vector.shape_cast %get3A_669 : vector<1x1x16xf32> to vector<16xf32>
          %mul3A_671 = arith.constant 1.000000e+01 : f32
          %mul3A_672 = vector.broadcast %mul3A_671 : f32 to vector<16xf32>
          %mul3A_673 = arith.mulf %get3A_658, %mul3A_672 : vector<16xf32>
          %add3A_674 = arith.constant 5.000000e+02 : f32
          %add3A_675 = vector.broadcast %add3A_674 : f32 to vector<16xf32>
          %add3A_676 = arith.addf %mul3A_673, %add3A_675 : vector<16xf32>
          %mul3A_677 = arith.constant 1.000000e+01 : f32
          %mul3A_678 = vector.broadcast %mul3A_677 : f32 to vector<16xf32>
          %mul3A_679 = arith.mulf %get3A_664, %mul3A_678 : vector<16xf32>
          %add3A_680 = arith.constant 5.000000e+02 : f32
          %add3A_681 = vector.broadcast %add3A_680 : f32 to vector<16xf32>
          %add3A_682 = arith.addf %mul3A_679, %add3A_681 : vector<16xf32>
          %mul3A_683 = arith.constant 5.000000e+00 : f32
          %mul3A_684 = vector.broadcast %mul3A_683 : f32 to vector<16xf32>
          %mul3A_685 = arith.mulf %get3A_670, %mul3A_684 : vector<16xf32>
          %add3A_686 = arith.constant 5.000000e+00 : f32
          %add3A_687 = vector.broadcast %add3A_686 : f32 to vector<16xf32>
          %add3A_688 = arith.addf %mul3A_685, %add3A_687 : vector<16xf32>
          %convert_element_type3A_689 = arith.fptosi %add3A_676 : vector<16xf32> to vector<16xi32>
          %convert_element_type3A_690 = arith.sitofp %convert_element_type3A_689 : vector<16xi32> to vector<16xf32>
          %convert_element_type3A_691 = arith.fptosi %add3A_682 : vector<16xf32> to vector<16xi32>
          %convert_element_type3A_692 = arith.sitofp %convert_element_type3A_691 : vector<16xi32> to vector<16xf32>
          %convert_element_type3A_693 = arith.fptosi %add3A_688 : vector<16xf32> to vector<16xi32>
          %convert_element_type3A_694 = arith.sitofp %convert_element_type3A_693 : vector<16xi32> to vector<16xf32>
          %ge3A_695 = arith.constant 0.000000e+00 : f32
          %ge3A_696 = vector.broadcast %ge3A_695 : f32 to vector<16xf32>
          %ge3A_697 = arith.cmpf oge, %add3A_676, %ge3A_696 : vector<16xf32>
          %lt3A_698 = arith.constant 2.000000e+03 : f32
          %lt3A_699 = vector.broadcast %lt3A_698 : f32 to vector<16xf32>
          %lt3A_700 = arith.cmpf olt, %add3A_676, %lt3A_699 : vector<16xf32>
          %and3A_701 = arith.andi %ge3A_697, %lt3A_700 : vector<16xi1>
          %ge3A_702 = arith.constant 0.000000e+00 : f32
          %ge3A_703 = vector.broadcast %ge3A_702 : f32 to vector<16xf32>
          %ge3A_704 = arith.cmpf oge, %add3A_682, %ge3A_703 : vector<16xf32>
          %and3A_705 = arith.andi %and3A_701, %ge3A_704 : vector<16xi1>
          %lt3A_706 = arith.constant 1.000000e+03 : f32
          %lt3A_707 = vector.broadcast %lt3A_706 : f32 to vector<16xf32>
          %lt3A_708 = arith.cmpf olt, %add3A_682, %lt3A_707 : vector<16xf32>
          %and3A_709 = arith.andi %and3A_705, %lt3A_708 : vector<16xi1>
          %ge3A_710 = arith.constant 0.000000e+00 : f32
          %ge3A_711 = vector.broadcast %ge3A_710 : f32 to vector<16xf32>
          %ge3A_712 = arith.cmpf oge, %add3A_688, %ge3A_711 : vector<16xf32>
          %and3A_713 = arith.andi %and3A_709, %ge3A_712 : vector<16xi1>
          %lt3A_714 = arith.constant 2.000000e+01 : f32
          %lt3A_715 = vector.broadcast %lt3A_714 : f32 to vector<16xf32>
          %lt3A_716 = arith.cmpf olt, %add3A_688, %lt3A_715 : vector<16xf32>
          %and3A_717 = arith.andi %and3A_713, %lt3A_716 : vector<16xi1>
          %jit3A_718 = arith.constant -1.000000e+00 : f32
          %broadcast_in_dim3A_719 = vector.broadcast %jit3A_718 : f32 to vector<16xf32>
          %select_n3A_720 = arith.select %and3A_717, %convert_element_type3A_694, %broadcast_in_dim3A_719 : vector<16xi1>, vector<16xf32>
          %swap3A_721 = arith.constant 0 : i32
          %swap3A_722 = arith.index_cast %scan3A_87 : i32 to index
          %swap3A_723 = arith.index_cast %swap3A_721 : i32 to index
          %swap3A_724 = arith.constant 96 : index
          %swap3A_725 = tpu.vector_load %arg7[%swap3A_722, %swap3A_723, %swap3A_724] {strides = array<i32>} : memref<25x4x128xf32, #tpu.memory_space<vmem>>, vector<1x1x16xf32>,
          %swap3A_726 = vector.shape_cast %swap3A_725 : vector<1x1x16xf32> to vector<16xf32>
          %swap3A_727 = vector.shape_cast %select_n3A_720 : vector<16xf32> to vector<1x1x16xf32>
          tpu.vector_store %arg7[%swap3A_722, %swap3A_723, %swap3A_724], %swap3A_727 {strides = array<i32>} : memref<25x4x128xf32, #tpu.memory_space<vmem>>, vector<1x1x16xf32>,
          %jit3A_728 = arith.constant -1.000000e+00 : f32
          %broadcast_in_dim3A_729 = vector.broadcast %jit3A_728 : f32 to vector<16xf32>
          %select_n3A_730 = arith.select %and3A_717, %convert_element_type3A_692, %broadcast_in_dim3A_729 : vector<16xi1>, vector<16xf32>
          %swap3A_731 = arith.constant 1 : i32
          %swap3A_732 = arith.index_cast %scan3A_87 : i32 to index
          %swap3A_733 = arith.index_cast %swap3A_731 : i32 to index
          %swap3A_734 = arith.constant 96 : index
          %swap3A_735 = tpu.vector_load %arg7[%swap3A_732, %swap3A_733, %swap3A_734] {strides = array<i32>} : memref<25x4x128xf32, #tpu.memory_space<vmem>>, vector<1x1x16xf32>,
          %swap3A_736 = vector.shape_cast %swap3A_735 : vector<1x1x16xf32> to vector<16xf32>
          %swap3A_737 = vector.shape_cast %select_n3A_730 : vector<16xf32> to vector<1x1x16xf32>
          tpu.vector_store %arg7[%swap3A_732, %swap3A_733, %swap3A_734], %swap3A_737 {strides = array<i32>} : memref<25x4x128xf32, #tpu.memory_space<vmem>>, vector<1x1x16xf32>,
          %jit3A_738 = arith.constant -1.000000e+00 : f32
          %broadcast_in_dim3A_739 = vector.broadcast %jit3A_738 : f32 to vector<16xf32>
          %select_n3A_740 = arith.select %and3A_717, %convert_element_type3A_690, %broadcast_in_dim3A_739 : vector<16xi1>, vector<16xf32>
          %swap3A_741 = arith.constant 2 : i32
          %swap3A_742 = arith.index_cast %scan3A_87 : i32 to index
          %swap3A_743 = arith.index_cast %swap3A_741 : i32 to index
          %swap3A_744 = arith.constant 96 : index
          %swap3A_745 = tpu.vector_load %arg7[%swap3A_742, %swap3A_743, %swap3A_744] {strides = array<i32>} : memref<25x4x128xf32, #tpu.memory_space<vmem>>, vector<1x1x16xf32>,
          %swap3A_746 = vector.shape_cast %swap3A_745 : vector<1x1x16xf32> to vector<16xf32>
          %swap3A_747 = vector.shape_cast %select_n3A_740 : vector<16xf32> to vector<1x1x16xf32>
          tpu.vector_store %arg7[%swap3A_742, %swap3A_743, %swap3A_744], %swap3A_747 {strides = array<i32>} : memref<25x4x128xf32, #tpu.memory_space<vmem>>, vector<1x1x16xf32>,
          %get3A_748 = arith.constant 0 : i32
          %get3A_749 = arith.index_cast %scan3A_87 : i32 to index
          %get3A_750 = arith.index_cast %get3A_748 : i32 to index
          %get3A_751 = arith.constant 112 : index
          %get3A_752 = tpu.vector_load %arg5[%get3A_749, %get3A_750, %get3A_751] {strides = array<i32>} : memref<25x4x128xf32, #tpu.memory_space<vmem>>, vector<1x1x16xf32>,
          %get3A_753 = vector.shape_cast %get3A_752 : vector<1x1x16xf32> to vector<16xf32>
          %get3A_754 = arith.constant 1 : i32
          %get3A_755 = arith.index_cast %scan3A_87 : i32 to index
          %get3A_756 = arith.index_cast %get3A_754 : i32 to index
          %get3A_757 = arith.constant 112 : index
          %get3A_758 = tpu.vector_load %arg5[%get3A_755, %get3A_756, %get3A_757] {strides = array<i32>} : memref<25x4x128xf32, #tpu.memory_space<vmem>>, vector<1x1x16xf32>,
          %get3A_759 = vector.shape_cast %get3A_758 : vector<1x1x16xf32> to vector<16xf32>
          %get3A_760 = arith.constant 2 : i32
          %get3A_761 = arith.index_cast %scan3A_87 : i32 to index
          %get3A_762 = arith.index_cast %get3A_760 : i32 to index
          %get3A_763 = arith.constant 112 : index
          %get3A_764 = tpu.vector_load %arg5[%get3A_761, %get3A_762, %get3A_763] {strides = array<i32>} : memref<25x4x128xf32, #tpu.memory_space<vmem>>, vector<1x1x16xf32>,
          %get3A_765 = vector.shape_cast %get3A_764 : vector<1x1x16xf32> to vector<16xf32>
          %mul3A_766 = arith.constant 1.000000e+01 : f32
          %mul3A_767 = vector.broadcast %mul3A_766 : f32 to vector<16xf32>
          %mul3A_768 = arith.mulf %get3A_753, %mul3A_767 : vector<16xf32>
          %add3A_769 = arith.constant 5.000000e+02 : f32
          %add3A_770 = vector.broadcast %add3A_769 : f32 to vector<16xf32>
          %add3A_771 = arith.addf %mul3A_768, %add3A_770 : vector<16xf32>
          %mul3A_772 = arith.constant 1.000000e+01 : f32
          %mul3A_773 = vector.broadcast %mul3A_772 : f32 to vector<16xf32>
          %mul3A_774 = arith.mulf %get3A_759, %mul3A_773 : vector<16xf32>
          %add3A_775 = arith.constant 5.000000e+02 : f32
          %add3A_776 = vector.broadcast %add3A_775 : f32 to vector<16xf32>
          %add3A_777 = arith.addf %mul3A_774, %add3A_776 : vector<16xf32>
          %mul3A_778 = arith.constant 5.000000e+00 : f32
          %mul3A_779 = vector.broadcast %mul3A_778 : f32 to vector<16xf32>
          %mul3A_780 = arith.mulf %get3A_765, %mul3A_779 : vector<16xf32>
          %add3A_781 = arith.constant 5.000000e+00 : f32
          %add3A_782 = vector.broadcast %add3A_781 : f32 to vector<16xf32>
          %add3A_783 = arith.addf %mul3A_780, %add3A_782 : vector<16xf32>
          %convert_element_type3A_784 = arith.fptosi %add3A_771 : vector<16xf32> to vector<16xi32>
          %convert_element_type3A_785 = arith.sitofp %convert_element_type3A_784 : vector<16xi32> to vector<16xf32>
          %convert_element_type3A_786 = arith.fptosi %add3A_777 : vector<16xf32> to vector<16xi32>
          %convert_element_type3A_787 = arith.sitofp %convert_element_type3A_786 : vector<16xi32> to vector<16xf32>
          %convert_element_type3A_788 = arith.fptosi %add3A_783 : vector<16xf32> to vector<16xi32>
          %convert_element_type3A_789 = arith.sitofp %convert_element_type3A_788 : vector<16xi32> to vector<16xf32>
          %ge3A_790 = arith.constant 0.000000e+00 : f32
          %ge3A_791 = vector.broadcast %ge3A_790 : f32 to vector<16xf32>
          %ge3A_792 = arith.cmpf oge, %add3A_771, %ge3A_791 : vector<16xf32>
          %lt3A_793 = arith.constant 2.000000e+03 : f32
          %lt3A_794 = vector.broadcast %lt3A_793 : f32 to vector<16xf32>
          %lt3A_795 = arith.cmpf olt, %add3A_771, %lt3A_794 : vector<16xf32>
          %and3A_796 = arith.andi %ge3A_792, %lt3A_795 : vector<16xi1>
          %ge3A_797 = arith.constant 0.000000e+00 : f32
          %ge3A_798 = vector.broadcast %ge3A_797 : f32 to vector<16xf32>
          %ge3A_799 = arith.cmpf oge, %add3A_777, %ge3A_798 : vector<16xf32>
          %and3A_800 = arith.andi %and3A_796, %ge3A_799 : vector<16xi1>
          %lt3A_801 = arith.constant 1.000000e+03 : f32
          %lt3A_802 = vector.broadcast %lt3A_801 : f32 to vector<16xf32>
          %lt3A_803 = arith.cmpf olt, %add3A_777, %lt3A_802 : vector<16xf32>
          %and3A_804 = arith.andi %and3A_800, %lt3A_803 : vector<16xi1>
          %ge3A_805 = arith.constant 0.000000e+00 : f32
          %ge3A_806 = vector.broadcast %ge3A_805 : f32 to vector<16xf32>
          %ge3A_807 = arith.cmpf oge, %add3A_783, %ge3A_806 : vector<16xf32>
          %and3A_808 = arith.andi %and3A_804, %ge3A_807 : vector<16xi1>
          %lt3A_809 = arith.constant 2.000000e+01 : f32
          %lt3A_810 = vector.broadcast %lt3A_809 : f32 to vector<16xf32>
          %lt3A_811 = arith.cmpf olt, %add3A_783, %lt3A_810 : vector<16xf32>
          %and3A_812 = arith.andi %and3A_808, %lt3A_811 : vector<16xi1>
          %jit3A_813 = arith.constant -1.000000e+00 : f32
          %broadcast_in_dim3A_814 = vector.broadcast %jit3A_813 : f32 to vector<16xf32>
          %select_n3A_815 = arith.select %and3A_812, %convert_element_type3A_789, %broadcast_in_dim3A_814 : vector<16xi1>, vector<16xf32>
          %swap3A_816 = arith.constant 0 : i32
          %swap3A_817 = arith.index_cast %scan3A_87 : i32 to index
          %swap3A_818 = arith.index_cast %swap3A_816 : i32 to index
          %swap3A_819 = arith.constant 112 : index
          %swap3A_820 = tpu.vector_load %arg7[%swap3A_817, %swap3A_818, %swap3A_819] {strides = array<i32>} : memref<25x4x128xf32, #tpu.memory_space<vmem>>, vector<1x1x16xf32>,
          %swap3A_821 = vector.shape_cast %swap3A_820 : vector<1x1x16xf32> to vector<16xf32>
          %swap3A_822 = vector.shape_cast %select_n3A_815 : vector<16xf32> to vector<1x1x16xf32>
          tpu.vector_store %arg7[%swap3A_817, %swap3A_818, %swap3A_819], %swap3A_822 {strides = array<i32>} : memref<25x4x128xf32, #tpu.memory_space<vmem>>, vector<1x1x16xf32>,
          %jit3A_823 = arith.constant -1.000000e+00 : f32
          %broadcast_in_dim3A_824 = vector.broadcast %jit3A_823 : f32 to vector<16xf32>
          %select_n3A_825 = arith.select %and3A_812, %convert_element_type3A_787, %broadcast_in_dim3A_824 : vector<16xi1>, vector<16xf32>
          %swap3A_826 = arith.constant 1 : i32
          %swap3A_827 = arith.index_cast %scan3A_87 : i32 to index
          %swap3A_828 = arith.index_cast %swap3A_826 : i32 to index
          %swap3A_829 = arith.constant 112 : index
          %swap3A_830 = tpu.vector_load %arg7[%swap3A_827, %swap3A_828, %swap3A_829] {strides = array<i32>} : memref<25x4x128xf32, #tpu.memory_space<vmem>>, vector<1x1x16xf32>,
          %swap3A_831 = vector.shape_cast %swap3A_830 : vector<1x1x16xf32> to vector<16xf32>
          %swap3A_832 = vector.shape_cast %select_n3A_825 : vector<16xf32> to vector<1x1x16xf32>
          tpu.vector_store %arg7[%swap3A_827, %swap3A_828, %swap3A_829], %swap3A_832 {strides = array<i32>} : memref<25x4x128xf32, #tpu.memory_space<vmem>>, vector<1x1x16xf32>,
          %jit3A_833 = arith.constant -1.000000e+00 : f32
          %broadcast_in_dim3A_834 = vector.broadcast %jit3A_833 : f32 to vector<16xf32>
          %select_n3A_835 = arith.select %and3A_812, %convert_element_type3A_785, %broadcast_in_dim3A_834 : vector<16xi1>, vector<16xf32>
          %swap3A_836 = arith.constant 2 : i32
          %swap3A_837 = arith.index_cast %scan3A_87 : i32 to index
          %swap3A_838 = arith.index_cast %swap3A_836 : i32 to index
          %swap3A_839 = arith.constant 112 : index
          %swap3A_840 = tpu.vector_load %arg7[%swap3A_837, %swap3A_838, %swap3A_839] {strides = array<i32>} : memref<25x4x128xf32, #tpu.memory_space<vmem>>, vector<1x1x16xf32>,
          %swap3A_841 = vector.shape_cast %swap3A_840 : vector<1x1x16xf32> to vector<16xf32>
          %swap3A_842 = vector.shape_cast %select_n3A_835 : vector<16xf32> to vector<1x1x16xf32>
          tpu.vector_store %arg7[%swap3A_837, %swap3A_838, %swap3A_839], %swap3A_842 {strides = array<i32>} : memref<25x4x128xf32, #tpu.memory_space<vmem>>, vector<1x1x16xf32>,
          %scan3A_843 = arith.constant 0 : i32
          scf.yield %scan3A_843 : i32
        }
        %scan3A_78 = arith.constant 25 : i32
        %mul3A_79 = arith.constant 25 : i32
        %mul3A_80 = arith.muli %add3A_46, %mul3A_79 : i32
        %dma_start3A_81 = arith.constant 0 : i32
        %dma_start3A_82 = arith.constant 0 : i32
        %dma_start3A_83 = tpu.memref_slice %arg3[%mul3A_80, %dma_start3A_81, %dma_start3A_82] : memref<15625x4x128xf32, #tpu.memory_space<hbm>> -> memref<25x4x128xf32, #tpu.memory_space<hbm>>
        %dma_start3A_84 = arith.constant 0 : i32
        %dma_start3A_85 = arith.constant 0 : i32
        %dma_start3A_86 = tpu.memref_slice %arg3[%mul3A_80, %dma_start3A_84, %dma_start3A_85] : memref<15625x4x128xf32, #tpu.memory_space<hbm>> -> memref<25x4x128xf32, #tpu.memory_space<hbm>>
        tpu.enqueue_dma source(%arg7 : memref<25x4x128xf32, #tpu.memory_space<vmem>>) target(%dma_start3A_86 : memref<25x4x128xf32, #tpu.memory_space<hbm>>) target_semaphore(%arg11 : memref<!tpu.dma_semaphore, #tpu.memory_space<semaphore_mem>>)
      } else {
      }
      %scan3A_52 = arith.constant 0 : i32
      scf.yield %scan3A_52 : i32
    }
    %scan3A_13 = arith.constant 10 : i32
    %mul3A_14 = arith.constant 25 : i32
    %mul3A_15 = arith.muli %add3A, %mul3A_14 : i32
    %dma_wait3A = arith.constant 0 : i32
    %dma_wait3A_16 = arith.constant 0 : i32
    %dma_wait3A_17 = tpu.memref_slice %arg3[%mul3A_15, %dma_wait3A, %dma_wait3A_16] : memref<15625x4x128xf32, #tpu.memory_space<hbm>> -> memref<25x4x128xf32, #tpu.memory_space<hbm>>
    %dma_wait3A_18 = arith.constant 0 : i32
    %dma_wait3A_19 = arith.constant 0 : i32
    %dma_wait3A_20 = tpu.memref_slice %arg3[%mul3A_15, %dma_wait3A_18, %dma_wait3A_19] : memref<15625x4x128xf32, #tpu.memory_space<hbm>> -> memref<25x4x128xf32, #tpu.memory_space<hbm>>
    tpu.wait_dma2 semaphore(%arg10 : memref<!tpu.dma_semaphore, #tpu.memory_space<semaphore_mem>>) src(%arg6 : memref<25x4x128xf32, #tpu.memory_space<vmem>>) dst(%dma_wait3A_20 : memref<25x4x128xf32, #tpu.memory_space<hbm>>)
    %mul3A_21 = arith.constant 25 : i32
    %mul3A_22 = arith.muli %add3A, %mul3A_21 : i32
    %dma_wait3A_23 = arith.constant 0 : i32
    %dma_wait3A_24 = arith.constant 0 : i32
    %dma_wait3A_25 = tpu.memref_slice %arg3[%mul3A_22, %dma_wait3A_23, %dma_wait3A_24] : memref<15625x4x128xf32, #tpu.memory_space<hbm>> -> memref<25x4x128xf32, #tpu.memory_space<hbm>>
    %dma_wait3A_26 = arith.constant 0 : i32
    %dma_wait3A_27 = arith.constant 0 : i32
    %dma_wait3A_28 = tpu.memref_slice %arg3[%mul3A_22, %dma_wait3A_26, %dma_wait3A_27] : memref<15625x4x128xf32, #tpu.memory_space<hbm>> -> memref<25x4x128xf32, #tpu.memory_space<hbm>>
    tpu.wait_dma2 semaphore(%arg11 : memref<!tpu.dma_semaphore, #tpu.memory_space<semaphore_mem>>) src(%arg7 : memref<25x4x128xf32, #tpu.memory_space<vmem>>) dst(%dma_wait3A_28 : memref<25x4x128xf32, #tpu.memory_space<hbm>>)
    return
  }
}

</mosaic_0001>

<sc_bundles>
// kernel: kernel.3.cloned.1.call-start
scs
__scs_entry_jumppad:
0x0: {  	(pc) =	sbr.rel $0x88, $3  }
0x1: {  	(tag) =	ssettag $0x0;
	lr =	simm.s32 $0x1  }
0x2: {  	[smem:$0x3FA0] =	sst lr;
	_ =	strace $0xD0000000  }
0x3: {  	_ = 	snop  }
0x4: {  	_ = 	snop  }
0x5: {  	_ = 	snop  }
0x6: {  	_ = 	snop  }
0x7: {  	_ = 	snop  }
__scs_overlays_trampoline_lowered:
0x8: {  	[smem:$0x3FAF] =	sst s0  }
0x9: {  	[smem:$0x3FB0] =	sst s1  }
0xa: {  	[smem:$0x3FB1] =	sst s2  }
0xb: {  	[smem:$0x3FB2] =	sst s3  }
0xc: {  	[smem:$0x3FB3] =	sst s4  }
0xd: {  	[smem:$0x3FB4] =	sst s5  }
0xe: {  	[smem:$0x3FB5] =	sst s6  }
0xf: {  	[smem:$0x3FB6] =	sst s7  }
0x10: {  	[smem:$0x3FB7] =	sst s8  }
0x11: {  	[smem:$0x3FB8] =	sst s9;
	s0 =	simm.s32 @!p0 $0x0  }
0x12: {  	s1 =	sld [smem:$0x3F9E];
	s0 =	simm.s32 @p0 $0x1  }
0x13: {  	[smem:$0x3FB9] =	sst s0;
	s0 =	simm.s32 @!p1 $0x0  }
0x14: {  	s2 =	sld [smem:$0x3F9D];
	s0 =	simm.s32 @p1 $0x1  }
0x15: {  	[smem:$0x3FBA] =	sst s0;
	s0 =	simm.s32 @!p2 $0x0  }
0x16: {  	s3 =	sld [smem:$0x3FDB];
	s0 =	simm.s32 @p2 $0x1  }
0x17: {  	s4 =	simm.s32 $0x1BF5;
	[smem:$0x3FBC] =	sst s0  }
0x18: {  	s0 =	sld [smem:$0x3F9F];
	_ =	swait.ge [sflag:s4], $0x0  }
0x19: {  	s7 =	sld [smem:$0x3FA0]  }
0x1a: {  	s8 =	sadd.s32 $0xFFFFE003, lr  }
0x1b: {  	s9 =	sadd.s32 $0xFFFFFEF7, lr;
	s5 =	simm.s32 $0xFFFFFFFF;
	p2 =	slt.u32 s8, $0xFFFFF086  }
0x1c: {  	p1 =	slt.u32 s9, $0xF7A;
	s5 =	simm.s32 @!p2 $0x0  }
0x1d: {  	s5 =	simm.s32 @p1 $0x1;
	p0 =	seq.s32 s7, s2  }
0x1e: {  	s7 =	smul.u32 @!p0 $0xF7A, s2;
	p2 =	seq.s32 @!p0 s5, $0x0  }
0x1f: {  	s9 =	smul.u32 $0xF7A, s1;
	s8 =	simm.s32 @!p0 $0x1BF5;
	p2 =	por !p2, p0  }
0x20: {  	[sflag:s8] =	ssyncset.s32 @!p0 $0xFFFFF086;
	s6 =	sadd.s32 @!p0 s3, s7;
	s7 =	simm.s32 @!p0 $0x108  }
0x21: {  	s3 =	sadd.s32 s3, s9;
	s6 =	sadd.s32 @!p0 $0x88, s6;
	s7 =	simm.s32 @p2 $0x1082  }
0x22: {  	[simem:s7], [sflag:s8] =	dma.local @!p0 [hbm:s6], $0xF7A  }
0x23: {  	s9 =	sor.u32 $0xD0000000, s2;
	s6 =	simm.s32 $0x108;
	_ =	swait.ge @!p0 [sflag:s8], $0x0  }
0x24: {  	s3 =	sadd.s32 $0x88, s3;
	s6 =	simm.s32 @!p1 $0x1082;
	[sflag:s4] =	ssyncset.s32 $0xFFFFF086  }
0x25: {  	[simem:s6], [sflag:s4] =	dma.local [hbm:s3], $0xF7A  }
0x26: {  	[smem:$0x3FA0] =	sst s1;
	(tag) =	ssettag s2;
	_ =	strace s9  }
0x27: {  	s1 =	sld [smem:$0x3FB0]  }
0x28: {  	s2 =	sld [smem:$0x3FB1]  }
0x29: {  	s4 =	sld [smem:$0x3FB3]  }
0x2a: {  	p0 =	seq.s32 s5, $0x0;
	s5 =	sld [smem:$0x3FB4]  }
0x2b: {  	s6 =	sld [smem:$0x3FB5]  }
0x2c: {  	s7 =	sld [smem:$0x3FB6]  }
0x2d: {  	s3 =	simm.s32 $0x108;
	s8 =	sld [smem:$0x3FB7]  }
0x2e: {  	s3 =	simm.s32 @!p0 $0x1082;
	s9 =	sld [smem:$0x3FB8]  }
0x2f: {  	lr =	sadd.s32 s0, s3;
	s0 =	sld [smem:$0x3FAF]  }
0x30: {  	s3 =	sld [smem:$0x3FB2]  }
0x31: {  	[smem:$0x3FBB] =	sst s10  }
0x32: {  	s10 =	sld [smem:$0x3FB9];
	_ =	sdelay $0x3  }
0x33: {  	p0 =	seq.s32 s10, $0x1;
	s10 =	sld [smem:$0x3FBB];
	_ =	sdelay $0x3  }
0x34: {  	[smem:$0x3FBB] =	sst s10  }
0x35: {  	s10 =	sld [smem:$0x3FBA];
	_ =	sdelay $0x3  }
0x36: {  	p1 =	seq.s32 s10, $0x1;
	s10 =	sld [smem:$0x3FBB];
	_ =	sdelay $0x3  }
0x37: {  	[smem:$0x3FBB] =	sst s10  }
0x38: {  	s10 =	sld [smem:$0x3FBC]  }
0x39: {  	_ = 	snop;
	(pc) =	sbr.ind lr, $3  }
0x3a: {  	_ = 	snop  }
0x3b: {  	_ = 	snop  }
0x3c: {  	p2 =	seq.s32 s10, $0x1;
	s10 =	sld [smem:$0x3FBB]  }
0x3d: {  	_ =	shalt  }
0x3e: {  	_ =	shalt  }
0x3f: {  	_ =	shalt  }
0x40: {  	_ =	shalt  }
0x41: {  	_ =	shalt  }
0x42: {  	_ =	shalt  }
0x43: {  	_ =	shalt  }
0x44: {  	_ =	shalt  }
0x45: {  	_ =	shalt  }
0x46: {  	_ =	shalt  }
0x47: {  	_ =	shalt  }
0x48: {  	_ =	shalt  }
0x49: {  	_ =	shalt  }
0x4a: {  	_ =	shalt  }
0x4b: {  	_ =	shalt  }
0x4c: {  	_ =	shalt  }
0x4d: {  	_ =	shalt  }
0x4e: {  	_ =	shalt  }
0x4f: {  	_ =	shalt  }
0x50: {  	_ =	shalt  }
0x51: {  	_ =	shalt  }
0x52: {  	_ =	shalt  }
0x53: {  	_ =	shalt  }
0x54: {  	_ =	shalt  }
0x55: {  	_ =	shalt  }
0x56: {  	_ =	shalt  }
0x57: {  	_ =	shalt  }
0x58: {  	_ =	shalt  }
0x59: {  	_ =	shalt  }
0x5a: {  	_ =	shalt  }
0x5b: {  	_ =	shalt  }
0x5c: {  	_ =	shalt  }
0x5d: {  	_ =	shalt  }
0x5e: {  	_ =	shalt  }
0x5f: {  	_ =	shalt  }
0x60: {  	_ =	shalt  }
0x61: {  	_ =	shalt  }
0x62: {  	_ =	shalt  }
0x63: {  	_ =	shalt  }
0x64: {  	_ =	shalt  }
0x65: {  	_ =	shalt  }
0x66: {  	_ =	shalt  }
0x67: {  	_ =	shalt  }
0x68: {  	_ =	shalt  }
0x69: {  	_ =	shalt  }
0x6a: {  	_ =	shalt  }
0x6b: {  	_ =	shalt  }
0x6c: {  	_ =	shalt  }
0x6d: {  	_ =	shalt  }
0x6e: {  	_ =	shalt  }
0x6f: {  	_ =	shalt  }
0x70: {  	_ =	shalt  }
0x71: {  	_ =	shalt  }
0x72: {  	_ =	shalt  }
0x73: {  	_ =	shalt  }
0x74: {  	_ =	shalt  }
0x75: {  	_ =	shalt  }
0x76: {  	_ =	shalt  }
0x77: {  	_ =	shalt  }
0x78: {  	_ =	shalt  }
0x79: {  	_ =	shalt  }
0x7a: {  	_ =	shalt  }
0x7b: {  	_ =	shalt  }
0x7c: {  	_ =	shalt  }
0x7d: {  	_ =	shalt  }
0x7e: {  	_ =	shalt  }
0x7f: {  	_ =	shalt  }
0x80: {  	_ =	shalt  }
0x81: {  	_ =	shalt  }
0x82: {  	_ =	shalt  }
0x83: {  	_ =	shalt  }
0x84: {  	_ =	shalt  }
0x85: {  	_ =	shalt  }
0x86: {  	_ =	shalt  }
0x87: {  	_ =	shalt  }
.Lfunc_end0:
.L_simem_size_0:
called_computation_lowered:
.L_overlay_start_0:
0x88: {  	s2 =	sld [smem:$0x3FD9]  }
0x89: {  	s3 =	sld [smem:$0x3FFE];
	_ =	sdelay $0x1  }
0x8a: {  	s1 =	srdreg.scid  }
0x8b: {  	s0 =	sand.u32 $0x1, s1  }
0x8c: {  	s17 =	sshll.u32 s0, $0xA;
	s2 =	sadd.s32 s3, s2  }
0x8d: {  	s2 =	sadd.s32 s2, s17  }
0x8e: {  	[smem:$0x3FC7] =	sst s2  }
0x8f: {  	_ = 	snop  }
0x90: {  	s2 =	sld [smem:$0x3FC9];
	(tm) =	ssettm $0x1  }
0x91: {  	s18 =	sld [smem:$0x3FFB];
	_ =	sdelay $0x3  }
0x92: {  	_ =	strace s18  }
0x93: {  	s3 =	sld [smem:$0x3FFC];
	_ =	sdelay $0x3  }
0x94: {  	_ =	strace s3  }
0x95: {  	s3 =	sld [smem:$0x3FFD];
	_ =	sdelay $0x3  }
0x96: {  	_ =	strace s3  }
0x97: {  	_ =	strace $0x8FFFFFFF  }
0x98: {  	s19 =	sld [smem:$0x3FDB];
	_ =	sdelay $0x1  }
0x99: {  	s4 =	simm.s32 $_scs_section_size  }
0x9a: {  	s5 =	simm.s32 $_size__tile_overlayer_lowered;
	s6 =	simm.s32 $_tile_overlayer_lowered  }
0x9b: {  	s22 =	simm.s32 $0x1BFF;
	s21 =	sshll.u32 s6, $0x1;
	s3 =	sadd.s32 s4, s19  }
0x9c: {  	s7 =	simm.s32 $0x0;
	s20 =	sshll.u32 s5, $0x1;
	s5 =	sadd.s32 s21, s3  }
0x9d: {  	[timem:s7], [sflag:s22] =	dma.local [hbm:s5], s20  }
0x9e: {  	_ =	swait.ge [sflag:s22], s20  }
0x9f: {  	s4 =	ssub.s32 $0x0, s20;
	[sflag:s22] =	ssyncset.done $0x0  }
0xa0: {  	[sflag:s22] =	ssyncadd.s32 s4;
	_ =	sdelay $0x1  }
0xa1: {  	s23 =	simm.s32 $0x1B8B  }
0xa2: {  	_ =	swait.ge [sflag:s23], $0x1  }
0xa3: {  	[sflag:s23] =	ssyncset.done $0x0  }
0xa4: {  	s25 =	simm.s32 $0x1B8E;
	s24 =	sld [smem:$0x3FFE];
	[sflag:s23] =	ssyncadd.s32 $0xFFFFFFFF  }
0xa5: {  	s26 =	simm.s32 $execute0_lowered;
	[smem:$0x3FD2] =	sst s25  }
0xa6: {  	s5 =	sshll.u32 s26, $0x1;
	_ =	strace $0x80000046;
	[dreg:$0x1] =	wrdreg $0xFFFFFFFF  }
0xa7: {  	s28 =	simm.s32 $_size_execute0_lowered;
	s3 =	sadd.s32 s3, s5;
	[dreg:$0x0] =	wrdreg $0x0  }
0xa8: {  	s5 =	sshll.u32 s28, $0x1;
	[dreg:$0x2] =	wrdreg s3  }
0xa9: {  	[dreg:$0x3] =	wrdreg s5  }
0xaa: {  	[dreg:$0x4] =	wrdreg $0xC0  }
0xab: {  	_ =	task [dreg:s7], $0x5FFFF  }
0xac: {  	[dreg:$0x1] =	wrdreg $0xFFFFFFFF  }
0xad: {  	[dreg:$0x0] =	wrdreg $0x60  }
0xae: {  	[dreg:$0x2] =	wrdreg s2  }
0xaf: {  	[dreg:$0x3] =	wrdreg s24  }
0xb0: {  	[dreg:$0x4] =	wrdreg $0x9  }
0xb1: {  	_ =	task.clear_ibuf [dreg:s7], $0x5FFFF;
	_ =	strace $0x90000046  }
0xb2: {  	s29 =	simm.s32 $0x9;
	_ =	strace $0x80000048  }
0xb3: {  	_ =	swait.ge [sflag:s29], $0x1  }
0xb4: {  	[sflag:s29] =	ssyncadd.s32 $0xFFFFFFFF  }
0xb5: {  	_ =	strace $0x90000048  }
0xb6: {  	_ =	sfence  }
0xb7: {  	s30 =	sld [smem:$0x0];
	_ =	sdelay $0x2  }
0xb8: {  	s31 =	sshll.u32 s1, $0xD;
	s1 =	sshrl.u32 s1, $0x2  }
0xb9: {  	s3 =	sand.u32 $0x4000, s31;
	s1 =	sadd.s32 s1, s30  }
0xba: {  	s0 =	sor.u32 s3, s0;
	s1 =	sshll.u32 s1, $0x11  }
0xbb: {  	s0 =	sor.u32 s1, s0  }
0xbc: {  	s0 =	sadd.s32 $0x8F2B, s0  }
0xbd: {  	[sflag:s0] =	ssyncadd.remote.s32 $0x1  }
0xbe: {  	_ =	sfence.sel $0xFFFF  }
0xbf: {  	[dreg:$0x0] =	wrdreg $0xFFFFFFFF;
	(pc) =	sbr.abs _section_cstart, $3  }
0xc0: {  	[dreg:$0x1] =	wrdreg $0xFFFFFFFF  }
0xc1: {  	_ =	task.clear_ibuf [dreg:s7], $0x2FFFF;
	_ =	strace $0x9FFFFFFF  }
0xc2: {  	(tm) =	ssettm $0x7FFFFFFF  }
0xc3: {  	_ =	shalt  }
tec
execute0_lowered:
.L_overlay_start_1:
0x0: {  	(tag) =	ssettag $0x1  }
0x1: {  	s2 =	rddreg [dreg:$0x0]  }
0x2: {  	s5 =	rddreg [dreg:$0x1];
	s3 =	srdreg.scid  }
0x3: {  	s1 =	stileid.u32;
	s0 =	rddreg [dreg:$0x2]  }
0x4: {  	s9 =	simm.s32 $0x6400;
	s10 =	simm.s32 $0x2;
	s11 =	simm.s32 $0x9600  }
0x5: {  	s12 =	simm.s32 $0x3;
	s13 =	simm.s32 $0x4;
	s14 =	simm.s32 $0x0  }
.Ltmp0:
0x6: {  	s4 =	sand.u32 $0x1, s3;
	s6 =	sshll.u32 s1, $0x1;
	(pc) =	sbr.rel .LBB2_1-.Ltmp0, $4  }
0x7: {  	s3 =	simm.s32 $0x0;
	s7 =	ssub.s32 $0x2, s4;
	s4 =	sor.u32 s4, s6  }
0x8: {  	[smem:$0x7FF] =	sst s3;
	s31 =	sshrl.u32 s7, $0x1;
	s8 =	smul.u32 $0x640, s4  }
0x9: {  	s5 =	sadd.s32 $0x400, s5;
	_ =	strace $0x80000047;
	s7 =	ssub.s32 s7, s31  }
0xa: {  	s6 =	sadd.s32 s2, s8;
	s7 =	smax.u32 s7, $0x1;
	s8 =	simm.s32 $0x1  }
.LBB2_9:
0xb: {  	s14 =	sadd.s32 $0x1, s14  }
0xc: {  	_ =	swait.ge [sflag:s12], $0x3200;
	p0 =	sne.s32 s14, s7  }
.Ltmp1:
0xd: {  	[sflag:s12] =	ssyncset.done $0x0;
	(pc) =	sbr.rel @!p0 .LBB2_10-.Ltmp1, $4  }
0xe: {  	[sflag:s12] =	ssyncadd.s32 $0xFFFFCE00  }
0xf: {  	_ =	swait.ge [sflag:s13], $0x3200  }
0x10: {  	[sflag:s13] =	ssyncset.done $0x0  }
0x11: {  	[sflag:s13] =	ssyncadd.s32 $0xFFFFCE00  }
.LBB2_1:
.Ltmp2:
0x12: {  	(pc) =	sbr.rel .LBB2_2-.Ltmp2, $3  }
0x13: {  	_ =	sdelay $0x1  }
0x14: {  	[tilespmem:s3], [sflag:$0x1] =	stream.linear.gather [hbm4b:s6+s3], $0x3200, $0x38;
	[tilespmem:$0xC800] =	vst v63  }
0x15: {  	s15 =	simm.s32 $0x0  }
.LBB2_8:
0x16: {  	s15 =	sadd.s32 $0x1, s15  }
0x17: {  	p0 =	sne.s32 s15, $0xA  }
.Ltmp3:
0x18: {  	_ = 	snop;
	(pc) =	sbr.rel @!p0 .LBB2_9-.Ltmp3, $1  }
0x19: {  	_ =	sdelay $0x3  }
.LBB2_2:
0x1a: {  	s16 =	sshll.u32 s15, $0x6  }
0x1b: {  	s17 =	sor.u32 s4, s16  }
0x1c: {  	s16 =	sor.u32 $0x20, s17  }
0x1d: {  	p1 =	sgt.u32 s16, $0x270  }
0x1e: {  	s18 =	smul.u32 @!p1 $0x640, s16;
	_ =	sdelay $0x1  }
0x1f: {  	s19 =	simm.s32 @!p1 $0x0;
	s20 =	simm.s32 @!p1 $0x3200;
	s18 =	sadd.s32 @!p1 s2, s18  }
0x20: {  	[tilespmem:s20], [sflag:$0x2] =	stream.linear.gather @!p1 [hbm4b:s18+s19], $0x3200, $0x38;
	[tilespmem:$0xC800] =	vst v63  }
0x21: {  	_ =	swait.ge [sflag:s8], $0x3200  }
0x22: {  	p0 =	seq.s32 s15, $0x0;
	[sflag:s8] =	ssyncset.done $0x0  }
0x23: {  	s18 =	simm.s32 @!p0 $0x3;
	[sflag:s8] =	ssyncadd.s32 $0xFFFFCE00  }
0x24: {  	_ =	swait.ge @!p0 [sflag:s18], $0x3200  }
0x25: {  	[sflag:s18] =	ssyncset.done @!p0 $0x0  }
0x26: {  	[sflag:s18] =	ssyncadd.s32 @!p0 $0xFFFFCE00;
	s18 =	simm.s32 $0x0  }
0x27: {  	v0 =	vld [tilespmem:s18+$0x70]  }
0x28: {  	v1 =	vld [tilespmem:s18+$0xF0]  }
0x29: {  	v2 =	vld [tilespmem:s18+$0x0]  }
0x2a: {  	v3 =	vld [tilespmem:s18+$0x170]  }
0x2b: {  	v4 =	vld [tilespmem:s18+$0x80]  }
0x2c: {  	v5 =	vld [tilespmem:s18+$0x10]  }
0x2d: {  	v6 =	vld [tilespmem:s18+$0x90]  }
0x2e: {  	v7 =	vld [tilespmem:s18+$0x20]  }
0x2f: {  	v8 =	vld [tilespmem:s18+$0xA0]  }
0x30: {  	v9 =	vld [tilespmem:s18+$0x30]  }
0x31: {  	v10 =	vld [tilespmem:s18+$0xB0]  }
0x32: {  	v11 =	vld [tilespmem:s18+$0x40];
	v0 =	vmul.f32 $1.000000000e+01, v0  }
0x33: {  	v13 =	vld [tilespmem:s18+$0x50];
	v1 =	vmul.f32 $1.000000000e+01, v1;
	v2 =	vmul.f32 $1.000000000e+01, v2  }
0x34: {  	v14 =	vld [tilespmem:s18+$0xD0];
	v3 =	vmul.f32 $5.000000000e+00, v3;
	v4 =	vmul.f32 $1.000000000e+01, v4  }
0x35: {  	v15 =	vld [tilespmem:s18+$0x60];
	v5 =	vmul.f32 $1.000000000e+01, v5;
	v6 =	vmul.f32 $1.000000000e+01, v6  }
0x36: {  	v16 =	vld [tilespmem:s18+$0xE0];
	v7 =	vmul.f32 $1.000000000e+01, v7;
	v8 =	vmul.f32 $1.000000000e+01, v8  }
0x37: {  	v17 =	vld [tilespmem:s18+$0x100];
	v9 =	vmul.f32 $1.000000000e+01, v9;
	v10 =	vmul.f32 $1.000000000e+01, v10  }
0x38: {  	v18 =	vld [tilespmem:s18+$0x120];
	v11 =	vmul.f32 $1.000000000e+01, v11;
	v13 =	vmul.f32 $1.000000000e+01, v13  }
0x39: {  	v19 =	vld [tilespmem:s18+$0x130];
	v14 =	vmul.f32 $1.000000000e+01, v14;
	v0 =	vadd.f32 $5.000000000e+02, v0;
	v1 =	vadd.f32 $5.000000000e+02, v1  }
0x3a: {  	v20 =	vld [tilespmem:s18+$0x140];
	v15 =	vmul.f32 $1.000000000e+01, v15;
	v2 =	vadd.f32 $5.000000000e+02, v2;
	v3 =	vadd.f32 $5.000000000e+00, v3  }
0x3b: {  	v21 =	vld [tilespmem:s18+$0x150];
	v16 =	vmul.f32 $1.000000000e+01, v16;
	v4 =	vadd.f32 $5.000000000e+02, v4;
	v5 =	vadd.f32 $5.000000000e+02, v5  }
0x3c: {  	v22 =	vld [tilespmem:s18+$0x160];
	v17 =	vmul.f32 $5.000000000e+00, v17;
	v6 =	vadd.f32 $5.000000000e+02, v6;
	v7 =	vadd.f32 $5.000000000e+02, v7  }
0x3d: {  	v18 =	vmul.f32 $5.000000000e+00, v18;
	v8 =	vadd.f32 $5.000000000e+02, v8;
	v9 =	vadd.f32 $5.000000000e+02, v9  }
0x3e: {  	v19 =	vmul.f32 $5.000000000e+00, v19;
	v10 =	vadd.f32 $5.000000000e+02, v10;
	v11 =	vadd.f32 $5.000000000e+02, v11  }
0x3f: {  	v20 =	vmul.f32 $5.000000000e+00, v20;
	v13 =	vadd.f32 $5.000000000e+02, v13;
	v14 =	vadd.f32 $5.000000000e+02, v14  }
0x40: {  	v21 =	vmul.f32 $5.000000000e+00, v21;
	v15 =	vadd.f32 $5.000000000e+02, v15;
	v17 =	vadd.f32 $5.000000000e+00, v17  }
0x41: {  	v22 =	vmul.f32 $5.000000000e+00, v22;
	v16 =	vadd.f32 $5.000000000e+02, v16;
	v18 =	vadd.f32 $5.000000000e+00, v18  }
0x42: {  	v19 =	vadd.f32 $5.000000000e+00, v19;
	v20 =	vadd.f32 $5.000000000e+00, v20  }
0x43: {  	v21 =	vadd.f32 $5.000000000e+00, v21;
	v22 =	vadd.f32 $5.000000000e+00, v22  }
0x44: {  	vm0 =	vge.f32 v0, $0.0e+00;
	vm1 =	vge.f32 v1, $0.0e+00;
	v12 =	vtrunc.f32 v0  }
0x45: {  	vm2 =	vlt.f32 v0, $2.000000000e+03;
	vm3 =	vge.f32 v5, $0.0e+00;
	vm4 =	vge.f32 v6, $0.0e+00  }
0x46: {  	vm5 =	vge.f32 v7, $0.0e+00;
	vm6 =	vge.f32 v8, $0.0e+00;
	vm8 =	vge.f32 v9, $0.0e+00  }
0x47: {  	vm9 =	vge.f32 v10, $0.0e+00;
	v23 =	vtrunc.f32 v2;
	v24 =	vtrunc.f32 v4  }
0x48: {  	vm10 =	vge.f32 v11, $0.0e+00;
	v25 =	vtrunc.f32 v17;
	v26 =	vtrunc.f32 v6  }
0x49: {  	vm12 =	vge.f32 v13, $0.0e+00;
	v28 =	vtrunc.f32 v8;
	v29 =	vtrunc.f32 v9  }
0x4a: {  	vm13 =	vge.f32 v14, $0.0e+00;
	v30 =	vtrunc.f32 v19;
	v32 =	vtrunc.f32 v20  }
0x4b: {  	vm14 =	vge.f32 v15, $0.0e+00;
	v33 =	vtrunc.f32 v14;
	v34 =	vtrunc.f32 v21  }
0x4c: {  	v35 =	vtrunc.f32 v16;
	v36 =	vtrunc.f32 v22;
	vm0 =	vmand vm0, vm1  }
0x4d: {  	v12 =	vcvt.f32.s32 v12;
	vm1 =	vlt.f32 v1, $1.000000000e+03;
	vm8 =	vmand vm8, vm9  }
0x4e: {  	vm9 =	vmand vm12, vm13;
	vm12 =	vlt.f32 v11, $2.000000000e+03;
	v11 =	vtrunc.f32 v11  }
0x4f: {  	vm13 =	vlt.f32 v13, $2.000000000e+03;
	v13 =	vtrunc.f32 v13;
	v1 =	vtrunc.f32 v1  }
0x50: {  	vm15 =	vge.f32 v16, $0.0e+00;
	v23 =	vcvt.f32.s32 v23;
	v24 =	vcvt.f32.s32 v24  }
0x51: {  	vm7 =	vmand vm5, vm6;
	v25 =	vcvt.f32.s32 v25;
	v53 =	vcvt.f32.s32 v29  }
0x52: {  	vm5 =	vlt.f32 v2, $2.000000000e+03;
	v56 =	vcvt.f32.s32 v32;
	v58 =	vcvt.f32.s32 v33  }
0x53: {  	vm6 =	vlt.f32 v5, $2.000000000e+03;
	v59 =	vcvt.f32.s32 v34;
	v61 =	vcvt.f32.s32 v35  }
0x54: {  	v0 =	vld [tilespmem:s18+$0xC0];
	v62 =	vcvt.f32.s32 v36;
	vm0 =	vmand vm0, vm2;
	v54 =	vcvt.f32.s32 v11  }
0x55: {  	vm2 =	vge.f32 v4, $0.0e+00;
	v57 =	vcvt.f32.s32 v13;
	v63 =	vcvt.f32.s32 v1  }
0x56: {  	vm0 =	vmand vm1, vm0;
	v12 =	vcvt.s32.f32 v12;
	v23 =	vcvt.s32.f32 v23  }
0x57: {  	vm1 =	vge.f32 v3, $0.0e+00;
	v24 =	vcvt.s32.f32 v24;
	v25 =	vcvt.s32.f32 v25  }
0x58: {  	v13 =	vcvt.s32.f32 v56;
	vm0 =	vmand vm1, vm0;
	vm1 =	vlt.f32 v3, $2.000000000e+01  }
0x59: {  	v3 =	vtrunc.f32 v3;
	vm0 =	vmand vm1, vm0;
	v0 =	vmul.f32 $1.000000000e+01, v0  }
0x5a: {  	vm1 =	vge.f32 v2, $0.0e+00;
	v2 =	vtrunc.f32 v5;
	v5 =	vtrunc.f32 v7  }
0x5b: {  	v3 =	vcvt.f32.s32 v3;
	vm1 =	vmand vm1, vm2;
	vm2 =	vmand vm3, vm4  }
0x5c: {  	vm4 =	vmand vm14, vm15;
	vm14 =	vlt.f32 v15, $2.000000000e+03;
	v15 =	vtrunc.f32 v15  }
0x5d: {  	v12 =	vnsel vm0, $0xBF800000, v12;
	v2 =	vcvt.f32.s32 v2;
	v5 =	vcvt.f32.s32 v5  }
0x5e: {  	vm15 =	vge.f32 v22, $0.0e+00;
	v0 =	vadd.f32 $5.000000000e+02, v0;
	vm5 =	vmand vm1, vm5  }
0x5f: {  	vm6 =	vmand vm2, vm6;
	vm1 =	vmand vm9, vm13;
	vm9 =	vlt.f32 v6, $1.000000000e+03  }
0x60: {  	vm13 =	vlt.f32 v14, $1.000000000e+03;
	v60 =	vcvt.f32.s32 v15;
	v3 =	vcvt.s32.f32 v3  }
0x61: {  	v37 =	vcvt.s32.f32 v2;
	v2 =	vcvt.s32.f32 v57;
	vm11 =	vge.f32 v0, $0.0e+00  }
0x62: {  	v31 =	vtrunc.f32 v0;
	v1 =	vcvt.s32.f32 v60;
	vm3 =	vmand vm10, vm11  }
0x63: {  	vm10 =	vlt.f32 v7, $2.000000000e+03;
	v7 =	vtrunc.f32 v18;
	vm11 =	vlt.f32 v9, $2.000000000e+03  }
0x64: {  	v9 =	vtrunc.f32 v10;
	v55 =	vcvt.f32.s32 v31;
	vm7 =	vmand vm7, vm10  }
0x65: {  	[tilespmem:s18+$0x6570] =	vst v12;
	v12 =	vld [tilespmem:s18+$0x110];
	vm8 =	vmand vm8, vm11;
	vm2 =	vmand vm3, vm12;
	vm3 =	vmand vm4, vm14  }
0x66: {  	vm4 =	vlt.f32 v4, $1.000000000e+03;
	v4 =	vcvt.f32.s32 v26;
	vm10 =	vlt.f32 v8, $1.000000000e+03  }
0x67: {  	v8 =	vcvt.f32.s32 v28;
	v7 =	vcvt.f32.s32 v7;
	vm11 =	vlt.f32 v10, $1.000000000e+03  }
0x68: {  	v9 =	vcvt.f32.s32 v9;
	vm12 =	vlt.f32 v0, $1.000000000e+03;
	v0 =	vcvt.f32.s32 v30  }
0x69: {  	vm14 =	vlt.f32 v16, $1.000000000e+03;
	v10 =	vcvt.s32.f32 v5;
	v5 =	vcvt.s32.f32 v54  }
0x6a: {  	v12 =	vmul.f32 $5.000000000e+00, v12;
	vm4 =	vmand vm4, vm5;
	vm5 =	vmand vm9, vm6  }
0x6b: {  	vm6 =	vmand vm10, vm7;
	vm7 =	vmand vm11, vm8;
	vm2 =	vmand vm12, vm2  }
0x6c: {  	vm8 =	vmand vm13, vm1;
	vm9 =	vmand vm14, vm3;
	vm1 =	vge.f32 v17, $0.0e+00  }
0x6d: {  	vm10 =	vge.f32 v18, $0.0e+00;
	vm11 =	vge.f32 v19, $0.0e+00;
	vm12 =	vge.f32 v20, $0.0e+00  }
0x6e: {  	vm13 =	vge.f32 v21, $0.0e+00;
	vm14 =	vmand vm1, vm4;
	vm4 =	vmand vm10, vm6  }
0x6f: {  	vm1 =	vmand vm12, vm2;
	vm2 =	vmand vm13, vm8;
	vm6 =	vmand vm15, vm9  }
0x70: {  	v38 =	vcvt.s32.f32 v4;
	vm9 =	vlt.f32 v18, $2.000000000e+01;
	v14 =	vcvt.s32.f32 v8  }
0x71: {  	v16 =	vcvt.s32.f32 v7;
	vm10 =	vlt.f32 v19, $2.000000000e+01;
	v4 =	vcvt.s32.f32 v53  }
0x72: {  	v11 =	vcvt.s32.f32 v9;
	v15 =	vcvt.s32.f32 v0;
	vm12 =	vlt.f32 v21, $2.000000000e+01  }
0x73: {  	v9 =	vcvt.s32.f32 v55;
	v8 =	vcvt.s32.f32 v58;
	v12 =	vadd.f32 $5.000000000e+00, v12  }
0x74: {  	vm13 =	vlt.f32 v22, $2.000000000e+01;
	v7 =	vcvt.s32.f32 v62;
	v0 =	vcvt.s32.f32 v63  }
0x75: {  	v27 =	vtrunc.f32 v12;
	vm3 =	vge.f32 v12, $0.0e+00;
	vm8 =	vlt.f32 v12, $2.000000000e+01  }
0x76: {  	v12 =	vcvt.s32.f32 v59;
	v6 =	vcvt.f32.s32 v27;
	vm5 =	vmand vm3, vm5  }
0x77: {  	vm3 =	vmand vm11, vm7;
	vm7 =	vlt.f32 v17, $2.000000000e+01;
	vm11 =	vlt.f32 v20, $2.000000000e+01  }
0x78: {  	vm7 =	vmand vm7, vm14;
	vm8 =	vmand vm8, vm5;
	vm5 =	vmand vm9, vm4  }
0x79: {  	vm4 =	vmand vm10, vm3;
	vm1 =	vmand vm11, vm1;
	vm3 =	vmand vm12, vm2  }
0x7a: {  	vm2 =	vmand vm13, vm6;
	v39 =	vcvt.s32.f32 v6;
	v6 =	vcvt.s32.f32 v61  }
0x7b: {  	s19 =	simm.s32 $0x200;
	v18 =	vnsel vm7, $0xBF800000, v25;
	v22 =	vnsel vm7, $0xBF800000, v24;
	v20 =	vnsel vm7, $0xBF800000, v23  }
0x7c: {  	s20 =	simm.s32 $0x1000;
	v17 =	vld [tilespmem:s19+$0x70];
	v19 =	vnsel vm8, $0xBF800000, v38;
	[tilespmem:s18+$0x6400] =	vst v18;
	v18 =	vnsel vm8, $0xBF800000, v37;
	v21 =	vnsel vm8, $0xBF800000, v39  }
.LBB2_3:
0x7d: {  	p2 =	sne.s32 s20, $0xC000;
	v23 =	vld [tilespmem:s19+$0xF0];
	[tilespmem:s18+$0x6480] =	vst v22;
	v16 =	vnsel vm5, $0xBF800000, v16;
	v14 =	vnsel vm5, $0xBF800000, v14;
	v10 =	vnsel vm5, $0xBF800000, v10  }
0x7e: {  	v15 =	vnsel vm4, $0xBF800000, v15;
	v11 =	vnsel vm4, $0xBF800000, v11;
	v4 =	vnsel vm4, $0xBF800000, v4;
	v22 =	vld [tilespmem:s19+$0x0];
	[tilespmem:s18+$0x6500] =	vst v20  }
0x7f: {  	v13 =	vnsel vm1, $0xBF800000, v13;
	v9 =	vnsel vm1, $0xBF800000, v9;
	v5 =	vnsel vm1, $0xBF800000, v5;
	v20 =	vld [tilespmem:s19+$0x170];
	[tilespmem:s18+$0x6410] =	vst v21  }
0x80: {  	v12 =	vnsel vm3, $0xBF800000, v12;
	v8 =	vnsel vm3, $0xBF800000, v8;
	v2 =	vnsel vm3, $0xBF800000, v2;
	v21 =	vld [tilespmem:s19+$0x80];
	[tilespmem:s18+$0x6490] =	vst v19  }
0x81: {  	v7 =	vnsel vm2, $0xBF800000, v7;
	v6 =	vnsel vm2, $0xBF800000, v6;
	v19 =	vld [tilespmem:s19+$0x10];
	[tilespmem:s18+$0x6510] =	vst v18;
	v18 =	vnsel vm2, $0xBF800000, v1  }
0x82: {  	v3 =	vnsel vm0, $0xBF800000, v3;
	v1 =	vmul.f32 $1.000000000e+01, v17;
	v24 =	vld [tilespmem:s19+$0x90];
	v17 =	vmul.f32 $1.000000000e+01, v23;
	[tilespmem:s18+$0x6420] =	vst v16  }
0x83: {  	v16 =	vmul.f32 $1.000000000e+01, v22;
	v22 =	vld [tilespmem:s19+$0x20];
	[tilespmem:s18+$0x64A0] =	vst v14;
	v14 =	vnsel vm0, $0xBF800000, v0  }
0x84: {  	v25 =	vadd.f32 $5.000000000e+02, v1;
	v23 =	vld [tilespmem:s19+$0xA0];
	v0 =	vadd.f32 $5.000000000e+02, v17;
	v1 =	vmul.f32 $5.000000000e+00, v20;
	[tilespmem:s18+$0x6520] =	vst v10  }
0x85: {  	v10 =	vadd.f32 $5.000000000e+02, v16;
	v16 =	vmul.f32 $1.000000000e+01, v21;
	v17 =	vld [tilespmem:s19+$0x30];
	[tilespmem:s18+$0x6430] =	vst v15  }
0x86: {  	vm0 =	vge.f32 v25, $0.0e+00;
	v15 =	vld [tilespmem:s19+$0xB0];
	v1 =	vadd.f32 $5.000000000e+00, v1;
	vm1 =	vge.f32 v0, $0.0e+00;
	[tilespmem:s18+$0x64B0] =	vst v11  }
0x87: {  	v20 =	vtrunc.f32 v25;
	vm2 =	vlt.f32 v25, $2.000000000e+03;
	v11 =	vld [tilespmem:s19+$0x40];
	vm0 =	vmand vm0, vm1;
	[tilespmem:s18+$0x6530] =	vst v4  }
0x88: {  	v20 =	vcvt.f32.s32 v20;
	vm1 =	vlt.f32 v0, $1.000000000e+03;
	v4 =	vld [tilespmem:s19+$0xC0];
	vm0 =	vmand vm0, vm2;
	[tilespmem:s18+$0x6440] =	vst v13  }
0x89: {  	v13 =	vmul.f32 $1.000000000e+01, v19;
	v19 =	vld [tilespmem:s19+$0x50];
	vm0 =	vmand vm1, vm0;
	vm1 =	vge.f32 v1, $0.0e+00;
	[tilespmem:s18+$0x64C0] =	vst v9  }
0x8a: {  	v9 =	vcvt.s32.f32 v20;
	v21 =	vld [tilespmem:s19+$0xD0];
	vm0 =	vmand vm1, vm0;
	vm1 =	vlt.f32 v1, $2.000000000e+01;
	[tilespmem:s18+$0x6540] =	vst v5  }
0x8b: {  	v20 =	vmul.f32 $1.000000000e+01, v22;
	v5 =	vmul.f32 $1.000000000e+01, v24;
	v22 =	vld [tilespmem:s19+$0x60];
	vm0 =	vmand vm1, vm0;
	[tilespmem:s18+$0x6450] =	vst v12  }
0x8c: {  	v17 =	vmul.f32 $1.000000000e+01, v17;
	v12 =	vmul.f32 $1.000000000e+01, v23;
	v23 =	vld [tilespmem:s19+$0xE0];
	v24 =	vnsel vm0, $0xBF800000, v9;
	[tilespmem:s18+$0x64D0] =	vst v8  }
0x8d: {  	v15 =	vmul.f32 $1.000000000e+01, v15;
	v9 =	vadd.f32 $5.000000000e+02, v16;
	v16 =	vmul.f32 $1.000000000e+01, v11;
	v8 =	vld [tilespmem:s19+$0x100];
	[tilespmem:s19+$0x6570] =	vst v24  }
0x8e: {  	v25 =	vadd.f32 $5.000000000e+02, v13;
	v4 =	vmul.f32 $1.000000000e+01, v4;
	v24 =	vld [tilespmem:s19+$0x110];
	v19 =	vmul.f32 $1.000000000e+01, v19;
	[tilespmem:s18+$0x6550] =	vst v2  }
0x8f: {  	v20 =	vadd.f32 $5.000000000e+02, v20;
	v11 =	vadd.f32 $5.000000000e+02, v5;
	v5 =	vld [tilespmem:s19+$0x120];
	v2 =	vmul.f32 $1.000000000e+01, v21;
	[tilespmem:s18+$0x6460] =	vst v7  }
0x90: {  	v17 =	vadd.f32 $5.000000000e+02, v17;
	v12 =	vadd.f32 $5.000000000e+02, v12;
	v7 =	vld [tilespmem:s19+$0x130];
	v21 =	vmul.f32 $1.000000000e+01, v22;
	[tilespmem:s18+$0x64E0] =	vst v6  }
0x91: {  	v13 =	vadd.f32 $5.000000000e+02, v15;
	v15 =	vadd.f32 $5.000000000e+02, v16;
	v6 =	vld [tilespmem:s19+$0x140];
	v16 =	vmul.f32 $1.000000000e+01, v23;
	[tilespmem:s18+$0x6560] =	vst v18  }
0x92: {  	v19 =	vadd.f32 $5.000000000e+02, v19;
	v18 =	vadd.f32 $5.000000000e+02, v4;
	v8 =	vmul.f32 $5.000000000e+00, v8;
	v22 =	vld [tilespmem:s19+$0x150];
	[tilespmem:s18+$0x6470] =	vst v3  }
0x93: {  	v23 =	vadd.f32 $5.000000000e+02, v2;
	v21 =	vadd.f32 $5.000000000e+02, v21;
	v3 =	vmul.f32 $5.000000000e+00, v24;
	v24 =	vld [tilespmem:s19+$0x160];
	[tilespmem:s18+$0x64F0] =	vst v14;
	s18 =	smov.u32 s19  }
0x94: {  	v14 =	vadd.f32 $5.000000000e+02, v16;
	v2 =	vadd.f32 $5.000000000e+00, v8;
	v4 =	vmul.f32 $5.000000000e+00, v5  }
0x95: {  	vm1 =	vge.f32 v10, $0.0e+00;
	v3 =	vadd.f32 $5.000000000e+00, v3;
	v5 =	vmul.f32 $5.000000000e+00, v7  }
0x96: {  	vm2 =	vge.f32 v9, $0.0e+00;
	v4 =	vadd.f32 $5.000000000e+00, v4;
	v6 =	vmul.f32 $5.000000000e+00, v6  }
0x97: {  	vm4 =	vge.f32 v25, $0.0e+00;
	v5 =	vadd.f32 $5.000000000e+00, v5;
	v7 =	vmul.f32 $5.000000000e+00, v22  }
0x98: {  	vm5 =	vge.f32 v11, $0.0e+00;
	v6 =	vadd.f32 $5.000000000e+00, v6;
	v8 =	vmul.f32 $5.000000000e+00, v24  }
0x99: {  	vm6 =	vge.f32 v20, $0.0e+00;
	vm7 =	vge.f32 v12, $0.0e+00;
	v7 =	vadd.f32 $5.000000000e+00, v7  }
0x9a: {  	vm8 =	vge.f32 v17, $0.0e+00;
	vm9 =	vge.f32 v13, $0.0e+00;
	v8 =	vadd.f32 $5.000000000e+00, v8  }
0x9b: {  	vm10 =	vge.f32 v15, $0.0e+00;
	vm12 =	vge.f32 v19, $0.0e+00;
	vm11 =	vge.f32 v18, $0.0e+00  }
0x9c: {  	vm13 =	vge.f32 v23, $0.0e+00;
	vm14 =	vge.f32 v21, $0.0e+00;
	vm15 =	vge.f32 v14, $0.0e+00  }
0x9d: {  	vm3 =	vmand vm1, vm2;
	vm4 =	vmand vm4, vm5;
	vm5 =	vmand vm6, vm7  }
0x9e: {  	vm1 =	vmand vm8, vm9;
	vm7 =	vmand vm10, vm11;
	vm2 =	vmand vm12, vm13  }
0x9f: {  	v16 =	vtrunc.f32 v10;
	vm8 =	vmand vm14, vm15;
	v22 =	vtrunc.f32 v9  }
0xa0: {  	vm6 =	vlt.f32 v10, $2.000000000e+03;
	v10 =	vtrunc.f32 v25;
	v24 =	vtrunc.f32 v2  }
0xa1: {  	v26 =	vtrunc.f32 v11;
	vm9 =	vlt.f32 v25, $2.000000000e+03;
	v27 =	vtrunc.f32 v3  }
0xa2: {  	v28 =	vtrunc.f32 v12;
	v25 =	vtrunc.f32 v20;
	vm10 =	vlt.f32 v20, $2.000000000e+03  }
0xa3: {  	v29 =	vtrunc.f32 v17;
	vm11 =	vlt.f32 v17, $2.000000000e+03;
	v20 =	vtrunc.f32 v4  }
0xa4: {  	v17 =	vtrunc.f32 v13;
	vm12 =	vlt.f32 v15, $2.000000000e+03;
	v30 =	vtrunc.f32 v5  }
0xa5: {  	v31 =	vtrunc.f32 v18;
	v15 =	vtrunc.f32 v15;
	vm13 =	vlt.f32 v19, $2.000000000e+03  }
0xa6: {  	v19 =	vtrunc.f32 v19;
	vm14 =	vlt.f32 v21, $2.000000000e+03;
	v32 =	vtrunc.f32 v6  }
0xa7: {  	vm3 =	vmand vm3, vm6;
	v33 =	vtrunc.f32 v23;
	v34 =	vtrunc.f32 v7  }
0xa8: {  	vm4 =	vmand vm4, vm9;
	v35 =	vtrunc.f32 v14;
	v21 =	vtrunc.f32 v21  }
0xa9: {  	v0 =	vtrunc.f32 v0;
	vm5 =	vmand vm5, vm10;
	v36 =	vtrunc.f32 v8  }
0xaa: {  	v1 =	vtrunc.f32 v1;
	vm6 =	vmand vm1, vm11;
	vm1 =	vmand vm7, vm12  }
0xab: {  	v16 =	vcvt.f32.s32 v16;
	vm2 =	vmand vm2, vm13;
	vm7 =	vmand vm8, vm14  }
0xac: {  	vm8 =	vlt.f32 v9, $1.000000000e+03;
	v22 =	vcvt.f32.s32 v22;
	v24 =	vcvt.f32.s32 v24  }
0xad: {  	vm9 =	vlt.f32 v11, $1.000000000e+03;
	v9 =	vcvt.f32.s32 v10;
	v10 =	vcvt.f32.s32 v26  }
0xae: {  	v25 =	vcvt.f32.s32 v25;
	vm10 =	vlt.f32 v12, $1.000000000e+03;
	v11 =	vcvt.f32.s32 v27  }
0xaf: {  	v12 =	vcvt.f32.s32 v28;
	vm11 =	vlt.f32 v13, $1.000000000e+03;
	v20 =	vcvt.f32.s32 v20  }
0xb0: {  	v13 =	vcvt.f32.s32 v29;
	v17 =	vcvt.f32.s32 v17;
	vm12 =	vlt.f32 v18, $1.000000000e+03  }
0xb1: {  	vm13 =	vlt.f32 v23, $1.000000000e+03;
	v26 =	vcvt.f32.s32 v15;
	v18 =	vcvt.f32.s32 v30  }
0xb2: {  	v23 =	vcvt.f32.s32 v31;
	vm14 =	vlt.f32 v14, $1.000000000e+03;
	v27 =	vcvt.f32.s32 v32  }
0xb3: {  	v19 =	vcvt.f32.s32 v19;
	v28 =	vcvt.f32.s32 v33;
	vm3 =	vmand vm8, vm3  }
0xb4: {  	vm4 =	vmand vm9, vm4;
	v21 =	vcvt.f32.s32 v21;
	v29 =	vcvt.f32.s32 v34  }
0xb5: {  	vm8 =	vmand vm10, vm5;
	v30 =	vcvt.f32.s32 v35;
	v31 =	vcvt.f32.s32 v36  }
0xb6: {  	v0 =	vcvt.f32.s32 v0;
	vm6 =	vmand vm11, vm6;
	v32 =	vcvt.f32.s32 v1  }
0xb7: {  	vm1 =	vmand vm12, vm1;
	vm2 =	vmand vm13, vm2;
	vm9 =	vmand vm14, vm7  }
0xb8: {  	vm5 =	vge.f32 v2, $0.0e+00;
	vm10 =	vge.f32 v3, $0.0e+00;
	vm11 =	vge.f32 v4, $0.0e+00  }
0xb9: {  	vm12 =	vge.f32 v5, $0.0e+00;
	vm13 =	vge.f32 v6, $0.0e+00;
	vm14 =	vge.f32 v7, $0.0e+00  }
0xba: {  	vm7 =	vmand vm5, vm3;
	vm5 =	vmand vm10, vm4;
	vm10 =	vge.f32 v8, $0.0e+00  }
0xbb: {  	vm4 =	vmand vm11, vm8;
	vm3 =	vmand vm12, vm6;
	vm1 =	vmand vm13, vm1  }
0xbc: {  	v33 =	vcvt.s32.f32 v16;
	vm2 =	vmand vm14, vm2;
	vm6 =	vmand vm10, vm9  }
0xbd: {  	vm8 =	vlt.f32 v2, $2.000000000e+01;
	v22 =	vcvt.s32.f32 v22;
	v24 =	vcvt.s32.f32 v24  }
0xbe: {  	v35 =	vcvt.s32.f32 v10;
	v34 =	vcvt.s32.f32 v9;
	vm9 =	vlt.f32 v3, $2.000000000e+01  }
0xbf: {  	v10 =	vcvt.s32.f32 v25;
	v36 =	vcvt.s32.f32 v11;
	vm10 =	vlt.f32 v4, $2.000000000e+01  }
0xc0: {  	v14 =	vcvt.s32.f32 v12;
	vm11 =	vlt.f32 v5, $2.000000000e+01;
	v16 =	vcvt.s32.f32 v20  }
0xc1: {  	vm12 =	vlt.f32 v6, $2.000000000e+01;
	v4 =	vcvt.s32.f32 v13;
	v11 =	vcvt.s32.f32 v17  }
0xc2: {  	v5 =	vcvt.s32.f32 v26;
	vm13 =	vlt.f32 v7, $2.000000000e+01;
	v15 =	vcvt.s32.f32 v18  }
0xc3: {  	v9 =	vcvt.s32.f32 v23;
	vm14 =	vlt.f32 v8, $2.000000000e+01;
	v13 =	vcvt.s32.f32 v27  }
0xc4: {  	v2 =	vcvt.s32.f32 v19;
	vm7 =	vmand vm8, vm7;
	v8 =	vcvt.s32.f32 v28  }
0xc5: {  	v1 =	vcvt.s32.f32 v21;
	vm8 =	vmand vm9, vm5;
	v12 =	vcvt.s32.f32 v29  }
.Ltmp4:
0xc6: {  	v6 =	vcvt.s32.f32 v30;
	vm5 =	vmand vm10, vm4;
	v7 =	vcvt.s32.f32 v31;
	(pc) =	sbr.rel @p2 .LBB2_3-.Ltmp4, $4  }
0xc7: {  	v0 =	vcvt.s32.f32 v0;
	v3 =	vcvt.s32.f32 v32;
	vm4 =	vmand vm11, vm3  }
0xc8: {  	vm1 =	vmand vm12, vm1;
	vm3 =	vmand vm13, vm2;
	vm2 =	vmand vm14, vm6  }
0xc9: {  	s19 =	sshra.s32 s20, $0x2;
	v20 =	vnsel vm7, $0xBF800000, v33;
	v22 =	vnsel vm7, $0xBF800000, v22;
	v18 =	vnsel vm7, $0xBF800000, v24  }
0xca: {  	s20 =	sadd.s32 $0x800, s20;
	v21 =	vnsel vm8, $0xBF800000, v36;
	v19 =	vnsel vm8, $0xBF800000, v35;
	v17 =	vld [tilespmem:s19+$0x70];
	[tilespmem:s18+$0x6400] =	vst v18;
	v18 =	vnsel vm8, $0xBF800000, v34  }
0xcb: {  	v23 =	vld [tilespmem:s19+$0xF0];
	[tilespmem:s18+$0x6480] =	vst v22  }
0xcc: {  	v16 =	vnsel vm5, $0xBF800000, v16;
	v14 =	vnsel vm5, $0xBF800000, v14;
	v10 =	vnsel vm5, $0xBF800000, v10;
	v22 =	vld [tilespmem:s19+$0x0];
	[tilespmem:s18+$0x6500] =	vst v20  }
0xcd: {  	v34 =	vnsel vm4, $0xBF800000, v15;
	v36 =	vnsel vm4, $0xBF800000, v11;
	v4 =	vnsel vm4, $0xBF800000, v4;
	v20 =	vld [tilespmem:s19+$0x170];
	[tilespmem:s18+$0x6410] =	vst v21  }
0xce: {  	v38 =	vnsel vm1, $0xBF800000, v13;
	v9 =	vnsel vm1, $0xBF800000, v9;
	v24 =	vnsel vm1, $0xBF800000, v5;
	v21 =	vld [tilespmem:s19+$0x80];
	[tilespmem:s18+$0x6490] =	vst v19  }
0xcf: {  	v12 =	vnsel vm3, $0xBF800000, v12;
	v8 =	vnsel vm3, $0xBF800000, v8;
	v19 =	vld [tilespmem:s19+$0x10];
	[tilespmem:s18+$0x6510] =	vst v18;
	v39 =	vmul.f32 $1.000000000e+01, v17  }
0xd0: {  	v2 =	vnsel vm3, $0xBF800000, v2;
	v7 =	vnsel vm2, $0xBF800000, v7;
	v6 =	vnsel vm2, $0xBF800000, v6;
	v18 =	vld [tilespmem:s19+$0x90];
	[tilespmem:s18+$0x6420] =	vst v16  }
0xd1: {  	v51 =	vnsel vm2, $0xBF800000, v1;
	v3 =	vnsel vm0, $0xBF800000, v3;
	v16 =	vld [tilespmem:s19+$0x20];
	[tilespmem:s18+$0x64A0] =	vst v14;
	v13 =	vadd.f32 $5.000000000e+02, v39  }
0xd2: {  	v1 =	vnsel vm0, $0xBF800000, v0;
	v40 =	vmul.f32 $1.000000000e+01, v23;
	v14 =	vld [tilespmem:s19+$0xA0];
	[tilespmem:s18+$0x6520] =	vst v10;
	v42 =	vmul.f32 $5.000000000e+00, v20  }
0xd3: {  	v52 =	vmul.f32 $1.000000000e+01, v22;
	v35 =	vld [tilespmem:s19+$0x30];
	[tilespmem:s18+$0x6430] =	vst v34;
	vm15 =	vge.f32 v13, $0.0e+00;
	v44 =	vtrunc.f32 v13  }
0xd4: {  	vm9 =	vlt.f32 v13, $2.000000000e+03;
	v21 =	vmul.f32 $1.000000000e+01, v21;
	v37 =	vld [tilespmem:s19+$0xB0];
	[tilespmem:s18+$0x64B0] =	vst v36;
	v5 =	vadd.f32 $5.000000000e+00, v42  }
0xd5: {  	v45 =	vcvt.f32.s32 v44;
	v54 =	vmul.f32 $1.000000000e+01, v19;
	v10 =	vld [tilespmem:s19+$0x40];
	[tilespmem:s18+$0x6530] =	vst v4;
	v4 =	vadd.f32 $5.000000000e+02, v40  }
0xd6: {  	v18 =	vmul.f32 $1.000000000e+01, v18;
	v19 =	vadd.f32 $5.000000000e+02, v21;
	vm11 =	vge.f32 v5, $0.0e+00  }
0xd7: {  	v47 =	vcvt.s32.f32 v45;
	vm12 =	vlt.f32 v5, $2.000000000e+01;
	v55 =	vmul.f32 $1.000000000e+01, v16  }
0xd8: {  	v58 =	vadd.f32 $5.000000000e+02, v54;
	v5 =	vtrunc.f32 v5;
	vm8 =	vge.f32 v4, $0.0e+00  }
0xd9: {  	vm10 =	vlt.f32 v4, $1.000000000e+03;
	v14 =	vmul.f32 $1.000000000e+01, v14;
	v18 =	vadd.f32 $5.000000000e+02, v18  }
0xda: {  	vm2 =	vge.f32 v19, $0.0e+00;
	v25 =	vtrunc.f32 v19;
	v4 =	vtrunc.f32 v4  }
0xdb: {  	v41 =	vld [tilespmem:s19+$0xC0];
	[tilespmem:s18+$0x6440] =	vst v38;
	v5 =	vcvt.f32.s32 v5;
	vm1 =	vmand vm15, vm8;
	v15 =	vmul.f32 $1.000000000e+01, v35  }
0xdc: {  	v43 =	vld [tilespmem:s19+$0x50];
	[tilespmem:s18+$0x64C0] =	vst v9;
	v61 =	vadd.f32 $5.000000000e+02, v55;
	vm3 =	vge.f32 v58, $0.0e+00;
	v27 =	vtrunc.f32 v58  }
0xdd: {  	v9 =	vld [tilespmem:s19+$0xD0];
	[tilespmem:s18+$0x6540] =	vst v24;
	v25 =	vcvt.f32.s32 v25;
	vm1 =	vmand vm1, vm9;
	v11 =	vmul.f32 $1.000000000e+01, v37  }
0xde: {  	v46 =	vld [tilespmem:s19+$0x60];
	[tilespmem:s18+$0x6450] =	vst v12;
	v63 =	vadd.f32 $5.000000000e+02, v14;
	vm4 =	vge.f32 v18, $0.0e+00;
	v27 =	vcvt.f32.s32 v27  }
0xdf: {  	vm1 =	vmand vm10, vm1;
	v48 =	vld [tilespmem:s19+$0xE0];
	[tilespmem:s18+$0x64D0] =	vst v8;
	v8 =	vadd.f32 $5.000000000e+02, v52;
	v57 =	vmul.f32 $1.000000000e+01, v10  }
0xe0: {  	v40 =	vadd.f32 $5.000000000e+02, v15;
	vm5 =	vge.f32 v61, $0.0e+00;
	v54 =	vtrunc.f32 v61  }
0xe1: {  	v38 =	vcvt.s32.f32 v25;
	vm1 =	vmand vm11, vm1;
	v59 =	vmul.f32 $1.000000000e+01, v41  }
0xe2: {  	v11 =	vadd.f32 $5.000000000e+02, v11;
	vm6 =	vge.f32 v63, $0.0e+00;
	v29 =	vtrunc.f32 v63  }
0xe3: {  	v10 =	vcvt.f32.s32 v54;
	vm1 =	vmand vm12, vm1;
	v20 =	vmul.f32 $1.000000000e+01, v43  }
0xe4: {  	vm0 =	vge.f32 v8, $0.0e+00;
	vm7 =	vge.f32 v40, $0.0e+00;
	vm6 =	vmand vm5, vm6  }
0xe5: {  	v52 =	vtrunc.f32 v8;
	vm5 =	vlt.f32 v8, $2.000000000e+03;
	v30 =	vtrunc.f32 v40  }
0xe6: {  	v50 =	vld [tilespmem:s19+$0x100];
	v49 =	vnsel vm1, $0xBF800000, v47;
	v62 =	vmul.f32 $1.000000000e+01, v9;
	v42 =	vadd.f32 $5.000000000e+02, v59  }
0xe7: {  	v53 =	vld [tilespmem:s19+$0x110];
	vm8 =	vge.f32 v11, $0.0e+00;
	vm15 =	vmand vm0, vm2;
	vm0 =	vmand vm3, vm4  }
0xe8: {  	v59 =	vcvt.f32.s32 v29;
	v41 =	vmul.f32 $1.000000000e+01, v46;
	v20 =	vadd.f32 $5.000000000e+02, v20  }
0xe9: {  	[tilespmem:s19+$0x6570] =	vst v49;
	vm3 =	vmand vm7, vm8;
	vm7 =	vmand vm15, vm5;
	v13 =	vmul.f32 $1.000000000e+01, v48  }
0xea: {  	[tilespmem:s18+$0x6550] =	vst v2;
	v45 =	vadd.f32 $5.000000000e+02, v62;
	vm10 =	vge.f32 v42, $0.0e+00;
	v32 =	vtrunc.f32 v42  }
0xeb: {  	v9 =	vcvt.s32.f32 v59;
	v56 =	vld [tilespmem:s19+$0x120];
	[tilespmem:s18+$0x6460] =	vst v7;
	v7 =	vadd.f32 $5.000000000e+02, v57;
	v12 =	vmul.f32 $5.000000000e+00, v50  }
0xec: {  	v44 =	vmul.f32 $5.000000000e+00, v53;
	v15 =	vadd.f32 $5.000000000e+02, v41;
	v53 =	vtrunc.f32 v18  }
0xed: {  	vm11 =	vge.f32 v20, $0.0e+00;
	v62 =	vcvt.f32.s32 v32;
	v41 =	vcvt.s32.f32 v27  }
0xee: {  	v13 =	vadd.f32 $5.000000000e+02, v13;
	vm12 =	vge.f32 v45, $0.0e+00;
	v34 =	vtrunc.f32 v45  }
0xef: {  	v8 =	vcvt.f32.s32 v53;
	v12 =	vadd.f32 $5.000000000e+00, v12;
	v47 =	vadd.f32 $5.000000000e+00, v44  }
0xf0: {  	vm9 =	vge.f32 v7, $0.0e+00;
	vm13 =	vge.f32 v15, $0.0e+00;
	vm8 =	vmand vm11, vm12  }
0xf1: {  	vm11 =	vlt.f32 v40, $2.000000000e+03;
	vm12 =	vlt.f32 v7, $2.000000000e+03;
	v7 =	vtrunc.f32 v7  }
0xf2: {  	v34 =	vcvt.f32.s32 v34;
	vm14 =	vge.f32 v13, $0.0e+00;
	vm4 =	vmand vm9, vm10  }
0xf3: {  	vm9 =	vlt.f32 v58, $2.000000000e+03;
	vm10 =	vlt.f32 v61, $2.000000000e+03;
	v36 =	vtrunc.f32 v13  }
0xf4: {  	vm3 =	vmand vm3, vm11;
	vm11 =	vlt.f32 v11, $1.000000000e+03;
	v7 =	vcvt.f32.s32 v7  }
0xf5: {  	v8 =	vcvt.s32.f32 v8;
	vm2 =	vmand vm13, vm14;
	v26 =	vtrunc.f32 v12  }
0xf6: {  	v28 =	vtrunc.f32 v47;
	vm13 =	vlt.f32 v20, $2.000000000e+03;
	v20 =	vtrunc.f32 v20  }
0xf7: {  	vm14 =	vlt.f32 v15, $2.000000000e+03;
	vm5 =	vmand vm0, vm9;
	v15 =	vtrunc.f32 v15  }
0xf8: {  	vm6 =	vmand vm6, vm10;
	vm9 =	vlt.f32 v19, $1.000000000e+03;
	vm4 =	vmand vm4, vm12  }
0xf9: {  	v60 =	vld [tilespmem:s19+$0x130];
	vm10 =	vlt.f32 v63, $1.000000000e+03;
	vm12 =	vlt.f32 v42, $1.000000000e+03;
	v37 =	vcvt.f32.s32 v36  }
0xfa: {  	v16 =	vmul.f32 $5.000000000e+00, v56;
	v56 =	vtrunc.f32 v11;
	vm0 =	vmand vm8, vm13  }
0xfb: {  	v26 =	vcvt.f32.s32 v26;
	vm8 =	vmand vm2, vm14;
	vm2 =	vlt.f32 v18, $1.000000000e+03  }
0xfc: {  	[tilespmem:s18+$0x64E0] =	vst v6;
	v58 =	vcvt.f32.s32 v28;
	vm13 =	vlt.f32 v45, $1.000000000e+03;
	vm14 =	vlt.f32 v13, $1.000000000e+03  }
0xfd: {  	v6 =	vld [tilespmem:s19+$0x140];
	vm9 =	vmand vm9, vm7;
	v15 =	vcvt.f32.s32 v15;
	vm10 =	vmand vm10, vm6  }
0xfe: {  	vm7 =	vmand vm11, vm3;
	vm3 =	vge.f32 v12, $0.0e+00;
	v21 =	vmul.f32 $5.000000000e+00, v60  }
0xff: {  	[tilespmem:s18+$0x6560] =	vst v51;
	vm11 =	vge.f32 v47, $0.0e+00;
	v60 =	vcvt.f32.s32 v30;
	v14 =	vcvt.f32.s32 v56  }
0x100: {  	v43 =	vld [tilespmem:s19+$0x150];
	vm15 =	vmand vm2, vm5;
	vm5 =	vmand vm12, vm4;
	vm2 =	vmand vm13, vm0  }
0x101: {  	[tilespmem:s18+$0x6470] =	vst v3;
	vm0 =	vmand vm14, vm8;
	vm3 =	vmand vm3, vm9;
	vm13 =	vlt.f32 v12, $2.000000000e+01  }
0x102: {  	v46 =	vld [tilespmem:s19+$0x160];
	v48 =	vmul.f32 $5.000000000e+00, v6;
	v16 =	vadd.f32 $5.000000000e+00, v16;
	v26 =	vcvt.s32.f32 v26  }
0x103: {  	vm11 =	vmand vm11, vm15;
	vm9 =	vmand vm13, vm3;
	vm13 =	vlt.f32 v47, $2.000000000e+01  }
0x104: {  	v18 =	vcvt.s32.f32 v58;
	v59 =	vcvt.s32.f32 v15;
	v49 =	vadd.f32 $5.000000000e+00, v21  }
0x105: {  	v0 =	vmul.f32 $5.000000000e+00, v43;
	v21 =	vcvt.f32.s32 v52;
	v12 =	vnsel vm9, $0xBF800000, v38  }
0x106: {  	vm11 =	vmand vm13, vm11;
	v43 =	vcvt.s32.f32 v10;
	v45 =	vcvt.s32.f32 v14  }
0x107: {  	v52 =	vcvt.s32.f32 v34;
	v3 =	vadd.f32 $5.000000000e+00, v48;
	v50 =	vmul.f32 $5.000000000e+00, v46  }
0x108: {  	v55 =	vtrunc.f32 v16;
	vm12 =	vge.f32 v16, $0.0e+00;
	v40 =	vnsel vm9, $0xBF800000, v26  }
0x109: {  	[tilespmem:s18+$0x64F0] =	vst v1;
	v18 =	vnsel vm11, $0xBF800000, v18;
	vm15 =	vlt.f32 v16, $2.000000000e+01;
	v8 =	vnsel vm11, $0xBF800000, v8  }
0x10a: {  	[tilespmem:s19+$0x6480] =	vst v12;
	v12 =	vnsel vm11, $0xBF800000, v41;
	v46 =	vcvt.s32.f32 v60;
	v48 =	vcvt.s32.f32 v62  }
0x10b: {  	v60 =	vcvt.s32.f32 v5;
	v51 =	vadd.f32 $5.000000000e+00, v0;
	v31 =	vtrunc.f32 v49  }
0x10c: {  	v23 =	vcvt.f32.s32 v55;
	vm8 =	vge.f32 v49, $0.0e+00;
	v39 =	vcvt.s32.f32 v21;
	[tilespmem:s19+$0x6400] =	vst v40  }
0x10d: {  	vm14 =	vmand vm12, vm10;
	[tilespmem:s19+$0x6410] =	vst v18;
	vm12 =	vlt.f32 v49, $2.000000000e+01;
	v0 =	vadd.f32 $5.000000000e+00, v50  }
0x10e: {  	[tilespmem:s19+$0x6490] =	vst v8;
	v33 =	vtrunc.f32 v3;
	v61 =	vcvt.f32.s32 v31;
	vm6 =	vge.f32 v3, $0.0e+00  }
0x10f: {  	[tilespmem:s19+$0x6510] =	vst v12;
	vm7 =	vmand vm8, vm7;
	v1 =	vnsel vm9, $0xBF800000, v39;
	vm9 =	vmand vm15, vm14  }
0x110: {  	vm13 =	vlt.f32 v3, $2.000000000e+01;
	v50 =	vcvt.s32.f32 v7;
	[tilespmem:s19+$0x6500] =	vst v1;
	v9 =	vnsel vm9, $0xBF800000, v9  }
0x111: {  	v42 =	vcvt.s32.f32 v23;
	vm7 =	vmand vm12, vm7;
	v8 =	vnsel vm9, $0xBF800000, v43;
	[tilespmem:s19+$0x64A0] =	vst v9  }
0x112: {  	v35 =	vtrunc.f32 v51;
	v63 =	vcvt.f32.s32 v33;
	v49 =	vnsel vm7, $0xBF800000, v46;
	[tilespmem:s19+$0x6520] =	vst v8  }
0x113: {  	v33 =	vcvt.f32.s32 v20;
	v44 =	vcvt.s32.f32 v61;
	v1 =	vnsel vm9, $0xBF800000, v42;
	[tilespmem:s19+$0x6530] =	vst v49  }
0x114: {  	vm4 =	vge.f32 v51, $0.0e+00;
	v47 =	vcvt.s32.f32 v63;
	v63 =	vnsel vm1, $0xBF800000, v60;
	[tilespmem:s19+$0x6420] =	vst v1  }
0x115: {  	vm14 =	vlt.f32 v51, $2.000000000e+01;
	vm2 =	vmand vm4, vm2;
	v6 =	vnsel vm7, $0xBF800000, v44;
	[tilespmem:s19+$0x6470] =	vst v63  }
0x116: {  	vm5 =	vmand vm6, vm5;
	vm2 =	vmand vm14, vm2;
	v1 =	vnsel vm7, $0xBF800000, v45;
	[tilespmem:s19+$0x6430] =	vst v6  }
0x117: {  	v57 =	vtrunc.f32 v0;
	vm5 =	vmand vm13, vm5;
	v55 =	vnsel vm2, $0xBF800000, v52;
	[tilespmem:s19+$0x64B0] =	vst v1  }
0x118: {  	v35 =	vcvt.f32.s32 v35;
	vm3 =	vge.f32 v0, $0.0e+00;
	v3 =	vnsel vm5, $0xBF800000, v47;
	[tilespmem:s19+$0x64D0] =	vst v55  }
0x119: {  	vm15 =	vlt.f32 v0, $2.000000000e+01;
	v53 =	vcvt.s32.f32 v33;
	v6 =	vnsel vm5, $0xBF800000, v48;
	[tilespmem:s19+$0x6440] =	vst v3  }
0x11a: {  	v19 =	vcvt.f32.s32 v57;
	vm0 =	vmand vm3, vm0;
	v1 =	vnsel vm5, $0xBF800000, v50;
	[tilespmem:s19+$0x64C0] =	vst v6  }
0x11b: {  	v51 =	vcvt.s32.f32 v35;
	vm0 =	vmand vm15, vm0;
	v57 =	vnsel vm2, $0xBF800000, v53;
	[tilespmem:s19+$0x6540] =	vst v1  }
0x11c: {  	v58 =	vcvt.f32.s32 v4;
	v54 =	vcvt.s32.f32 v19;
	v62 =	vnsel vm0, $0xBF800000, v59;
	[tilespmem:s19+$0x6550] =	vst v57  }
0x11d: {  	v56 =	vcvt.s32.f32 v37;
	v2 =	vnsel vm2, $0xBF800000, v51;
	[tilespmem:s19+$0x6560] =	vst v62  }
.Ltmp5:
0x11e: {  	v61 =	vcvt.s32.f32 v58;
	[tilespmem:s19+$0x6450] =	vst v2;
	v0 =	vnsel vm0, $0xBF800000, v54;
	(pc) =	sbr.rel @p1 .LBB2_8-.Ltmp5, $4  }
0x11f: {  	s17 =	smul.u32 $0x640, s17;
	v2 =	vnsel vm0, $0xBF800000, v56;
	[tilespmem:s19+$0x6460] =	vst v0  }
0x120: {  	[tilespmem:s19+$0x64E0] =	vst v2;
	v0 =	vnsel vm1, $0xBF800000, v61  }
0x121: {  	s17 =	sadd.s32 s5, s17;
	[tilespmem:s19+$0x64F0] =	vst v0  }
0x122: {  	[hbm4b:s17+s3] =	stream.linear.scatter [tilespmem:s9], [sflag:$0x3], $0x3200, $0x38;
	[tilespmem:$0xC800] =	vst v63  }
0x123: {  	p1 =	sgt.u32 s16, $0x250  }
0x124: {  	s17 =	smul.u32 @!p1 $0x3200, s16;
	_ =	sdelay $0x1  }
0x125: {  	s17 =	sshrl.u32 @!p1 s17, $0x3  }
0x126: {  	s17 =	sadd.s32 @!p1 s2, s17  }
0x127: {  	s18 =	simm.s32 @!p1 $0x0;
	s17 =	sadd.s32 @!p1 $0xC800, s17  }
0x128: {  	[tilespmem:s18], [sflag:$0x1] =	stream.linear.gather @!p1 [hbm4b:s17+s18], $0x3200, $0x38;
	[tilespmem:$0xC800] =	vst v63  }
0x129: {  	_ =	swait.ge [sflag:s10], $0x3200  }
0x12a: {  	[sflag:s10] =	ssyncset.done $0x0  }
0x12b: {  	s17 =	simm.s32 @!p0 $0x4;
	[sflag:s10] =	ssyncadd.s32 $0xFFFFCE00  }
0x12c: {  	_ =	swait.ge @!p0 [sflag:s17], $0x3200  }
0x12d: {  	[sflag:s17] =	ssyncset.done @!p0 $0x0  }
0x12e: {  	[sflag:s17] =	ssyncadd.s32 @!p0 $0xFFFFCE00;
	s17 =	simm.s32 $0x0  }
0x12f: {  	v0 =	vld [tilespmem:s17+$0x3270]  }
0x130: {  	v1 =	vld [tilespmem:s17+$0x32F0]  }
0x131: {  	v2 =	vld [tilespmem:s17+$0x3200]  }
0x132: {  	v3 =	vld [tilespmem:s17+$0x3370]  }
0x133: {  	v4 =	vld [tilespmem:s17+$0x3280]  }
0x134: {  	v5 =	vld [tilespmem:s17+$0x3210]  }
0x135: {  	v6 =	vld [tilespmem:s17+$0x3290]  }
0x136: {  	v7 =	vld [tilespmem:s17+$0x3220]  }
0x137: {  	v8 =	vld [tilespmem:s17+$0x32A0]  }
0x138: {  	v9 =	vld [tilespmem:s17+$0x3230]  }
0x139: {  	v10 =	vld [tilespmem:s17+$0x32B0]  }
0x13a: {  	v11 =	vld [tilespmem:s17+$0x3240];
	v0 =	vmul.f32 $1.000000000e+01, v0  }
0x13b: {  	v13 =	vld [tilespmem:s17+$0x3250];
	v1 =	vmul.f32 $1.000000000e+01, v1;
	v2 =	vmul.f32 $1.000000000e+01, v2  }
0x13c: {  	v14 =	vld [tilespmem:s17+$0x32D0];
	v3 =	vmul.f32 $5.000000000e+00, v3;
	v4 =	vmul.f32 $1.000000000e+01, v4  }
0x13d: {  	v15 =	vld [tilespmem:s17+$0x3260];
	v5 =	vmul.f32 $1.000000000e+01, v5;
	v6 =	vmul.f32 $1.000000000e+01, v6  }
0x13e: {  	v16 =	vld [tilespmem:s17+$0x32E0];
	v7 =	vmul.f32 $1.000000000e+01, v7;
	v8 =	vmul.f32 $1.000000000e+01, v8  }
0x13f: {  	v17 =	vld [tilespmem:s17+$0x3300];
	v9 =	vmul.f32 $1.000000000e+01, v9;
	v10 =	vmul.f32 $1.000000000e+01, v10  }
0x140: {  	v18 =	vld [tilespmem:s17+$0x3320];
	v11 =	vmul.f32 $1.000000000e+01, v11;
	v13 =	vmul.f32 $1.000000000e+01, v13  }
0x141: {  	v19 =	vld [tilespmem:s17+$0x3330];
	v14 =	vmul.f32 $1.000000000e+01, v14;
	v0 =	vadd.f32 $5.000000000e+02, v0;
	v1 =	vadd.f32 $5.000000000e+02, v1  }
0x142: {  	v20 =	vld [tilespmem:s17+$0x3340];
	v15 =	vmul.f32 $1.000000000e+01, v15;
	v2 =	vadd.f32 $5.000000000e+02, v2;
	v3 =	vadd.f32 $5.000000000e+00, v3  }
0x143: {  	v21 =	vld [tilespmem:s17+$0x3350];
	v16 =	vmul.f32 $1.000000000e+01, v16;
	v4 =	vadd.f32 $5.000000000e+02, v4;
	v5 =	vadd.f32 $5.000000000e+02, v5  }
0x144: {  	v22 =	vld [tilespmem:s17+$0x3360];
	v17 =	vmul.f32 $5.000000000e+00, v17;
	v6 =	vadd.f32 $5.000000000e+02, v6;
	v7 =	vadd.f32 $5.000000000e+02, v7  }
0x145: {  	v18 =	vmul.f32 $5.000000000e+00, v18;
	v8 =	vadd.f32 $5.000000000e+02, v8;
	v9 =	vadd.f32 $5.000000000e+02, v9  }
0x146: {  	v19 =	vmul.f32 $5.000000000e+00, v19;
	v10 =	vadd.f32 $5.000000000e+02, v10;
	v11 =	vadd.f32 $5.000000000e+02, v11  }
0x147: {  	v20 =	vmul.f32 $5.000000000e+00, v20;
	v13 =	vadd.f32 $5.000000000e+02, v13;
	v14 =	vadd.f32 $5.000000000e+02, v14  }
0x148: {  	v21 =	vmul.f32 $5.000000000e+00, v21;
	v15 =	vadd.f32 $5.000000000e+02, v15;
	v17 =	vadd.f32 $5.000000000e+00, v17  }
0x149: {  	v22 =	vmul.f32 $5.000000000e+00, v22;
	v16 =	vadd.f32 $5.000000000e+02, v16;
	v18 =	vadd.f32 $5.000000000e+00, v18  }
0x14a: {  	v19 =	vadd.f32 $5.000000000e+00, v19;
	v20 =	vadd.f32 $5.000000000e+00, v20  }
0x14b: {  	v21 =	vadd.f32 $5.000000000e+00, v21;
	v22 =	vadd.f32 $5.000000000e+00, v22  }
0x14c: {  	vm0 =	vge.f32 v0, $0.0e+00;
	vm1 =	vge.f32 v1, $0.0e+00;
	v12 =	vtrunc.f32 v0  }
0x14d: {  	vm2 =	vlt.f32 v0, $2.000000000e+03;
	vm3 =	vge.f32 v5, $0.0e+00;
	vm4 =	vge.f32 v6, $0.0e+00  }
0x14e: {  	vm5 =	vge.f32 v7, $0.0e+00;
	vm6 =	vge.f32 v8, $0.0e+00;
	vm8 =	vge.f32 v9, $0.0e+00  }
0x14f: {  	vm9 =	vge.f32 v10, $0.0e+00;
	v23 =	vtrunc.f32 v2;
	v24 =	vtrunc.f32 v4  }
0x150: {  	vm10 =	vge.f32 v11, $0.0e+00;
	v25 =	vtrunc.f32 v17;
	v26 =	vtrunc.f32 v6  }
0x151: {  	vm12 =	vge.f32 v13, $0.0e+00;
	v28 =	vtrunc.f32 v8;
	v29 =	vtrunc.f32 v9  }
0x152: {  	vm13 =	vge.f32 v14, $0.0e+00;
	v30 =	vtrunc.f32 v19;
	v32 =	vtrunc.f32 v20  }
0x153: {  	vm14 =	vge.f32 v15, $0.0e+00;
	v33 =	vtrunc.f32 v14;
	v34 =	vtrunc.f32 v21  }
0x154: {  	v35 =	vtrunc.f32 v16;
	v36 =	vtrunc.f32 v22;
	vm0 =	vmand vm0, vm1  }
0x155: {  	v12 =	vcvt.f32.s32 v12;
	vm1 =	vlt.f32 v1, $1.000000000e+03;
	vm8 =	vmand vm8, vm9  }
0x156: {  	vm9 =	vmand vm12, vm13;
	vm12 =	vlt.f32 v11, $2.000000000e+03;
	v11 =	vtrunc.f32 v11  }
0x157: {  	vm13 =	vlt.f32 v13, $2.000000000e+03;
	v13 =	vtrunc.f32 v13;
	v1 =	vtrunc.f32 v1  }
0x158: {  	vm15 =	vge.f32 v16, $0.0e+00;
	v23 =	vcvt.f32.s32 v23;
	v24 =	vcvt.f32.s32 v24  }
0x159: {  	vm7 =	vmand vm5, vm6;
	v25 =	vcvt.f32.s32 v25;
	v53 =	vcvt.f32.s32 v29  }
0x15a: {  	vm5 =	vlt.f32 v2, $2.000000000e+03;
	v56 =	vcvt.f32.s32 v32;
	v58 =	vcvt.f32.s32 v33  }
0x15b: {  	vm6 =	vlt.f32 v5, $2.000000000e+03;
	v59 =	vcvt.f32.s32 v34;
	v61 =	vcvt.f32.s32 v35  }
0x15c: {  	v0 =	vld [tilespmem:s17+$0x32C0];
	v62 =	vcvt.f32.s32 v36;
	vm0 =	vmand vm0, vm2;
	v54 =	vcvt.f32.s32 v11  }
0x15d: {  	vm2 =	vge.f32 v4, $0.0e+00;
	v57 =	vcvt.f32.s32 v13;
	v63 =	vcvt.f32.s32 v1  }
0x15e: {  	vm0 =	vmand vm1, vm0;
	v12 =	vcvt.s32.f32 v12;
	v23 =	vcvt.s32.f32 v23  }
0x15f: {  	vm1 =	vge.f32 v3, $0.0e+00;
	v24 =	vcvt.s32.f32 v24;
	v25 =	vcvt.s32.f32 v25  }
0x160: {  	v13 =	vcvt.s32.f32 v56;
	vm0 =	vmand vm1, vm0;
	vm1 =	vlt.f32 v3, $2.000000000e+01  }
0x161: {  	v3 =	vtrunc.f32 v3;
	vm0 =	vmand vm1, vm0;
	v0 =	vmul.f32 $1.000000000e+01, v0  }
0x162: {  	vm1 =	vge.f32 v2, $0.0e+00;
	v2 =	vtrunc.f32 v5;
	v5 =	vtrunc.f32 v7  }
0x163: {  	v3 =	vcvt.f32.s32 v3;
	vm1 =	vmand vm1, vm2;
	vm2 =	vmand vm3, vm4  }
0x164: {  	vm4 =	vmand vm14, vm15;
	vm14 =	vlt.f32 v15, $2.000000000e+03;
	v15 =	vtrunc.f32 v15  }
0x165: {  	v12 =	vnsel vm0, $0xBF800000, v12;
	v2 =	vcvt.f32.s32 v2;
	v5 =	vcvt.f32.s32 v5  }
0x166: {  	vm15 =	vge.f32 v22, $0.0e+00;
	v0 =	vadd.f32 $5.000000000e+02, v0;
	vm5 =	vmand vm1, vm5  }
0x167: {  	vm6 =	vmand vm2, vm6;
	vm1 =	vmand vm9, vm13;
	vm9 =	vlt.f32 v6, $1.000000000e+03  }
0x168: {  	vm13 =	vlt.f32 v14, $1.000000000e+03;
	v60 =	vcvt.f32.s32 v15;
	v3 =	vcvt.s32.f32 v3  }
0x169: {  	v37 =	vcvt.s32.f32 v2;
	v2 =	vcvt.s32.f32 v57;
	vm11 =	vge.f32 v0, $0.0e+00  }
0x16a: {  	v31 =	vtrunc.f32 v0;
	v1 =	vcvt.s32.f32 v60;
	vm3 =	vmand vm10, vm11  }
0x16b: {  	vm10 =	vlt.f32 v7, $2.000000000e+03;
	v7 =	vtrunc.f32 v18;
	vm11 =	vlt.f32 v9, $2.000000000e+03  }
0x16c: {  	v9 =	vtrunc.f32 v10;
	v55 =	vcvt.f32.s32 v31;
	vm7 =	vmand vm7, vm10  }
0x16d: {  	[tilespmem:s17+$0x9770] =	vst v12;
	v12 =	vld [tilespmem:s17+$0x3310];
	vm8 =	vmand vm8, vm11;
	vm2 =	vmand vm3, vm12;
	vm3 =	vmand vm4, vm14  }
0x16e: {  	vm4 =	vlt.f32 v4, $1.000000000e+03;
	v4 =	vcvt.f32.s32 v26;
	vm10 =	vlt.f32 v8, $1.000000000e+03  }
0x16f: {  	v8 =	vcvt.f32.s32 v28;
	v7 =	vcvt.f32.s32 v7;
	vm11 =	vlt.f32 v10, $1.000000000e+03  }
0x170: {  	v9 =	vcvt.f32.s32 v9;
	vm12 =	vlt.f32 v0, $1.000000000e+03;
	v0 =	vcvt.f32.s32 v30  }
0x171: {  	vm14 =	vlt.f32 v16, $1.000000000e+03;
	v10 =	vcvt.s32.f32 v5;
	v5 =	vcvt.s32.f32 v54  }
0x172: {  	v12 =	vmul.f32 $5.000000000e+00, v12;
	vm4 =	vmand vm4, vm5;
	vm5 =	vmand vm9, vm6  }
0x173: {  	vm6 =	vmand vm10, vm7;
	vm7 =	vmand vm11, vm8;
	vm2 =	vmand vm12, vm2  }
0x174: {  	vm8 =	vmand vm13, vm1;
	vm9 =	vmand vm14, vm3;
	vm1 =	vge.f32 v17, $0.0e+00  }
0x175: {  	vm10 =	vge.f32 v18, $0.0e+00;
	vm11 =	vge.f32 v19, $0.0e+00;
	vm12 =	vge.f32 v20, $0.0e+00  }
0x176: {  	vm13 =	vge.f32 v21, $0.0e+00;
	vm14 =	vmand vm1, vm4;
	vm4 =	vmand vm10, vm6  }
0x177: {  	vm1 =	vmand vm12, vm2;
	vm2 =	vmand vm13, vm8;
	vm6 =	vmand vm15, vm9  }
0x178: {  	v38 =	vcvt.s32.f32 v4;
	vm9 =	vlt.f32 v18, $2.000000000e+01;
	v14 =	vcvt.s32.f32 v8  }
0x179: {  	v16 =	vcvt.s32.f32 v7;
	vm10 =	vlt.f32 v19, $2.000000000e+01;
	v4 =	vcvt.s32.f32 v53  }
0x17a: {  	v11 =	vcvt.s32.f32 v9;
	v15 =	vcvt.s32.f32 v0;
	vm12 =	vlt.f32 v21, $2.000000000e+01  }
0x17b: {  	v9 =	vcvt.s32.f32 v55;
	v8 =	vcvt.s32.f32 v58;
	v12 =	vadd.f32 $5.000000000e+00, v12  }
0x17c: {  	vm13 =	vlt.f32 v22, $2.000000000e+01;
	v7 =	vcvt.s32.f32 v62;
	v0 =	vcvt.s32.f32 v63  }
0x17d: {  	v27 =	vtrunc.f32 v12;
	vm3 =	vge.f32 v12, $0.0e+00;
	vm8 =	vlt.f32 v12, $2.000000000e+01  }
0x17e: {  	v12 =	vcvt.s32.f32 v59;
	v6 =	vcvt.f32.s32 v27;
	vm5 =	vmand vm3, vm5  }
0x17f: {  	vm3 =	vmand vm11, vm7;
	vm7 =	vlt.f32 v17, $2.000000000e+01;
	vm11 =	vlt.f32 v20, $2.000000000e+01  }
0x180: {  	vm7 =	vmand vm7, vm14;
	vm8 =	vmand vm8, vm5;
	vm5 =	vmand vm9, vm4  }
0x181: {  	vm4 =	vmand vm10, vm3;
	vm1 =	vmand vm11, vm1;
	vm3 =	vmand vm12, vm2  }
0x182: {  	vm2 =	vmand vm13, vm6;
	v39 =	vcvt.s32.f32 v6;
	v6 =	vcvt.s32.f32 v61  }
0x183: {  	s18 =	simm.s32 $0x200;
	v18 =	vnsel vm7, $0xBF800000, v25;
	v22 =	vnsel vm7, $0xBF800000, v24;
	v20 =	vnsel vm7, $0xBF800000, v23  }
0x184: {  	s19 =	simm.s32 $0x1000;
	v17 =	vld [tilespmem:s18+$0x3270];
	v19 =	vnsel vm8, $0xBF800000, v38;
	[tilespmem:s17+$0x9600] =	vst v18;
	v18 =	vnsel vm8, $0xBF800000, v37;
	v21 =	vnsel vm8, $0xBF800000, v39  }
.LBB2_6:
0x185: {  	p0 =	sne.s32 s19, $0xC000;
	v23 =	vld [tilespmem:s18+$0x32F0];
	[tilespmem:s17+$0x9680] =	vst v22;
	v16 =	vnsel vm5, $0xBF800000, v16;
	v14 =	vnsel vm5, $0xBF800000, v14;
	v10 =	vnsel vm5, $0xBF800000, v10  }
0x186: {  	v15 =	vnsel vm4, $0xBF800000, v15;
	v11 =	vnsel vm4, $0xBF800000, v11;
	v4 =	vnsel vm4, $0xBF800000, v4;
	v22 =	vld [tilespmem:s18+$0x3200];
	[tilespmem:s17+$0x9700] =	vst v20  }
0x187: {  	v13 =	vnsel vm1, $0xBF800000, v13;
	v9 =	vnsel vm1, $0xBF800000, v9;
	v5 =	vnsel vm1, $0xBF800000, v5;
	v20 =	vld [tilespmem:s18+$0x3370];
	[tilespmem:s17+$0x9610] =	vst v21  }
0x188: {  	v12 =	vnsel vm3, $0xBF800000, v12;
	v8 =	vnsel vm3, $0xBF800000, v8;
	v2 =	vnsel vm3, $0xBF800000, v2;
	v21 =	vld [tilespmem:s18+$0x3280];
	[tilespmem:s17+$0x9690] =	vst v19  }
0x189: {  	v7 =	vnsel vm2, $0xBF800000, v7;
	v6 =	vnsel vm2, $0xBF800000, v6;
	v19 =	vld [tilespmem:s18+$0x3210];
	[tilespmem:s17+$0x9710] =	vst v18;
	v18 =	vnsel vm2, $0xBF800000, v1  }
0x18a: {  	v3 =	vnsel vm0, $0xBF800000, v3;
	v1 =	vmul.f32 $1.000000000e+01, v17;
	v24 =	vld [tilespmem:s18+$0x3290];
	v17 =	vmul.f32 $1.000000000e+01, v23;
	[tilespmem:s17+$0x9620] =	vst v16  }
0x18b: {  	v16 =	vmul.f32 $1.000000000e+01, v22;
	v22 =	vld [tilespmem:s18+$0x3220];
	[tilespmem:s17+$0x96A0] =	vst v14;
	v14 =	vnsel vm0, $0xBF800000, v0  }
0x18c: {  	v25 =	vadd.f32 $5.000000000e+02, v1;
	v23 =	vld [tilespmem:s18+$0x32A0];
	v0 =	vadd.f32 $5.000000000e+02, v17;
	v1 =	vmul.f32 $5.000000000e+00, v20;
	[tilespmem:s17+$0x9720] =	vst v10  }
0x18d: {  	v10 =	vadd.f32 $5.000000000e+02, v16;
	v16 =	vmul.f32 $1.000000000e+01, v21;
	v17 =	vld [tilespmem:s18+$0x3230];
	[tilespmem:s17+$0x9630] =	vst v15  }
0x18e: {  	vm0 =	vge.f32 v25, $0.0e+00;
	v15 =	vld [tilespmem:s18+$0x32B0];
	v1 =	vadd.f32 $5.000000000e+00, v1;
	vm1 =	vge.f32 v0, $0.0e+00;
	[tilespmem:s17+$0x96B0] =	vst v11  }
0x18f: {  	v20 =	vtrunc.f32 v25;
	vm2 =	vlt.f32 v25, $2.000000000e+03;
	v11 =	vld [tilespmem:s18+$0x3240];
	vm0 =	vmand vm0, vm1;
	[tilespmem:s17+$0x9730] =	vst v4  }
0x190: {  	v20 =	vcvt.f32.s32 v20;
	vm1 =	vlt.f32 v0, $1.000000000e+03;
	v4 =	vld [tilespmem:s18+$0x32C0];
	vm0 =	vmand vm0, vm2;
	[tilespmem:s17+$0x9640] =	vst v13  }
0x191: {  	v13 =	vmul.f32 $1.000000000e+01, v19;
	v19 =	vld [tilespmem:s18+$0x3250];
	vm0 =	vmand vm1, vm0;
	vm1 =	vge.f32 v1, $0.0e+00;
	[tilespmem:s17+$0x96C0] =	vst v9  }
0x192: {  	v9 =	vcvt.s32.f32 v20;
	v21 =	vld [tilespmem:s18+$0x32D0];
	vm0 =	vmand vm1, vm0;
	vm1 =	vlt.f32 v1, $2.000000000e+01;
	[tilespmem:s17+$0x9740] =	vst v5  }
0x193: {  	v20 =	vmul.f32 $1.000000000e+01, v22;
	v5 =	vmul.f32 $1.000000000e+01, v24;
	v22 =	vld [tilespmem:s18+$0x3260];
	vm0 =	vmand vm1, vm0;
	[tilespmem:s17+$0x9650] =	vst v12  }
0x194: {  	v17 =	vmul.f32 $1.000000000e+01, v17;
	v12 =	vmul.f32 $1.000000000e+01, v23;
	v23 =	vld [tilespmem:s18+$0x32E0];
	v24 =	vnsel vm0, $0xBF800000, v9;
	[tilespmem:s17+$0x96D0] =	vst v8  }
0x195: {  	v15 =	vmul.f32 $1.000000000e+01, v15;
	v9 =	vadd.f32 $5.000000000e+02, v16;
	v16 =	vmul.f32 $1.000000000e+01, v11;
	v8 =	vld [tilespmem:s18+$0x3300];
	[tilespmem:s18+$0x9770] =	vst v24  }
0x196: {  	v25 =	vadd.f32 $5.000000000e+02, v13;
	v4 =	vmul.f32 $1.000000000e+01, v4;
	v24 =	vld [tilespmem:s18+$0x3310];
	v19 =	vmul.f32 $1.000000000e+01, v19;
	[tilespmem:s17+$0x9750] =	vst v2  }
0x197: {  	v20 =	vadd.f32 $5.000000000e+02, v20;
	v11 =	vadd.f32 $5.000000000e+02, v5;
	v5 =	vld [tilespmem:s18+$0x3320];
	v2 =	vmul.f32 $1.000000000e+01, v21;
	[tilespmem:s17+$0x9660] =	vst v7  }
0x198: {  	v17 =	vadd.f32 $5.000000000e+02, v17;
	v12 =	vadd.f32 $5.000000000e+02, v12;
	v7 =	vld [tilespmem:s18+$0x3330];
	v21 =	vmul.f32 $1.000000000e+01, v22;
	[tilespmem:s17+$0x96E0] =	vst v6  }
0x199: {  	v13 =	vadd.f32 $5.000000000e+02, v15;
	v15 =	vadd.f32 $5.000000000e+02, v16;
	v6 =	vld [tilespmem:s18+$0x3340];
	v16 =	vmul.f32 $1.000000000e+01, v23;
	[tilespmem:s17+$0x9760] =	vst v18  }
0x19a: {  	v19 =	vadd.f32 $5.000000000e+02, v19;
	v18 =	vadd.f32 $5.000000000e+02, v4;
	v8 =	vmul.f32 $5.000000000e+00, v8;
	v22 =	vld [tilespmem:s18+$0x3350];
	[tilespmem:s17+$0x9670] =	vst v3  }
0x19b: {  	v23 =	vadd.f32 $5.000000000e+02, v2;
	v21 =	vadd.f32 $5.000000000e+02, v21;
	v3 =	vmul.f32 $5.000000000e+00, v24;
	v24 =	vld [tilespmem:s18+$0x3360];
	[tilespmem:s17+$0x96F0] =	vst v14;
	s17 =	smov.u32 s18  }
0x19c: {  	v14 =	vadd.f32 $5.000000000e+02, v16;
	v2 =	vadd.f32 $5.000000000e+00, v8;
	v4 =	vmul.f32 $5.000000000e+00, v5  }
0x19d: {  	vm1 =	vge.f32 v10, $0.0e+00;
	v3 =	vadd.f32 $5.000000000e+00, v3;
	v5 =	vmul.f32 $5.000000000e+00, v7  }
0x19e: {  	vm2 =	vge.f32 v9, $0.0e+00;
	v4 =	vadd.f32 $5.000000000e+00, v4;
	v6 =	vmul.f32 $5.000000000e+00, v6  }
0x19f: {  	vm4 =	vge.f32 v25, $0.0e+00;
	v5 =	vadd.f32 $5.000000000e+00, v5;
	v7 =	vmul.f32 $5.000000000e+00, v22  }
0x1a0: {  	vm5 =	vge.f32 v11, $0.0e+00;
	v6 =	vadd.f32 $5.000000000e+00, v6;
	v8 =	vmul.f32 $5.000000000e+00, v24  }
0x1a1: {  	vm6 =	vge.f32 v20, $0.0e+00;
	vm7 =	vge.f32 v12, $0.0e+00;
	v7 =	vadd.f32 $5.000000000e+00, v7  }
0x1a2: {  	vm8 =	vge.f32 v17, $0.0e+00;
	vm9 =	vge.f32 v13, $0.0e+00;
	v8 =	vadd.f32 $5.000000000e+00, v8  }
0x1a3: {  	vm10 =	vge.f32 v15, $0.0e+00;
	vm12 =	vge.f32 v19, $0.0e+00;
	vm11 =	vge.f32 v18, $0.0e+00  }
0x1a4: {  	vm13 =	vge.f32 v23, $0.0e+00;
	vm14 =	vge.f32 v21, $0.0e+00;
	vm15 =	vge.f32 v14, $0.0e+00  }
0x1a5: {  	vm3 =	vmand vm1, vm2;
	vm4 =	vmand vm4, vm5;
	vm5 =	vmand vm6, vm7  }
0x1a6: {  	vm1 =	vmand vm8, vm9;
	vm7 =	vmand vm10, vm11;
	vm2 =	vmand vm12, vm13  }
0x1a7: {  	v16 =	vtrunc.f32 v10;
	vm8 =	vmand vm14, vm15;
	v22 =	vtrunc.f32 v9  }
0x1a8: {  	vm6 =	vlt.f32 v10, $2.000000000e+03;
	v10 =	vtrunc.f32 v25;
	v24 =	vtrunc.f32 v2  }
0x1a9: {  	v26 =	vtrunc.f32 v11;
	vm9 =	vlt.f32 v25, $2.000000000e+03;
	v27 =	vtrunc.f32 v3  }
0x1aa: {  	v28 =	vtrunc.f32 v12;
	v25 =	vtrunc.f32 v20;
	vm10 =	vlt.f32 v20, $2.000000000e+03  }
0x1ab: {  	v29 =	vtrunc.f32 v17;
	vm11 =	vlt.f32 v17, $2.000000000e+03;
	v20 =	vtrunc.f32 v4  }
0x1ac: {  	v17 =	vtrunc.f32 v13;
	vm12 =	vlt.f32 v15, $2.000000000e+03;
	v30 =	vtrunc.f32 v5  }
0x1ad: {  	v31 =	vtrunc.f32 v18;
	v15 =	vtrunc.f32 v15;
	vm13 =	vlt.f32 v19, $2.000000000e+03  }
0x1ae: {  	v19 =	vtrunc.f32 v19;
	vm14 =	vlt.f32 v21, $2.000000000e+03;
	v32 =	vtrunc.f32 v6  }
0x1af: {  	vm3 =	vmand vm3, vm6;
	v33 =	vtrunc.f32 v23;
	v34 =	vtrunc.f32 v7  }
0x1b0: {  	vm4 =	vmand vm4, vm9;
	v35 =	vtrunc.f32 v14;
	v21 =	vtrunc.f32 v21  }
0x1b1: {  	v0 =	vtrunc.f32 v0;
	vm5 =	vmand vm5, vm10;
	v36 =	vtrunc.f32 v8  }
0x1b2: {  	v1 =	vtrunc.f32 v1;
	vm6 =	vmand vm1, vm11;
	vm1 =	vmand vm7, vm12  }
0x1b3: {  	v16 =	vcvt.f32.s32 v16;
	vm2 =	vmand vm2, vm13;
	vm7 =	vmand vm8, vm14  }
0x1b4: {  	vm8 =	vlt.f32 v9, $1.000000000e+03;
	v22 =	vcvt.f32.s32 v22;
	v24 =	vcvt.f32.s32 v24  }
0x1b5: {  	vm9 =	vlt.f32 v11, $1.000000000e+03;
	v9 =	vcvt.f32.s32 v10;
	v10 =	vcvt.f32.s32 v26  }
0x1b6: {  	v25 =	vcvt.f32.s32 v25;
	vm10 =	vlt.f32 v12, $1.000000000e+03;
	v11 =	vcvt.f32.s32 v27  }
0x1b7: {  	v12 =	vcvt.f32.s32 v28;
	vm11 =	vlt.f32 v13, $1.000000000e+03;
	v20 =	vcvt.f32.s32 v20  }
0x1b8: {  	v13 =	vcvt.f32.s32 v29;
	v17 =	vcvt.f32.s32 v17;
	vm12 =	vlt.f32 v18, $1.000000000e+03  }
0x1b9: {  	vm13 =	vlt.f32 v23, $1.000000000e+03;
	v26 =	vcvt.f32.s32 v15;
	v18 =	vcvt.f32.s32 v30  }
0x1ba: {  	v23 =	vcvt.f32.s32 v31;
	vm14 =	vlt.f32 v14, $1.000000000e+03;
	v27 =	vcvt.f32.s32 v32  }
0x1bb: {  	v19 =	vcvt.f32.s32 v19;
	v28 =	vcvt.f32.s32 v33;
	vm3 =	vmand vm8, vm3  }
0x1bc: {  	vm4 =	vmand vm9, vm4;
	v21 =	vcvt.f32.s32 v21;
	v29 =	vcvt.f32.s32 v34  }
0x1bd: {  	vm8 =	vmand vm10, vm5;
	v30 =	vcvt.f32.s32 v35;
	v31 =	vcvt.f32.s32 v36  }
0x1be: {  	v0 =	vcvt.f32.s32 v0;
	vm6 =	vmand vm11, vm6;
	v32 =	vcvt.f32.s32 v1  }
0x1bf: {  	vm1 =	vmand vm12, vm1;
	vm2 =	vmand vm13, vm2;
	vm9 =	vmand vm14, vm7  }
0x1c0: {  	vm5 =	vge.f32 v2, $0.0e+00;
	vm10 =	vge.f32 v3, $0.0e+00;
	vm11 =	vge.f32 v4, $0.0e+00  }
0x1c1: {  	vm12 =	vge.f32 v5, $0.0e+00;
	vm13 =	vge.f32 v6, $0.0e+00;
	vm14 =	vge.f32 v7, $0.0e+00  }
0x1c2: {  	vm7 =	vmand vm5, vm3;
	vm5 =	vmand vm10, vm4;
	vm10 =	vge.f32 v8, $0.0e+00  }
0x1c3: {  	vm4 =	vmand vm11, vm8;
	vm3 =	vmand vm12, vm6;
	vm1 =	vmand vm13, vm1  }
0x1c4: {  	v33 =	vcvt.s32.f32 v16;
	vm2 =	vmand vm14, vm2;
	vm6 =	vmand vm10, vm9  }
0x1c5: {  	vm8 =	vlt.f32 v2, $2.000000000e+01;
	v22 =	vcvt.s32.f32 v22;
	v24 =	vcvt.s32.f32 v24  }
0x1c6: {  	v35 =	vcvt.s32.f32 v10;
	v34 =	vcvt.s32.f32 v9;
	vm9 =	vlt.f32 v3, $2.000000000e+01  }
0x1c7: {  	v10 =	vcvt.s32.f32 v25;
	v36 =	vcvt.s32.f32 v11;
	vm10 =	vlt.f32 v4, $2.000000000e+01  }
0x1c8: {  	v14 =	vcvt.s32.f32 v12;
	vm11 =	vlt.f32 v5, $2.000000000e+01;
	v16 =	vcvt.s32.f32 v20  }
0x1c9: {  	vm12 =	vlt.f32 v6, $2.000000000e+01;
	v4 =	vcvt.s32.f32 v13;
	v11 =	vcvt.s32.f32 v17  }
0x1ca: {  	v5 =	vcvt.s32.f32 v26;
	vm13 =	vlt.f32 v7, $2.000000000e+01;
	v15 =	vcvt.s32.f32 v18  }
0x1cb: {  	v9 =	vcvt.s32.f32 v23;
	vm14 =	vlt.f32 v8, $2.000000000e+01;
	v13 =	vcvt.s32.f32 v27  }
0x1cc: {  	v2 =	vcvt.s32.f32 v19;
	vm7 =	vmand vm8, vm7;
	v8 =	vcvt.s32.f32 v28  }
0x1cd: {  	v1 =	vcvt.s32.f32 v21;
	vm8 =	vmand vm9, vm5;
	v12 =	vcvt.s32.f32 v29  }
.Ltmp6:
0x1ce: {  	v6 =	vcvt.s32.f32 v30;
	vm5 =	vmand vm10, vm4;
	v7 =	vcvt.s32.f32 v31;
	(pc) =	sbr.rel @p0 .LBB2_6-.Ltmp6, $4  }
0x1cf: {  	v0 =	vcvt.s32.f32 v0;
	v3 =	vcvt.s32.f32 v32;
	vm4 =	vmand vm11, vm3  }
0x1d0: {  	vm1 =	vmand vm12, vm1;
	vm3 =	vmand vm13, vm2;
	vm2 =	vmand vm14, vm6  }
0x1d1: {  	s18 =	sshra.s32 s19, $0x2;
	v20 =	vnsel vm7, $0xBF800000, v33;
	v22 =	vnsel vm7, $0xBF800000, v22;
	v18 =	vnsel vm7, $0xBF800000, v24  }
0x1d2: {  	s19 =	sadd.s32 $0x800, s19;
	v21 =	vnsel vm8, $0xBF800000, v36;
	v19 =	vnsel vm8, $0xBF800000, v35;
	v17 =	vld [tilespmem:s18+$0x3270];
	[tilespmem:s17+$0x9600] =	vst v18;
	v18 =	vnsel vm8, $0xBF800000, v34  }
0x1d3: {  	v23 =	vld [tilespmem:s18+$0x32F0];
	[tilespmem:s17+$0x9680] =	vst v22  }
0x1d4: {  	v16 =	vnsel vm5, $0xBF800000, v16;
	v14 =	vnsel vm5, $0xBF800000, v14;
	v10 =	vnsel vm5, $0xBF800000, v10;
	v22 =	vld [tilespmem:s18+$0x3200];
	[tilespmem:s17+$0x9700] =	vst v20  }
0x1d5: {  	v34 =	vnsel vm4, $0xBF800000, v15;
	v36 =	vnsel vm4, $0xBF800000, v11;
	v4 =	vnsel vm4, $0xBF800000, v4;
	v20 =	vld [tilespmem:s18+$0x3370];
	[tilespmem:s17+$0x9610] =	vst v21  }
0x1d6: {  	v38 =	vnsel vm1, $0xBF800000, v13;
	v9 =	vnsel vm1, $0xBF800000, v9;
	v24 =	vnsel vm1, $0xBF800000, v5;
	v21 =	vld [tilespmem:s18+$0x3280];
	[tilespmem:s17+$0x9690] =	vst v19  }
0x1d7: {  	v12 =	vnsel vm3, $0xBF800000, v12;
	v8 =	vnsel vm3, $0xBF800000, v8;
	v19 =	vld [tilespmem:s18+$0x3210];
	[tilespmem:s17+$0x9710] =	vst v18;
	v39 =	vmul.f32 $1.000000000e+01, v17  }
0x1d8: {  	v2 =	vnsel vm3, $0xBF800000, v2;
	v7 =	vnsel vm2, $0xBF800000, v7;
	v6 =	vnsel vm2, $0xBF800000, v6;
	v18 =	vld [tilespmem:s18+$0x3290];
	[tilespmem:s17+$0x9620] =	vst v16  }
0x1d9: {  	v51 =	vnsel vm2, $0xBF800000, v1;
	v3 =	vnsel vm0, $0xBF800000, v3;
	v16 =	vld [tilespmem:s18+$0x3220];
	[tilespmem:s17+$0x96A0] =	vst v14;
	v13 =	vadd.f32 $5.000000000e+02, v39  }
0x1da: {  	v1 =	vnsel vm0, $0xBF800000, v0;
	v40 =	vmul.f32 $1.000000000e+01, v23;
	v14 =	vld [tilespmem:s18+$0x32A0];
	[tilespmem:s17+$0x9720] =	vst v10;
	v42 =	vmul.f32 $5.000000000e+00, v20  }
0x1db: {  	v52 =	vmul.f32 $1.000000000e+01, v22;
	v35 =	vld [tilespmem:s18+$0x3230];
	[tilespmem:s17+$0x9630] =	vst v34;
	vm15 =	vge.f32 v13, $0.0e+00;
	v44 =	vtrunc.f32 v13  }
0x1dc: {  	vm9 =	vlt.f32 v13, $2.000000000e+03;
	v21 =	vmul.f32 $1.000000000e+01, v21;
	v37 =	vld [tilespmem:s18+$0x32B0];
	[tilespmem:s17+$0x96B0] =	vst v36;
	v5 =	vadd.f32 $5.000000000e+00, v42  }
0x1dd: {  	v45 =	vcvt.f32.s32 v44;
	v54 =	vmul.f32 $1.000000000e+01, v19;
	v10 =	vld [tilespmem:s18+$0x3240];
	[tilespmem:s17+$0x9730] =	vst v4;
	v4 =	vadd.f32 $5.000000000e+02, v40  }
0x1de: {  	v18 =	vmul.f32 $1.000000000e+01, v18;
	v19 =	vadd.f32 $5.000000000e+02, v21;
	vm11 =	vge.f32 v5, $0.0e+00  }
0x1df: {  	v47 =	vcvt.s32.f32 v45;
	vm12 =	vlt.f32 v5, $2.000000000e+01;
	v55 =	vmul.f32 $1.000000000e+01, v16  }
0x1e0: {  	v58 =	vadd.f32 $5.000000000e+02, v54;
	v5 =	vtrunc.f32 v5;
	vm8 =	vge.f32 v4, $0.0e+00  }
0x1e1: {  	vm10 =	vlt.f32 v4, $1.000000000e+03;
	v14 =	vmul.f32 $1.000000000e+01, v14;
	v18 =	vadd.f32 $5.000000000e+02, v18  }
0x1e2: {  	vm2 =	vge.f32 v19, $0.0e+00;
	v25 =	vtrunc.f32 v19;
	v4 =	vtrunc.f32 v4  }
0x1e3: {  	v41 =	vld [tilespmem:s18+$0x32C0];
	[tilespmem:s17+$0x9640] =	vst v38;
	v5 =	vcvt.f32.s32 v5;
	vm1 =	vmand vm15, vm8;
	v15 =	vmul.f32 $1.000000000e+01, v35  }
0x1e4: {  	v43 =	vld [tilespmem:s18+$0x3250];
	[tilespmem:s17+$0x96C0] =	vst v9;
	v61 =	vadd.f32 $5.000000000e+02, v55;
	vm3 =	vge.f32 v58, $0.0e+00;
	v27 =	vtrunc.f32 v58  }
0x1e5: {  	v9 =	vld [tilespmem:s18+$0x32D0];
	[tilespmem:s17+$0x9740] =	vst v24;
	v25 =	vcvt.f32.s32 v25;
	vm1 =	vmand vm1, vm9;
	v11 =	vmul.f32 $1.000000000e+01, v37  }
0x1e6: {  	v46 =	vld [tilespmem:s18+$0x3260];
	[tilespmem:s17+$0x9650] =	vst v12;
	v63 =	vadd.f32 $5.000000000e+02, v14;
	vm4 =	vge.f32 v18, $0.0e+00;
	v27 =	vcvt.f32.s32 v27  }
0x1e7: {  	vm1 =	vmand vm10, vm1;
	v48 =	vld [tilespmem:s18+$0x32E0];
	[tilespmem:s17+$0x96D0] =	vst v8;
	v8 =	vadd.f32 $5.000000000e+02, v52;
	v57 =	vmul.f32 $1.000000000e+01, v10  }
0x1e8: {  	v40 =	vadd.f32 $5.000000000e+02, v15;
	vm5 =	vge.f32 v61, $0.0e+00;
	v54 =	vtrunc.f32 v61  }
0x1e9: {  	v38 =	vcvt.s32.f32 v25;
	vm1 =	vmand vm11, vm1;
	v59 =	vmul.f32 $1.000000000e+01, v41  }
0x1ea: {  	v11 =	vadd.f32 $5.000000000e+02, v11;
	vm6 =	vge.f32 v63, $0.0e+00;
	v29 =	vtrunc.f32 v63  }
0x1eb: {  	v10 =	vcvt.f32.s32 v54;
	vm1 =	vmand vm12, vm1;
	v20 =	vmul.f32 $1.000000000e+01, v43  }
0x1ec: {  	vm0 =	vge.f32 v8, $0.0e+00;
	vm7 =	vge.f32 v40, $0.0e+00;
	vm6 =	vmand vm5, vm6  }
0x1ed: {  	v52 =	vtrunc.f32 v8;
	vm5 =	vlt.f32 v8, $2.000000000e+03;
	v30 =	vtrunc.f32 v40  }
0x1ee: {  	v50 =	vld [tilespmem:s18+$0x3300];
	v49 =	vnsel vm1, $0xBF800000, v47;
	v62 =	vmul.f32 $1.000000000e+01, v9;
	v42 =	vadd.f32 $5.000000000e+02, v59  }
0x1ef: {  	v53 =	vld [tilespmem:s18+$0x3310];
	vm8 =	vge.f32 v11, $0.0e+00;
	vm15 =	vmand vm0, vm2;
	vm0 =	vmand vm3, vm4  }
0x1f0: {  	v59 =	vcvt.f32.s32 v29;
	v41 =	vmul.f32 $1.000000000e+01, v46;
	v20 =	vadd.f32 $5.000000000e+02, v20  }
0x1f1: {  	[tilespmem:s18+$0x9770] =	vst v49;
	vm3 =	vmand vm7, vm8;
	vm7 =	vmand vm15, vm5;
	v13 =	vmul.f32 $1.000000000e+01, v48  }
0x1f2: {  	[tilespmem:s17+$0x9750] =	vst v2;
	v45 =	vadd.f32 $5.000000000e+02, v62;
	vm10 =	vge.f32 v42, $0.0e+00;
	v32 =	vtrunc.f32 v42  }
0x1f3: {  	v9 =	vcvt.s32.f32 v59;
	v56 =	vld [tilespmem:s18+$0x3320];
	[tilespmem:s17+$0x9660] =	vst v7;
	v7 =	vadd.f32 $5.000000000e+02, v57;
	v12 =	vmul.f32 $5.000000000e+00, v50  }
0x1f4: {  	v44 =	vmul.f32 $5.000000000e+00, v53;
	v15 =	vadd.f32 $5.000000000e+02, v41;
	v53 =	vtrunc.f32 v18  }
0x1f5: {  	vm11 =	vge.f32 v20, $0.0e+00;
	v62 =	vcvt.f32.s32 v32;
	v41 =	vcvt.s32.f32 v27  }
0x1f6: {  	v13 =	vadd.f32 $5.000000000e+02, v13;
	vm12 =	vge.f32 v45, $0.0e+00;
	v34 =	vtrunc.f32 v45  }
0x1f7: {  	v8 =	vcvt.f32.s32 v53;
	v12 =	vadd.f32 $5.000000000e+00, v12;
	v47 =	vadd.f32 $5.000000000e+00, v44  }
0x1f8: {  	vm9 =	vge.f32 v7, $0.0e+00;
	vm13 =	vge.f32 v15, $0.0e+00;
	vm8 =	vmand vm11, vm12  }
0x1f9: {  	vm11 =	vlt.f32 v40, $2.000000000e+03;
	vm12 =	vlt.f32 v7, $2.000000000e+03;
	v7 =	vtrunc.f32 v7  }
0x1fa: {  	v34 =	vcvt.f32.s32 v34;
	vm14 =	vge.f32 v13, $0.0e+00;
	vm4 =	vmand vm9, vm10  }
0x1fb: {  	vm9 =	vlt.f32 v58, $2.000000000e+03;
	vm10 =	vlt.f32 v61, $2.000000000e+03;
	v36 =	vtrunc.f32 v13  }
0x1fc: {  	vm3 =	vmand vm3, vm11;
	vm11 =	vlt.f32 v11, $1.000000000e+03;
	v7 =	vcvt.f32.s32 v7  }
0x1fd: {  	v8 =	vcvt.s32.f32 v8;
	vm2 =	vmand vm13, vm14;
	v26 =	vtrunc.f32 v12  }
0x1fe: {  	v28 =	vtrunc.f32 v47;
	vm13 =	vlt.f32 v20, $2.000000000e+03;
	v20 =	vtrunc.f32 v20  }
0x1ff: {  	vm14 =	vlt.f32 v15, $2.000000000e+03;
	vm5 =	vmand vm0, vm9;
	v15 =	vtrunc.f32 v15  }
0x200: {  	vm6 =	vmand vm6, vm10;
	vm9 =	vlt.f32 v19, $1.000000000e+03;
	vm4 =	vmand vm4, vm12  }
0x201: {  	v60 =	vld [tilespmem:s18+$0x3330];
	vm10 =	vlt.f32 v63, $1.000000000e+03;
	vm12 =	vlt.f32 v42, $1.000000000e+03;
	v37 =	vcvt.f32.s32 v36  }
0x202: {  	v16 =	vmul.f32 $5.000000000e+00, v56;
	v56 =	vtrunc.f32 v11;
	vm0 =	vmand vm8, vm13  }
0x203: {  	v26 =	vcvt.f32.s32 v26;
	vm8 =	vmand vm2, vm14;
	vm2 =	vlt.f32 v18, $1.000000000e+03  }
0x204: {  	[tilespmem:s17+$0x96E0] =	vst v6;
	v58 =	vcvt.f32.s32 v28;
	vm13 =	vlt.f32 v45, $1.000000000e+03;
	vm14 =	vlt.f32 v13, $1.000000000e+03  }
0x205: {  	v6 =	vld [tilespmem:s18+$0x3340];
	vm9 =	vmand vm9, vm7;
	v15 =	vcvt.f32.s32 v15;
	vm10 =	vmand vm10, vm6  }
0x206: {  	vm7 =	vmand vm11, vm3;
	vm3 =	vge.f32 v12, $0.0e+00;
	v21 =	vmul.f32 $5.000000000e+00, v60  }
0x207: {  	[tilespmem:s17+$0x9760] =	vst v51;
	vm11 =	vge.f32 v47, $0.0e+00;
	v60 =	vcvt.f32.s32 v30;
	v14 =	vcvt.f32.s32 v56  }
0x208: {  	v43 =	vld [tilespmem:s18+$0x3350];
	vm15 =	vmand vm2, vm5;
	vm5 =	vmand vm12, vm4;
	vm2 =	vmand vm13, vm0  }
0x209: {  	[tilespmem:s17+$0x9670] =	vst v3;
	vm0 =	vmand vm14, vm8;
	vm3 =	vmand vm3, vm9;
	vm13 =	vlt.f32 v12, $2.000000000e+01  }
0x20a: {  	v46 =	vld [tilespmem:s18+$0x3360];
	v48 =	vmul.f32 $5.000000000e+00, v6;
	v16 =	vadd.f32 $5.000000000e+00, v16;
	v26 =	vcvt.s32.f32 v26  }
0x20b: {  	vm11 =	vmand vm11, vm15;
	vm9 =	vmand vm13, vm3;
	vm13 =	vlt.f32 v47, $2.000000000e+01  }
0x20c: {  	v18 =	vcvt.s32.f32 v58;
	v59 =	vcvt.s32.f32 v15;
	v49 =	vadd.f32 $5.000000000e+00, v21  }
0x20d: {  	v0 =	vmul.f32 $5.000000000e+00, v43;
	v21 =	vcvt.f32.s32 v52;
	v12 =	vnsel vm9, $0xBF800000, v38  }
0x20e: {  	vm11 =	vmand vm13, vm11;
	v43 =	vcvt.s32.f32 v10;
	v45 =	vcvt.s32.f32 v14  }
0x20f: {  	v52 =	vcvt.s32.f32 v34;
	v3 =	vadd.f32 $5.000000000e+00, v48;
	v50 =	vmul.f32 $5.000000000e+00, v46  }
0x210: {  	v55 =	vtrunc.f32 v16;
	vm12 =	vge.f32 v16, $0.0e+00;
	v40 =	vnsel vm9, $0xBF800000, v26  }
0x211: {  	[tilespmem:s17+$0x96F0] =	vst v1;
	v18 =	vnsel vm11, $0xBF800000, v18;
	vm15 =	vlt.f32 v16, $2.000000000e+01;
	v8 =	vnsel vm11, $0xBF800000, v8  }
0x212: {  	[tilespmem:s18+$0x9680] =	vst v12;
	v12 =	vnsel vm11, $0xBF800000, v41;
	v46 =	vcvt.s32.f32 v60;
	v48 =	vcvt.s32.f32 v62  }
0x213: {  	v60 =	vcvt.s32.f32 v5;
	v51 =	vadd.f32 $5.000000000e+00, v0;
	v31 =	vtrunc.f32 v49  }
0x214: {  	v23 =	vcvt.f32.s32 v55;
	vm8 =	vge.f32 v49, $0.0e+00;
	v39 =	vcvt.s32.f32 v21;
	[tilespmem:s18+$0x9600] =	vst v40  }
0x215: {  	vm14 =	vmand vm12, vm10;
	[tilespmem:s18+$0x9610] =	vst v18;
	vm12 =	vlt.f32 v49, $2.000000000e+01;
	v0 =	vadd.f32 $5.000000000e+00, v50  }
0x216: {  	[tilespmem:s18+$0x9690] =	vst v8;
	v33 =	vtrunc.f32 v3;
	v61 =	vcvt.f32.s32 v31;
	vm6 =	vge.f32 v3, $0.0e+00  }
0x217: {  	[tilespmem:s18+$0x9710] =	vst v12;
	vm7 =	vmand vm8, vm7;
	v1 =	vnsel vm9, $0xBF800000, v39;
	vm9 =	vmand vm15, vm14  }
0x218: {  	vm13 =	vlt.f32 v3, $2.000000000e+01;
	v50 =	vcvt.s32.f32 v7;
	[tilespmem:s18+$0x9700] =	vst v1;
	v9 =	vnsel vm9, $0xBF800000, v9  }
0x219: {  	v42 =	vcvt.s32.f32 v23;
	vm7 =	vmand vm12, vm7;
	v8 =	vnsel vm9, $0xBF800000, v43;
	[tilespmem:s18+$0x96A0] =	vst v9  }
0x21a: {  	v35 =	vtrunc.f32 v51;
	v63 =	vcvt.f32.s32 v33;
	v49 =	vnsel vm7, $0xBF800000, v46;
	[tilespmem:s18+$0x9720] =	vst v8  }
0x21b: {  	v33 =	vcvt.f32.s32 v20;
	v44 =	vcvt.s32.f32 v61;
	v1 =	vnsel vm9, $0xBF800000, v42;
	[tilespmem:s18+$0x9730] =	vst v49  }
0x21c: {  	vm4 =	vge.f32 v51, $0.0e+00;
	v47 =	vcvt.s32.f32 v63;
	v63 =	vnsel vm1, $0xBF800000, v60;
	[tilespmem:s18+$0x9620] =	vst v1  }
0x21d: {  	vm14 =	vlt.f32 v51, $2.000000000e+01;
	vm2 =	vmand vm4, vm2;
	v6 =	vnsel vm7, $0xBF800000, v44;
	[tilespmem:s18+$0x9670] =	vst v63  }
0x21e: {  	vm5 =	vmand vm6, vm5;
	vm2 =	vmand vm14, vm2;
	v1 =	vnsel vm7, $0xBF800000, v45;
	[tilespmem:s18+$0x9630] =	vst v6  }
0x21f: {  	v57 =	vtrunc.f32 v0;
	vm5 =	vmand vm13, vm5;
	v55 =	vnsel vm2, $0xBF800000, v52;
	[tilespmem:s18+$0x96B0] =	vst v1  }
0x220: {  	v35 =	vcvt.f32.s32 v35;
	vm3 =	vge.f32 v0, $0.0e+00;
	v3 =	vnsel vm5, $0xBF800000, v47;
	[tilespmem:s18+$0x96D0] =	vst v55  }
0x221: {  	vm15 =	vlt.f32 v0, $2.000000000e+01;
	v53 =	vcvt.s32.f32 v33;
	v6 =	vnsel vm5, $0xBF800000, v48;
	[tilespmem:s18+$0x9640] =	vst v3  }
0x222: {  	v19 =	vcvt.f32.s32 v57;
	vm0 =	vmand vm3, vm0;
	v1 =	vnsel vm5, $0xBF800000, v50;
	[tilespmem:s18+$0x96C0] =	vst v6  }
0x223: {  	v51 =	vcvt.s32.f32 v35;
	vm0 =	vmand vm15, vm0;
	v57 =	vnsel vm2, $0xBF800000, v53;
	[tilespmem:s18+$0x9740] =	vst v1  }
0x224: {  	v58 =	vcvt.f32.s32 v4;
	v54 =	vcvt.s32.f32 v19;
	v62 =	vnsel vm0, $0xBF800000, v59;
	[tilespmem:s18+$0x9750] =	vst v57  }
0x225: {  	v56 =	vcvt.s32.f32 v37;
	v2 =	vnsel vm2, $0xBF800000, v51;
	[tilespmem:s18+$0x9760] =	vst v62  }
.Ltmp7:
0x226: {  	v61 =	vcvt.s32.f32 v58;
	[tilespmem:s18+$0x9650] =	vst v2;
	v0 =	vnsel vm0, $0xBF800000, v54;
	(pc) =	sbr.rel .LBB2_8-.Ltmp7, $4  }
0x227: {  	s16 =	smul.u32 $0x640, s16;
	v2 =	vnsel vm0, $0xBF800000, v56;
	[tilespmem:s18+$0x9660] =	vst v0  }
0x228: {  	[tilespmem:s18+$0x96E0] =	vst v2;
	v0 =	vnsel vm1, $0xBF800000, v61  }
0x229: {  	s16 =	sadd.s32 s5, s16;
	[tilespmem:s18+$0x96F0] =	vst v0  }
0x22a: {  	[hbm4b:s16+s3] =	stream.linear.scatter [tilespmem:s11], [sflag:$0x4], $0x3200, $0x38;
	[tilespmem:$0xC800] =	vst v63  }
.LBB2_10:
0x22b: {  	_ =	sfence.sel $0x180000  }
0x22c: {  	[bflag:$0x0] =	sbarrier.arrive $0xFFFF  }
0x22d: {  	p0 =	sne.s32 s1, $0x0;
	_ =	strace $0x90000047  }
0x22e: {  	s0 =	sadd.s32 @!p0 $0x100000, s0;
	[bflag:$0x2] =	sbarrier.arrive $0xFFFF  }
0x22f: {  	[sflag:s0] =	ssyncadd.tile.s32 @!p0 $0x1;
	_ =	shalt  }
.Lfunc_end2:
_tile_overlayer_lowered:
.L_overlay_start_2:
0x230: {  	(tag) =	ssettag $0x2  }
0x231: {  	s0 =	rddreg [dreg:$0x0];
	s2 =	stileid.u32  }
0x232: {  	s1 =	rddreg [dreg:$0x1];
	p0 =	sne.s32 s2, $0x0  }
0x233: {  	s3 =	rddreg [dreg:$0x2];
	[bflag:$0x3] =	sbarrier.arrive $0xFFFF;
	s2 =	simm.s32 @!p0 $0x1C05  }
0x234: {  	[timem:s3], [sflag:s2] =	dma.local @!p0 [hbm:s0], s1  }
0x235: {  	s0 =	simm.s32 @!p0 $0x5  }
0x236: {  	_ =	swait.ge @!p0 [sflag:s0], s1  }
0x237: {  	s1 =	ssub.s32 @!p0 $0x0, s1;
	[sflag:s0] =	ssyncset.done @!p0 $0x0  }
0x238: {  	[sflag:s0] =	ssyncadd.s32 @!p0 s1  }
0x239: {  	[bflag:$0x3] =	sbarrier.arrive $0xFFFF  }
0x23a: {  	_ =	shalt  }

</sc_bundles>
